<compile_context>
chip_gen: v7x
topology: tpu7x:2x2x1
jax: 0.10.2.dev20260603
libtpu: 0.0.44.dev20260713+nightly
codegen_flags: <defaults>
</compile_context>

<pallas_src>
import functools

import jax
import jax.numpy as jnp
from jax import lax
from jax.experimental import pallas as pl
from jax.experimental.pallas import tpu as pltpu
from jax.experimental.pallas import tpu_sc as plsc

H = 128
NV = 10000
NE = 5000
NNZ = 320000
NC = 2
NS = 16
NW = NC * NS
PAIRS_PER_W = NNZ // NW

CH1 = 80
NCHUNK1 = -(-PAIRS_PER_W // CH1)
PADW = NCHUNK1 * CH1
PADTOT = float(NW * (PADW - PAIRS_PER_W))

CH2 = 80
NCHUNK2 = PAIRS_PER_W // CH2

NE_PAD = NS * 320
NV_PAD = NS * 640


def _mesh():
    return plsc.VectorSubcoreMesh(core_axis_name="c", subcore_axis_name="s",
                                  num_cores=NC, num_subcores=NS)


def _fill(ref, rows, cols, val):
    vec = jnp.full((16,), val, jnp.float32)

    def body(i, carry):
        for j in range(cols // 16):
            ref[i, pl.ds(j * 16, 16)] = vec
        return carry

    lax.fori_loop(0, rows, body, 0)


def _sc1_body(x_hbm, vert_hbm, edge_hbm,
              a_out, ce_out, cv_out,
              vidx_all, eidx_all, rows0, rows1, ones_v, cstage_v,
              a_sh, ce_sh, cv_sh, gsa, gsb, ssem):
    cid = lax.axis_index("c")
    sid = lax.axis_index("s")
    wid = sid * NC + cid

    idxv = pltpu.async_copy(vert_hbm.at[wid], vidx_all, gsa)
    idxe = pltpu.async_copy(edge_hbm.at[wid], eidx_all, gsb)
    _fill(rows0, CH1, H, 0.0)
    _fill(cstage_v, 640, 16, 0.0)
    _fill(ones_v, CH1, 16, 1.0)
    stripes = [(o, min(CH1, 320 - o)) for o in range(0, 320, CH1)]
    for off, n in stripes:
        pltpu.sync_copy(rows0.at[pl.ds(0, n)],
                        a_sh.at[pl.ds(sid * 320 + off, n)])
    pltpu.sync_copy(cstage_v.at[pl.ds(0, 320)], ce_sh.at[pl.ds(sid * 320, 320)])
    pltpu.sync_copy(cstage_v, cv_sh.at[pl.ds(sid * 640, 640)])
    idxv.wait()
    idxe.wait()
    plsc.subcore_barrier()

    pltpu.async_copy(x_hbm.at[vidx_all.at[0]], rows0, gsa)

    def scatter(i, rows):
        pltpu.async_copy(rows, a_sh.at[eidx_all.at[i]], ssem, add=True)
        pltpu.async_copy(ones_v, ce_sh.at[eidx_all.at[i]], ssem, add=True)
        pltpu.async_copy(ones_v, cv_sh.at[vidx_all.at[i]], ssem, add=True)
        pltpu.make_async_copy(rows, a_sh.at[eidx_all.at[i]], ssem).wait()
        pltpu.make_async_copy(ones_v, ce_sh.at[eidx_all.at[i]], ssem).wait()
        pltpu.make_async_copy(ones_v, cv_sh.at[vidx_all.at[i]], ssem).wait()

    def step(k, carry):
        i0 = 2 * k
        pltpu.async_copy(x_hbm.at[vidx_all.at[i0 + 1]], rows1, gsb)
        pltpu.make_async_copy(x_hbm.at[vidx_all.at[i0]], rows0, gsa).wait()
        scatter(i0, rows0)
        pltpu.async_copy(x_hbm.at[vidx_all.at[i0 + 2]], rows0, gsa)
        pltpu.make_async_copy(x_hbm.at[vidx_all.at[i0]], rows1, gsb).wait()
        scatter(i0 + 1, rows1)
        return carry

    lax.fori_loop(0, (NCHUNK1 - 1) // 2, step, 0)
    pltpu.make_async_copy(x_hbm.at[vidx_all.at[0]], rows0, gsa).wait()
    scatter(NCHUNK1 - 1, rows0)
    plsc.subcore_barrier()

    for off, n in stripes:
        pltpu.sync_copy(a_sh.at[pl.ds(sid * 320 + off, n)],
                        rows0.at[pl.ds(0, n)])
        pltpu.sync_copy(rows0.at[pl.ds(0, n)],
                        a_out.at[pl.ds(cid * NE_PAD + sid * 320 + off, n)])
    pltpu.sync_copy(ce_sh.at[pl.ds(sid * 320, 320)], cstage_v.at[pl.ds(0, 320)])
    pltpu.sync_copy(cstage_v.at[pl.ds(0, 320)],
                    ce_out.at[pl.ds(cid * NE_PAD + sid * 320, 320)])
    pltpu.sync_copy(cv_sh.at[pl.ds(sid * 640, 640)], cstage_v)
    pltpu.sync_copy(cstage_v,
                    cv_out.at[pl.ds(cid * NV_PAD + sid * 640, 640)])


@functools.cache
def _sc1():
  return pl.kernel(
    _sc1_body,
    out_type=(
        jax.ShapeDtypeStruct((NC * NE_PAD, H), jnp.float32),
        jax.ShapeDtypeStruct((NC * NE_PAD, 16), jnp.float32),
        jax.ShapeDtypeStruct((NC * NV_PAD, 16), jnp.float32),
    ),
    mesh=_mesh(),
    compiler_params=pltpu.CompilerParams(use_tc_tiling_on_sc=False),
    scratch_types=[
        pltpu.VMEM((NCHUNK1, CH1), jnp.int32),
        pltpu.VMEM((NCHUNK1, CH1), jnp.int32),
        pltpu.VMEM((CH1, H), jnp.float32),
        pltpu.VMEM((CH1, H), jnp.float32),
        pltpu.VMEM((CH1, 16), jnp.float32),
        pltpu.VMEM((640, 16), jnp.float32),
        pltpu.VMEM_SHARED((NE_PAD, H), jnp.float32),
        pltpu.VMEM_SHARED((NE_PAD, 16), jnp.float32),
        pltpu.VMEM_SHARED((NV_PAD, 16), jnp.float32),
        pltpu.SemaphoreType.DMA,
        pltpu.SemaphoreType.DMA,
        pltpu.SemaphoreType.DMA,
    ],
  )


def _sc2_body(e2_hbm, vert_hbm, edge_hbm,
              g_out,
              vidx_all, eidx_all, rows0, rows1,
              g_sh, gsa, gsb):
    cid = lax.axis_index("c")
    sid = lax.axis_index("s")
    wid = sid * NC + cid

    idxv = pltpu.async_copy(vert_hbm.at[wid], vidx_all, gsa)
    idxe = pltpu.async_copy(edge_hbm.at[wid], eidx_all, gsb)
    _fill(rows0, CH2, H, 0.0)
    for j in range(8):
        pltpu.sync_copy(rows0, g_sh.at[pl.ds(sid * 640 + j * CH2, CH2)])
    idxv.wait()
    idxe.wait()
    plsc.subcore_barrier()

    pltpu.async_copy(e2_hbm.at[eidx_all.at[0]], rows0, gsa)

    def step(k, carry):
        i0 = 2 * k
        pltpu.async_copy(e2_hbm.at[eidx_all.at[i0 + 1]], rows1, gsb)
        pltpu.make_async_copy(e2_hbm.at[eidx_all.at[i0]], rows0, gsa).wait()
        pltpu.sync_copy(rows0, g_sh.at[vidx_all.at[i0]], add=True)
        pltpu.async_copy(e2_hbm.at[eidx_all.at[i0 + 2]], rows0, gsa)
        pltpu.make_async_copy(e2_hbm.at[eidx_all.at[i0]], rows1, gsb).wait()
        pltpu.sync_copy(rows1, g_sh.at[vidx_all.at[i0 + 1]], add=True)
        return carry

    lax.fori_loop(0, (NCHUNK2 - 1) // 2, step, 0)
    pltpu.make_async_copy(e2_hbm.at[eidx_all.at[0]], rows0, gsa).wait()
    pltpu.sync_copy(rows0, g_sh.at[vidx_all.at[NCHUNK2 - 1]], add=True)
    plsc.subcore_barrier()

    for j in range(8):
        pltpu.sync_copy(g_sh.at[pl.ds(sid * 640 + j * CH2, CH2)], rows0)
        pltpu.sync_copy(rows0,
                        g_out.at[pl.ds(cid * NV_PAD + sid * 640 + j * CH2,
                                       CH2)])


@functools.cache
def _sc2():
  return pl.kernel(
    _sc2_body,
    out_type=jax.ShapeDtypeStruct((NC * NV_PAD, H), jnp.float32),
    mesh=_mesh(),
    compiler_params=pltpu.CompilerParams(use_tc_tiling_on_sc=False),
    scratch_types=[
        pltpu.VMEM((NCHUNK2, CH2), jnp.int32),
        pltpu.VMEM((NCHUNK2, CH2), jnp.int32),
        pltpu.VMEM((CH2, H), jnp.float32),
        pltpu.VMEM((CH2, H), jnp.float32),
        pltpu.VMEM_SHARED((NV_PAD, H), jnp.float32),
        pltpu.SemaphoreType.DMA,
        pltpu.SemaphoreType.DMA,
    ],
  )


def _dot(a, b):
    return jnp.dot(a, b, preferred_element_type=jnp.float32)


def _tc1_body(a_ref, ce_ref, e_ref, w1_ref, b1_ref, w2_ref, b2_ref, o_ref):
    a = a_ref[0] + a_ref[1]
    cnt = ce_ref[0, :, 0:1] + ce_ref[1, :, 0:1]
    ind = (cnt > 0.0).astype(jnp.float32)
    am = a / jnp.maximum(cnt, 1.0)
    e = e_ref[...]
    me = _dot(am, w1_ref[0:H]) + ind * (_dot(e, w1_ref[H:2 * H]) + b1_ref[...])
    o_ref[...] = _dot(e, w2_ref[0:H]) + _dot(me, w2_ref[H:2 * H]) + b2_ref[...]


def _tc2_body(x_ref, g_ref, cv_ref, w3_ref, b3_ref, w4_ref, b4_ref, o_ref):
    g = g_ref[0] + g_ref[1]
    cnt = cv_ref[0, :, 0:1] + cv_ref[1, :, 0:1]
    row = lax.broadcasted_iota(jnp.int32, cnt.shape, 0)
    first = (pl.program_id(0) == 0) & (row == 0)
    cnt = cnt - jnp.where(first, PADTOT, 0.0)
    ind = (cnt > 0.0).astype(jnp.float32)
    gm = g / jnp.maximum(cnt, 1.0)
    x = x_ref[...]
    mv = ind * (_dot(x, w3_ref[0:H]) + b3_ref[...]) + _dot(gm, w3_ref[H:2 * H])
    o_ref[...] = _dot(x, w4_ref[0:H]) + _dot(mv, w4_ref[H:2 * H]) + b4_ref[...]


def _full(shape):
    return pl.BlockSpec(shape, lambda i: (0,) * len(shape))


def _rows(R):
    return pl.BlockSpec((R, H), lambda i: (i, 0))


def _make_tc1():
    R = 1000
    return pl.pallas_call(
        _tc1_body,
        grid=(NE // R,),
        in_specs=[
            pl.BlockSpec((NC, R, H), lambda i: (0, i, 0)),
            pl.BlockSpec((NC, R, 16), lambda i: (0, i, 0)),
            _rows(R),
            _full((2 * H, H)),
            _full((1, H)),
            _full((2 * H, H)),
            _full((1, H)),
        ],
        out_specs=_rows(R),
        out_shape=jax.ShapeDtypeStruct((NE, H), jnp.float32),
    )


def _make_tc2():
    R = 2000
    return pl.pallas_call(
        _tc2_body,
        grid=(NV // R,),
        in_specs=[
            _rows(R),
            pl.BlockSpec((NC, R, H), lambda i: (0, i, 0)),
            pl.BlockSpec((NC, R, 16), lambda i: (0, i, 0)),
            _full((2 * H, H)),
            _full((1, H)),
            _full((2 * H, H)),
            _full((1, H)),
        ],
        out_specs=_rows(R),
        out_shape=jax.ShapeDtypeStruct((NV, H), jnp.float32),
    )


@jax.jit
def _run(X, E, vertex, edges, W1, b1, W2, b2, W3, b3, W4, b4):
    vertex = vertex.astype(jnp.int32).reshape(NW, PAIRS_PER_W)
    edges = edges.astype(jnp.int32).reshape(NW, PAIRS_PER_W)
    v_g = jnp.pad(vertex, ((0, 0), (0, PADW - PAIRS_PER_W))
                  ).reshape(NW, NCHUNK1, CH1)
    e_s = jnp.pad(edges, ((0, 0), (0, PADW - PAIRS_PER_W)),
                  constant_values=NE_PAD - 1).reshape(NW, NCHUNK1, CH1)
    v_2 = vertex.reshape(NW, NCHUNK2, CH2)
    e_2 = edges.reshape(NW, NCHUNK2, CH2)

    a_p, ce_p, cv_p = _sc1()(X, v_g, e_s)
    a_p = a_p.reshape(NC, NE_PAD, H)
    ce_p = ce_p.reshape(NC, NE_PAD, 16)
    cv_p = cv_p.reshape(NC, NV_PAD, 16)
    e2 = _make_tc1()(a_p, ce_p, E,
                     W1, b1.reshape(1, H), W2, b2.reshape(1, H))
    g_p = _sc2()(e2, v_2, e_2)
    g_p = g_p.reshape(NC, NV_PAD, H)
    x2 = _make_tc2()(X, g_p, cv_p,
                     W3, b3.reshape(1, H), W4, b4.reshape(1, H))
    return x2, e2


def kernel(X, E, vertex, edges, W1, b1, W2, b2, W3, b3, W4, b4):
    return _run(X, E, vertex, edges, W1, b1, W2, b2, W3, b3, W4, b4)

# --- scband reference (transcript-rebuilt; emitter-appended) ---
"""Pipeline reference for scband-fgfuconv-50946902065220 (READ-ONLY COPY).

The authoritative reference and input builder live on the scoring server;
editing this copy changes nothing except your own understanding.
"""

import jax, jax.numpy as jnp
import numpy as np

N = 10000
M = 5000
NNZ = 320000
H = 128


def setup_inputs(seed: int = 0) -> dict:
    key = jax.random.key(seed)
    ks = jax.random.split(key, 12)
    X = jax.random.normal(ks[0], (N, H), dtype=jnp.float32)
    E = jax.random.normal(ks[1], (M, H), dtype=jnp.float32)
    vertex = jax.random.randint(ks[2], (NNZ,), 0, N)
    edges = jax.random.randint(ks[3], (NNZ,), 0, M)
    s = 1.0 / np.sqrt(2 * H)
    W1 = jax.random.normal(ks[4], (2 * H, H), dtype=jnp.float32) * s
    b1 = jnp.zeros((H,), dtype=jnp.float32)
    W2 = jax.random.normal(ks[5], (2 * H, H), dtype=jnp.float32) * s
    b2 = jnp.zeros((H,), dtype=jnp.float32)
    W3 = jax.random.normal(ks[6], (2 * H, H), dtype=jnp.float32) * s
    b3 = jnp.zeros((H,), dtype=jnp.float32)
    W4 = jax.random.normal(ks[7], (2 * H, H), dtype=jnp.float32) * s
    b4 = jnp.zeros((H,), dtype=jnp.float32)
    return {"X": X, "E": E, "vertex": vertex, "edges": edges,
            "W1": W1, "b1": b1, "W2": W2, "b2": b2,
            "W3": W3, "b3": b3, "W4": W4, "b4": b4}


def _scatter_mean(vals, idx, num_segments):
    s = jax.ops.segment_sum(vals, idx, num_segments=num_segments)
    cnt = jax.ops.segment_sum(jnp.ones((idx.shape[0], 1), vals.dtype), idx, num_segments=num_segments)
    return s / jnp.clip(cnt, 1.0, None)


def reference(X, E, vertex, edges, W1, b1, W2, b2, W3, b3, W4, b4):
    # W1: message vertex->edge (1-layer MLP == Linear, dropout=0 eval, no norm)
    Mve = jnp.concatenate([X[vertex], E[edges]], axis=-1) @ W1 + b1
    # scatter mean over hyperedges
    Me = _scatter_mean(Mve, edges, M)
    # W2: hyperedge update
    E2 = jnp.concatenate([E, Me], axis=-1) @ W2 + b2
    # W3: message edge->vertex
    Mev = jnp.concatenate([X[vertex], E2[edges]], axis=-1) @ W3 + b3
    # scatter mean over vertices (dim_size=N)
    Mv = _scatter_mean(Mev, vertex, N)
    # W4: vertex update
    X2 = jnp.concatenate([X, Mv], axis=-1) @ W4 + b4
    return (X2, E2)

if __name__ == "__main__":
    import jax
    _d = setup_inputs()
    print(jax.jit(kernel)(*tuple(_d.values())))

</pallas_src>

<mosaic_0001>
#map = affine_map<(d0, d1) -> (0, 0)>
#map1 = affine_map<(d0, d1) -> (0, 0, 0)>
module attributes {stable_mosaic.version = 14 : i64} {
  func.func @_sc2_body(%arg0: i32, %arg1: i32, %arg2: memref<5000x128xf32, #tpu.memory_space<hbm>>, %arg3: memref<32x125x80xi32, #tpu.memory_space<hbm>>, %arg4: memref<32x125x80xi32, #tpu.memory_space<hbm>>, %arg5: memref<20480x128xf32, #tpu.memory_space<hbm>>, %arg6: memref<125x80xi32, #tpu.memory_space<vmem>>, %arg7: memref<125x80xi32, #tpu.memory_space<vmem>>, %arg8: memref<80x128xf32, #tpu.memory_space<vmem>>, %arg9: memref<80x128xf32, #tpu.memory_space<vmem>>, %arg10: memref<10240x128xf32, #tpu.memory_space<vmem_shared>>, %arg11: memref<!tpu.dma_semaphore, #tpu.memory_space<semaphore_mem>>, %arg12: memref<!tpu.dma_semaphore, #tpu.memory_space<semaphore_mem>>) attributes {dimension_semantics = [#tpu.dimension_semantics<core_parallel>, #tpu.dimension_semantics<subcore_parallel>], iteration_bounds = array<i64: 2, 16>, scalar_prefetch = 0 : i64, scratch_operands = 7 : i64, tpu.core_type = #tpu.core_type<sc_vector_subcore>, window_params = [{transform_indices = #map}, {transform_indices = #map1}, {transform_indices = #map1}, {transform_indices = #map}]} {
    %mul3A = arith.constant 2 : i32
    %mul3A_0 = arith.muli %arg1, %mul3A : i32
    %add3A = arith.addi %mul3A_0, %arg0 : i32
    %dma_start3A = arith.constant 0 : i32
    %dma_start3A_1 = arith.constant 0 : i32
    %dma_start3A_2 = tpu.memref_slice %arg3[%add3A, %dma_start3A, %dma_start3A_1] : memref<32x125x80xi32, #tpu.memory_space<hbm>> -> memref<1x125x80xi32, #tpu.memory_space<hbm>>
    %dma_start3A_3 = tpu.memref_squeeze %dma_start3A_2 : memref<1x125x80xi32, #tpu.memory_space<hbm>> -> memref<125x80xi32, #tpu.memory_space<hbm>>
    %dma_start3A_4 = arith.constant 0 : i32
    %dma_start3A_5 = arith.constant 0 : i32
    %dma_start3A_6 = tpu.memref_slice %arg3[%add3A, %dma_start3A_4, %dma_start3A_5] : memref<32x125x80xi32, #tpu.memory_space<hbm>> -> memref<1x125x80xi32, #tpu.memory_space<hbm>>
    %dma_start3A_7 = tpu.memref_squeeze %dma_start3A_6 : memref<1x125x80xi32, #tpu.memory_space<hbm>> -> memref<125x80xi32, #tpu.memory_space<hbm>>
    tpu.enqueue_dma source(%dma_start3A_7 : memref<125x80xi32, #tpu.memory_space<hbm>>) target(%arg6 : memref<125x80xi32, #tpu.memory_space<vmem>>) target_semaphore(%arg11 : memref<!tpu.dma_semaphore, #tpu.memory_space<semaphore_mem>>)
    %dma_start3A_8 = arith.constant 0 : i32
    %dma_start3A_9 = arith.constant 0 : i32
    %dma_start3A_10 = tpu.memref_slice %arg4[%add3A, %dma_start3A_8, %dma_start3A_9] : memref<32x125x80xi32, #tpu.memory_space<hbm>> -> memref<1x125x80xi32, #tpu.memory_space<hbm>>
    %dma_start3A_11 = tpu.memref_squeeze %dma_start3A_10 : memref<1x125x80xi32, #tpu.memory_space<hbm>> -> memref<125x80xi32, #tpu.memory_space<hbm>>
    %dma_start3A_12 = arith.constant 0 : i32
    %dma_start3A_13 = arith.constant 0 : i32
    %dma_start3A_14 = tpu.memref_slice %arg4[%add3A, %dma_start3A_12, %dma_start3A_13] : memref<32x125x80xi32, #tpu.memory_space<hbm>> -> memref<1x125x80xi32, #tpu.memory_space<hbm>>
    %dma_start3A_15 = tpu.memref_squeeze %dma_start3A_14 : memref<1x125x80xi32, #tpu.memory_space<hbm>> -> memref<125x80xi32, #tpu.memory_space<hbm>>
    tpu.enqueue_dma source(%dma_start3A_15 : memref<125x80xi32, #tpu.memory_space<hbm>>) target(%arg7 : memref<125x80xi32, #tpu.memory_space<vmem>>) target_semaphore(%arg12 : memref<!tpu.dma_semaphore, #tpu.memory_space<semaphore_mem>>)
    %broadcast_in_dim3A = arith.constant 0.000000e+00 : f32
    %broadcast_in_dim3A_16 = vector.broadcast %broadcast_in_dim3A : f32 to vector<16xf32>
    %scan3A = arith.constant 0 : i32
    %scan3A_17 = arith.constant 0 : i32
    %scan3A_18 = arith.constant 80 : i32
    %scan3A_19 = arith.addi %scan3A_17, %scan3A_18 : i32
    %scan3A_20 = arith.constant 1 : i32
    scf.for %scan3A_178 = %scan3A_17 to %scan3A_19 step %scan3A_20  : i32 {
      %swap3A = arith.index_cast %scan3A_178 : i32 to index
      %swap3A_179 = arith.constant 0 : index
      %swap3A_180 = tpu.vector_load %arg8[%swap3A, %swap3A_179] {strides = array<i32>} : memref<80x128xf32, #tpu.memory_space<vmem>>, vector<1x16xf32>,
      %swap3A_181 = vector.shape_cast %swap3A_180 : vector<1x16xf32> to vector<16xf32>
      %swap3A_182 = vector.shape_cast %broadcast_in_dim3A_16 : vector<16xf32> to vector<1x16xf32>
      tpu.vector_store %arg8[%swap3A, %swap3A_179], %swap3A_182 {strides = array<i32>} : memref<80x128xf32, #tpu.memory_space<vmem>>, vector<1x16xf32>,
      %swap3A_183 = arith.index_cast %scan3A_178 : i32 to index
      %swap3A_184 = arith.constant 16 : index
      %swap3A_185 = tpu.vector_load %arg8[%swap3A_183, %swap3A_184] {strides = array<i32>} : memref<80x128xf32, #tpu.memory_space<vmem>>, vector<1x16xf32>,
      %swap3A_186 = vector.shape_cast %swap3A_185 : vector<1x16xf32> to vector<16xf32>
      %swap3A_187 = vector.shape_cast %broadcast_in_dim3A_16 : vector<16xf32> to vector<1x16xf32>
      tpu.vector_store %arg8[%swap3A_183, %swap3A_184], %swap3A_187 {strides = array<i32>} : memref<80x128xf32, #tpu.memory_space<vmem>>, vector<1x16xf32>,
      %swap3A_188 = arith.index_cast %scan3A_178 : i32 to index
      %swap3A_189 = arith.constant 32 : index
      %swap3A_190 = tpu.vector_load %arg8[%swap3A_188, %swap3A_189] {strides = array<i32>} : memref<80x128xf32, #tpu.memory_space<vmem>>, vector<1x16xf32>,
      %swap3A_191 = vector.shape_cast %swap3A_190 : vector<1x16xf32> to vector<16xf32>
      %swap3A_192 = vector.shape_cast %broadcast_in_dim3A_16 : vector<16xf32> to vector<1x16xf32>
      tpu.vector_store %arg8[%swap3A_188, %swap3A_189], %swap3A_192 {strides = array<i32>} : memref<80x128xf32, #tpu.memory_space<vmem>>, vector<1x16xf32>,
      %swap3A_193 = arith.index_cast %scan3A_178 : i32 to index
      %swap3A_194 = arith.constant 48 : index
      %swap3A_195 = tpu.vector_load %arg8[%swap3A_193, %swap3A_194] {strides = array<i32>} : memref<80x128xf32, #tpu.memory_space<vmem>>, vector<1x16xf32>,
      %swap3A_196 = vector.shape_cast %swap3A_195 : vector<1x16xf32> to vector<16xf32>
      %swap3A_197 = vector.shape_cast %broadcast_in_dim3A_16 : vector<16xf32> to vector<1x16xf32>
      tpu.vector_store %arg8[%swap3A_193, %swap3A_194], %swap3A_197 {strides = array<i32>} : memref<80x128xf32, #tpu.memory_space<vmem>>, vector<1x16xf32>,
      %swap3A_198 = arith.index_cast %scan3A_178 : i32 to index
      %swap3A_199 = arith.constant 64 : index
      %swap3A_200 = tpu.vector_load %arg8[%swap3A_198, %swap3A_199] {strides = array<i32>} : memref<80x128xf32, #tpu.memory_space<vmem>>, vector<1x16xf32>,
      %swap3A_201 = vector.shape_cast %swap3A_200 : vector<1x16xf32> to vector<16xf32>
      %swap3A_202 = vector.shape_cast %broadcast_in_dim3A_16 : vector<16xf32> to vector<1x16xf32>
      tpu.vector_store %arg8[%swap3A_198, %swap3A_199], %swap3A_202 {strides = array<i32>} : memref<80x128xf32, #tpu.memory_space<vmem>>, vector<1x16xf32>,
      %swap3A_203 = arith.index_cast %scan3A_178 : i32 to index
      %swap3A_204 = arith.constant 80 : index
      %swap3A_205 = tpu.vector_load %arg8[%swap3A_203, %swap3A_204] {strides = array<i32>} : memref<80x128xf32, #tpu.memory_space<vmem>>, vector<1x16xf32>,
      %swap3A_206 = vector.shape_cast %swap3A_205 : vector<1x16xf32> to vector<16xf32>
      %swap3A_207 = vector.shape_cast %broadcast_in_dim3A_16 : vector<16xf32> to vector<1x16xf32>
      tpu.vector_store %arg8[%swap3A_203, %swap3A_204], %swap3A_207 {strides = array<i32>} : memref<80x128xf32, #tpu.memory_space<vmem>>, vector<1x16xf32>,
      %swap3A_208 = arith.index_cast %scan3A_178 : i32 to index
      %swap3A_209 = arith.constant 96 : index
      %swap3A_210 = tpu.vector_load %arg8[%swap3A_208, %swap3A_209] {strides = array<i32>} : memref<80x128xf32, #tpu.memory_space<vmem>>, vector<1x16xf32>,
      %swap3A_211 = vector.shape_cast %swap3A_210 : vector<1x16xf32> to vector<16xf32>
      %swap3A_212 = vector.shape_cast %broadcast_in_dim3A_16 : vector<16xf32> to vector<1x16xf32>
      tpu.vector_store %arg8[%swap3A_208, %swap3A_209], %swap3A_212 {strides = array<i32>} : memref<80x128xf32, #tpu.memory_space<vmem>>, vector<1x16xf32>,
      %swap3A_213 = arith.index_cast %scan3A_178 : i32 to index
      %swap3A_214 = arith.constant 112 : index
      %swap3A_215 = tpu.vector_load %arg8[%swap3A_213, %swap3A_214] {strides = array<i32>} : memref<80x128xf32, #tpu.memory_space<vmem>>, vector<1x16xf32>,
      %swap3A_216 = vector.shape_cast %swap3A_215 : vector<1x16xf32> to vector<16xf32>
      %swap3A_217 = vector.shape_cast %broadcast_in_dim3A_16 : vector<16xf32> to vector<1x16xf32>
      tpu.vector_store %arg8[%swap3A_213, %swap3A_214], %swap3A_217 {strides = array<i32>} : memref<80x128xf32, #tpu.memory_space<vmem>>, vector<1x16xf32>,
    }
    %scan3A_21 = arith.constant 80 : i32
    %mul3A_22 = arith.constant 640 : i32
    %mul3A_23 = arith.muli %arg1, %mul3A_22 : i32
    %add3A_24 = arith.constant 0 : i32
    %add3A_25 = arith.addi %mul3A_23, %add3A_24 : i32
    "tpu.region"() ({
      %run_scoped3A_178 = tpu.sem_alloc : memref<!tpu.dma_semaphore, #tpu.memory_space<semaphore_mem>>
      %dma_start3A_179 = arith.constant 0 : i32
      %dma_start3A_180 = tpu.memref_slice %arg10[%add3A_25, %dma_start3A_179] : memref<10240x128xf32, #tpu.memory_space<vmem_shared>> -> memref<80x128xf32, #tpu.memory_space<vmem_shared>>
      %dma_start3A_181 = arith.constant 0 : i32
      %dma_start3A_182 = tpu.memref_slice %arg10[%add3A_25, %dma_start3A_181] : memref<10240x128xf32, #tpu.memory_space<vmem_shared>> -> memref<80x128xf32, #tpu.memory_space<vmem_shared>>
      tpu.enqueue_dma source(%arg8 : memref<80x128xf32, #tpu.memory_space<vmem>>) target(%dma_start3A_182 : memref<80x128xf32, #tpu.memory_space<vmem_shared>>) target_semaphore(%run_scoped3A_178 : memref<!tpu.dma_semaphore, #tpu.memory_space<semaphore_mem>>)
      %dma_wait3A_183 = arith.constant 0 : i32
      %dma_wait3A_184 = tpu.memref_slice %arg10[%add3A_25, %dma_wait3A_183] : memref<10240x128xf32, #tpu.memory_space<vmem_shared>> -> memref<80x128xf32, #tpu.memory_space<vmem_shared>>
      %dma_wait3A_185 = arith.constant 0 : i32
      %dma_wait3A_186 = tpu.memref_slice %arg10[%add3A_25, %dma_wait3A_185] : memref<10240x128xf32, #tpu.memory_space<vmem_shared>> -> memref<80x128xf32, #tpu.memory_space<vmem_shared>>
      tpu.wait_dma2 semaphore(%run_scoped3A_178 : memref<!tpu.dma_semaphore, #tpu.memory_space<semaphore_mem>>) src(%arg8 : memref<80x128xf32, #tpu.memory_space<vmem>>) dst(%dma_wait3A_186 : memref<80x128xf32, #tpu.memory_space<vmem_shared>>)
      tpu.yield
    }) : () -> ()
    %mul3A_26 = arith.constant 640 : i32
    %mul3A_27 = arith.muli %arg1, %mul3A_26 : i32
    %add3A_28 = arith.constant 80 : i32
    %add3A_29 = arith.addi %mul3A_27, %add3A_28 : i32
    "tpu.region"() ({
      %run_scoped3A_178 = tpu.sem_alloc : memref<!tpu.dma_semaphore, #tpu.memory_space<semaphore_mem>>
      %dma_start3A_179 = arith.constant 0 : i32
      %dma_start3A_180 = tpu.memref_slice %arg10[%add3A_29, %dma_start3A_179] : memref<10240x128xf32, #tpu.memory_space<vmem_shared>> -> memref<80x128xf32, #tpu.memory_space<vmem_shared>>
      %dma_start3A_181 = arith.constant 0 : i32
      %dma_start3A_182 = tpu.memref_slice %arg10[%add3A_29, %dma_start3A_181] : memref<10240x128xf32, #tpu.memory_space<vmem_shared>> -> memref<80x128xf32, #tpu.memory_space<vmem_shared>>
      tpu.enqueue_dma source(%arg8 : memref<80x128xf32, #tpu.memory_space<vmem>>) target(%dma_start3A_182 : memref<80x128xf32, #tpu.memory_space<vmem_shared>>) target_semaphore(%run_scoped3A_178 : memref<!tpu.dma_semaphore, #tpu.memory_space<semaphore_mem>>)
      %dma_wait3A_183 = arith.constant 0 : i32
      %dma_wait3A_184 = tpu.memref_slice %arg10[%add3A_29, %dma_wait3A_183] : memref<10240x128xf32, #tpu.memory_space<vmem_shared>> -> memref<80x128xf32, #tpu.memory_space<vmem_shared>>
      %dma_wait3A_185 = arith.constant 0 : i32
      %dma_wait3A_186 = tpu.memref_slice %arg10[%add3A_29, %dma_wait3A_185] : memref<10240x128xf32, #tpu.memory_space<vmem_shared>> -> memref<80x128xf32, #tpu.memory_space<vmem_shared>>
      tpu.wait_dma2 semaphore(%run_scoped3A_178 : memref<!tpu.dma_semaphore, #tpu.memory_space<semaphore_mem>>) src(%arg8 : memref<80x128xf32, #tpu.memory_space<vmem>>) dst(%dma_wait3A_186 : memref<80x128xf32, #tpu.memory_space<vmem_shared>>)
      tpu.yield
    }) : () -> ()
    %mul3A_30 = arith.constant 640 : i32
    %mul3A_31 = arith.muli %arg1, %mul3A_30 : i32
    %add3A_32 = arith.constant 160 : i32
    %add3A_33 = arith.addi %mul3A_31, %add3A_32 : i32
    "tpu.region"() ({
      %run_scoped3A_178 = tpu.sem_alloc : memref<!tpu.dma_semaphore, #tpu.memory_space<semaphore_mem>>
      %dma_start3A_179 = arith.constant 0 : i32
      %dma_start3A_180 = tpu.memref_slice %arg10[%add3A_33, %dma_start3A_179] : memref<10240x128xf32, #tpu.memory_space<vmem_shared>> -> memref<80x128xf32, #tpu.memory_space<vmem_shared>>
      %dma_start3A_181 = arith.constant 0 : i32
      %dma_start3A_182 = tpu.memref_slice %arg10[%add3A_33, %dma_start3A_181] : memref<10240x128xf32, #tpu.memory_space<vmem_shared>> -> memref<80x128xf32, #tpu.memory_space<vmem_shared>>
      tpu.enqueue_dma source(%arg8 : memref<80x128xf32, #tpu.memory_space<vmem>>) target(%dma_start3A_182 : memref<80x128xf32, #tpu.memory_space<vmem_shared>>) target_semaphore(%run_scoped3A_178 : memref<!tpu.dma_semaphore, #tpu.memory_space<semaphore_mem>>)
      %dma_wait3A_183 = arith.constant 0 : i32
      %dma_wait3A_184 = tpu.memref_slice %arg10[%add3A_33, %dma_wait3A_183] : memref<10240x128xf32, #tpu.memory_space<vmem_shared>> -> memref<80x128xf32, #tpu.memory_space<vmem_shared>>
      %dma_wait3A_185 = arith.constant 0 : i32
      %dma_wait3A_186 = tpu.memref_slice %arg10[%add3A_33, %dma_wait3A_185] : memref<10240x128xf32, #tpu.memory_space<vmem_shared>> -> memref<80x128xf32, #tpu.memory_space<vmem_shared>>
      tpu.wait_dma2 semaphore(%run_scoped3A_178 : memref<!tpu.dma_semaphore, #tpu.memory_space<semaphore_mem>>) src(%arg8 : memref<80x128xf32, #tpu.memory_space<vmem>>) dst(%dma_wait3A_186 : memref<80x128xf32, #tpu.memory_space<vmem_shared>>)
      tpu.yield
    }) : () -> ()
    %mul3A_34 = arith.constant 640 : i32
    %mul3A_35 = arith.muli %arg1, %mul3A_34 : i32
    %add3A_36 = arith.constant 240 : i32
    %add3A_37 = arith.addi %mul3A_35, %add3A_36 : i32
    "tpu.region"() ({
      %run_scoped3A_178 = tpu.sem_alloc : memref<!tpu.dma_semaphore, #tpu.memory_space<semaphore_mem>>
      %dma_start3A_179 = arith.constant 0 : i32
      %dma_start3A_180 = tpu.memref_slice %arg10[%add3A_37, %dma_start3A_179] : memref<10240x128xf32, #tpu.memory_space<vmem_shared>> -> memref<80x128xf32, #tpu.memory_space<vmem_shared>>
      %dma_start3A_181 = arith.constant 0 : i32
      %dma_start3A_182 = tpu.memref_slice %arg10[%add3A_37, %dma_start3A_181] : memref<10240x128xf32, #tpu.memory_space<vmem_shared>> -> memref<80x128xf32, #tpu.memory_space<vmem_shared>>
      tpu.enqueue_dma source(%arg8 : memref<80x128xf32, #tpu.memory_space<vmem>>) target(%dma_start3A_182 : memref<80x128xf32, #tpu.memory_space<vmem_shared>>) target_semaphore(%run_scoped3A_178 : memref<!tpu.dma_semaphore, #tpu.memory_space<semaphore_mem>>)
      %dma_wait3A_183 = arith.constant 0 : i32
      %dma_wait3A_184 = tpu.memref_slice %arg10[%add3A_37, %dma_wait3A_183] : memref<10240x128xf32, #tpu.memory_space<vmem_shared>> -> memref<80x128xf32, #tpu.memory_space<vmem_shared>>
      %dma_wait3A_185 = arith.constant 0 : i32
      %dma_wait3A_186 = tpu.memref_slice %arg10[%add3A_37, %dma_wait3A_185] : memref<10240x128xf32, #tpu.memory_space<vmem_shared>> -> memref<80x128xf32, #tpu.memory_space<vmem_shared>>
      tpu.wait_dma2 semaphore(%run_scoped3A_178 : memref<!tpu.dma_semaphore, #tpu.memory_space<semaphore_mem>>) src(%arg8 : memref<80x128xf32, #tpu.memory_space<vmem>>) dst(%dma_wait3A_186 : memref<80x128xf32, #tpu.memory_space<vmem_shared>>)
      tpu.yield
    }) : () -> ()
    %mul3A_38 = arith.constant 640 : i32
    %mul3A_39 = arith.muli %arg1, %mul3A_38 : i32
    %add3A_40 = arith.constant 320 : i32
    %add3A_41 = arith.addi %mul3A_39, %add3A_40 : i32
    "tpu.region"() ({
      %run_scoped3A_178 = tpu.sem_alloc : memref<!tpu.dma_semaphore, #tpu.memory_space<semaphore_mem>>
      %dma_start3A_179 = arith.constant 0 : i32
      %dma_start3A_180 = tpu.memref_slice %arg10[%add3A_41, %dma_start3A_179] : memref<10240x128xf32, #tpu.memory_space<vmem_shared>> -> memref<80x128xf32, #tpu.memory_space<vmem_shared>>
      %dma_start3A_181 = arith.constant 0 : i32
      %dma_start3A_182 = tpu.memref_slice %arg10[%add3A_41, %dma_start3A_181] : memref<10240x128xf32, #tpu.memory_space<vmem_shared>> -> memref<80x128xf32, #tpu.memory_space<vmem_shared>>
      tpu.enqueue_dma source(%arg8 : memref<80x128xf32, #tpu.memory_space<vmem>>) target(%dma_start3A_182 : memref<80x128xf32, #tpu.memory_space<vmem_shared>>) target_semaphore(%run_scoped3A_178 : memref<!tpu.dma_semaphore, #tpu.memory_space<semaphore_mem>>)
      %dma_wait3A_183 = arith.constant 0 : i32
      %dma_wait3A_184 = tpu.memref_slice %arg10[%add3A_41, %dma_wait3A_183] : memref<10240x128xf32, #tpu.memory_space<vmem_shared>> -> memref<80x128xf32, #tpu.memory_space<vmem_shared>>
      %dma_wait3A_185 = arith.constant 0 : i32
      %dma_wait3A_186 = tpu.memref_slice %arg10[%add3A_41, %dma_wait3A_185] : memref<10240x128xf32, #tpu.memory_space<vmem_shared>> -> memref<80x128xf32, #tpu.memory_space<vmem_shared>>
      tpu.wait_dma2 semaphore(%run_scoped3A_178 : memref<!tpu.dma_semaphore, #tpu.memory_space<semaphore_mem>>) src(%arg8 : memref<80x128xf32, #tpu.memory_space<vmem>>) dst(%dma_wait3A_186 : memref<80x128xf32, #tpu.memory_space<vmem_shared>>)
      tpu.yield
    }) : () -> ()
    %mul3A_42 = arith.constant 640 : i32
    %mul3A_43 = arith.muli %arg1, %mul3A_42 : i32
    %add3A_44 = arith.constant 400 : i32
    %add3A_45 = arith.addi %mul3A_43, %add3A_44 : i32
    "tpu.region"() ({
      %run_scoped3A_178 = tpu.sem_alloc : memref<!tpu.dma_semaphore, #tpu.memory_space<semaphore_mem>>
      %dma_start3A_179 = arith.constant 0 : i32
      %dma_start3A_180 = tpu.memref_slice %arg10[%add3A_45, %dma_start3A_179] : memref<10240x128xf32, #tpu.memory_space<vmem_shared>> -> memref<80x128xf32, #tpu.memory_space<vmem_shared>>
      %dma_start3A_181 = arith.constant 0 : i32
      %dma_start3A_182 = tpu.memref_slice %arg10[%add3A_45, %dma_start3A_181] : memref<10240x128xf32, #tpu.memory_space<vmem_shared>> -> memref<80x128xf32, #tpu.memory_space<vmem_shared>>
      tpu.enqueue_dma source(%arg8 : memref<80x128xf32, #tpu.memory_space<vmem>>) target(%dma_start3A_182 : memref<80x128xf32, #tpu.memory_space<vmem_shared>>) target_semaphore(%run_scoped3A_178 : memref<!tpu.dma_semaphore, #tpu.memory_space<semaphore_mem>>)
      %dma_wait3A_183 = arith.constant 0 : i32
      %dma_wait3A_184 = tpu.memref_slice %arg10[%add3A_45, %dma_wait3A_183] : memref<10240x128xf32, #tpu.memory_space<vmem_shared>> -> memref<80x128xf32, #tpu.memory_space<vmem_shared>>
      %dma_wait3A_185 = arith.constant 0 : i32
      %dma_wait3A_186 = tpu.memref_slice %arg10[%add3A_45, %dma_wait3A_185] : memref<10240x128xf32, #tpu.memory_space<vmem_shared>> -> memref<80x128xf32, #tpu.memory_space<vmem_shared>>
      tpu.wait_dma2 semaphore(%run_scoped3A_178 : memref<!tpu.dma_semaphore, #tpu.memory_space<semaphore_mem>>) src(%arg8 : memref<80x128xf32, #tpu.memory_space<vmem>>) dst(%dma_wait3A_186 : memref<80x128xf32, #tpu.memory_space<vmem_shared>>)
      tpu.yield
    }) : () -> ()
    %mul3A_46 = arith.constant 640 : i32
    %mul3A_47 = arith.muli %arg1, %mul3A_46 : i32
    %add3A_48 = arith.constant 480 : i32
    %add3A_49 = arith.addi %mul3A_47, %add3A_48 : i32
    "tpu.region"() ({
      %run_scoped3A_178 = tpu.sem_alloc : memref<!tpu.dma_semaphore, #tpu.memory_space<semaphore_mem>>
      %dma_start3A_179 = arith.constant 0 : i32
      %dma_start3A_180 = tpu.memref_slice %arg10[%add3A_49, %dma_start3A_179] : memref<10240x128xf32, #tpu.memory_space<vmem_shared>> -> memref<80x128xf32, #tpu.memory_space<vmem_shared>>
      %dma_start3A_181 = arith.constant 0 : i32
      %dma_start3A_182 = tpu.memref_slice %arg10[%add3A_49, %dma_start3A_181] : memref<10240x128xf32, #tpu.memory_space<vmem_shared>> -> memref<80x128xf32, #tpu.memory_space<vmem_shared>>
      tpu.enqueue_dma source(%arg8 : memref<80x128xf32, #tpu.memory_space<vmem>>) target(%dma_start3A_182 : memref<80x128xf32, #tpu.memory_space<vmem_shared>>) target_semaphore(%run_scoped3A_178 : memref<!tpu.dma_semaphore, #tpu.memory_space<semaphore_mem>>)
      %dma_wait3A_183 = arith.constant 0 : i32
      %dma_wait3A_184 = tpu.memref_slice %arg10[%add3A_49, %dma_wait3A_183] : memref<10240x128xf32, #tpu.memory_space<vmem_shared>> -> memref<80x128xf32, #tpu.memory_space<vmem_shared>>
      %dma_wait3A_185 = arith.constant 0 : i32
      %dma_wait3A_186 = tpu.memref_slice %arg10[%add3A_49, %dma_wait3A_185] : memref<10240x128xf32, #tpu.memory_space<vmem_shared>> -> memref<80x128xf32, #tpu.memory_space<vmem_shared>>
      tpu.wait_dma2 semaphore(%run_scoped3A_178 : memref<!tpu.dma_semaphore, #tpu.memory_space<semaphore_mem>>) src(%arg8 : memref<80x128xf32, #tpu.memory_space<vmem>>) dst(%dma_wait3A_186 : memref<80x128xf32, #tpu.memory_space<vmem_shared>>)
      tpu.yield
    }) : () -> ()
    %mul3A_50 = arith.constant 640 : i32
    %mul3A_51 = arith.muli %arg1, %mul3A_50 : i32
    %add3A_52 = arith.constant 560 : i32
    %add3A_53 = arith.addi %mul3A_51, %add3A_52 : i32
    "tpu.region"() ({
      %run_scoped3A_178 = tpu.sem_alloc : memref<!tpu.dma_semaphore, #tpu.memory_space<semaphore_mem>>
      %dma_start3A_179 = arith.constant 0 : i32
      %dma_start3A_180 = tpu.memref_slice %arg10[%add3A_53, %dma_start3A_179] : memref<10240x128xf32, #tpu.memory_space<vmem_shared>> -> memref<80x128xf32, #tpu.memory_space<vmem_shared>>
      %dma_start3A_181 = arith.constant 0 : i32
      %dma_start3A_182 = tpu.memref_slice %arg10[%add3A_53, %dma_start3A_181] : memref<10240x128xf32, #tpu.memory_space<vmem_shared>> -> memref<80x128xf32, #tpu.memory_space<vmem_shared>>
      tpu.enqueue_dma source(%arg8 : memref<80x128xf32, #tpu.memory_space<vmem>>) target(%dma_start3A_182 : memref<80x128xf32, #tpu.memory_space<vmem_shared>>) target_semaphore(%run_scoped3A_178 : memref<!tpu.dma_semaphore, #tpu.memory_space<semaphore_mem>>)
      %dma_wait3A_183 = arith.constant 0 : i32
      %dma_wait3A_184 = tpu.memref_slice %arg10[%add3A_53, %dma_wait3A_183] : memref<10240x128xf32, #tpu.memory_space<vmem_shared>> -> memref<80x128xf32, #tpu.memory_space<vmem_shared>>
      %dma_wait3A_185 = arith.constant 0 : i32
      %dma_wait3A_186 = tpu.memref_slice %arg10[%add3A_53, %dma_wait3A_185] : memref<10240x128xf32, #tpu.memory_space<vmem_shared>> -> memref<80x128xf32, #tpu.memory_space<vmem_shared>>
      tpu.wait_dma2 semaphore(%run_scoped3A_178 : memref<!tpu.dma_semaphore, #tpu.memory_space<semaphore_mem>>) src(%arg8 : memref<80x128xf32, #tpu.memory_space<vmem>>) dst(%dma_wait3A_186 : memref<80x128xf32, #tpu.memory_space<vmem_shared>>)
      tpu.yield
    }) : () -> ()
    %dma_wait3A = arith.constant 0 : i32
    %dma_wait3A_54 = arith.constant 0 : i32
    %dma_wait3A_55 = tpu.memref_slice %arg3[%add3A, %dma_wait3A, %dma_wait3A_54] : memref<32x125x80xi32, #tpu.memory_space<hbm>> -> memref<1x125x80xi32, #tpu.memory_space<hbm>>
    %dma_wait3A_56 = tpu.memref_squeeze %dma_wait3A_55 : memref<1x125x80xi32, #tpu.memory_space<hbm>> -> memref<125x80xi32, #tpu.memory_space<hbm>>
    %dma_wait3A_57 = arith.constant 0 : i32
    %dma_wait3A_58 = arith.constant 0 : i32
    %dma_wait3A_59 = tpu.memref_slice %arg3[%add3A, %dma_wait3A_57, %dma_wait3A_58] : memref<32x125x80xi32, #tpu.memory_space<hbm>> -> memref<1x125x80xi32, #tpu.memory_space<hbm>>
    %dma_wait3A_60 = tpu.memref_squeeze %dma_wait3A_59 : memref<1x125x80xi32, #tpu.memory_space<hbm>> -> memref<125x80xi32, #tpu.memory_space<hbm>>
    tpu.wait_dma2 semaphore(%arg11 : memref<!tpu.dma_semaphore, #tpu.memory_space<semaphore_mem>>) src(%dma_wait3A_60 : memref<125x80xi32, #tpu.memory_space<hbm>>) dst(%arg6 : memref<125x80xi32, #tpu.memory_space<vmem>>)
    %dma_wait3A_61 = arith.constant 0 : i32
    %dma_wait3A_62 = arith.constant 0 : i32
    %dma_wait3A_63 = tpu.memref_slice %arg4[%add3A, %dma_wait3A_61, %dma_wait3A_62] : memref<32x125x80xi32, #tpu.memory_space<hbm>> -> memref<1x125x80xi32, #tpu.memory_space<hbm>>
    %dma_wait3A_64 = tpu.memref_squeeze %dma_wait3A_63 : memref<1x125x80xi32, #tpu.memory_space<hbm>> -> memref<125x80xi32, #tpu.memory_space<hbm>>
    %dma_wait3A_65 = arith.constant 0 : i32
    %dma_wait3A_66 = arith.constant 0 : i32
    %dma_wait3A_67 = tpu.memref_slice %arg4[%add3A, %dma_wait3A_65, %dma_wait3A_66] : memref<32x125x80xi32, #tpu.memory_space<hbm>> -> memref<1x125x80xi32, #tpu.memory_space<hbm>>
    %dma_wait3A_68 = tpu.memref_squeeze %dma_wait3A_67 : memref<1x125x80xi32, #tpu.memory_space<hbm>> -> memref<125x80xi32, #tpu.memory_space<hbm>>
    tpu.wait_dma2 semaphore(%arg12 : memref<!tpu.dma_semaphore, #tpu.memory_space<semaphore_mem>>) src(%dma_wait3A_68 : memref<125x80xi32, #tpu.memory_space<hbm>>) dst(%arg7 : memref<125x80xi32, #tpu.memory_space<vmem>>)
    %barrier3A = arith.constant 0 : index
    tpu.barrier barrier_id(%barrier3A)
    %dma_start3A_69 = arith.constant 0 : i32
    %dma_start3A_70 = arith.constant 0 : i32
    %dma_start3A_71 = tpu.memref_slice %arg7[%dma_start3A_69, %dma_start3A_70] : memref<125x80xi32, #tpu.memory_space<vmem>> -> memref<1x80xi32, #tpu.memory_space<vmem>>
    %dma_start3A_72 = tpu.memref_squeeze %dma_start3A_71 : memref<1x80xi32, #tpu.memory_space<vmem>> -> memref<80xi32, #tpu.memory_space<vmem>>
    %dma_start3A_73 = arith.constant 0 : i32
    %dma_start3A_74 = arith.constant 0 : i32
    %dma_start3A_75 = tpu.memref_slice %arg2[%dma_start3A_73, %dma_start3A_74] : memref<5000x128xf32, #tpu.memory_space<hbm>> -> memref<5000x128xf32, #tpu.memory_space<hbm>>
    tpu.enqueue_indirect_dma source(%dma_start3A_75 : memref<5000x128xf32, #tpu.memory_space<hbm>>) target(%arg8 : memref<80x128xf32, #tpu.memory_space<vmem>>) offsets(%dma_start3A_72 : memref<80xi32, #tpu.memory_space<vmem>>) semaphore(%arg11 : memref<!tpu.dma_semaphore, #tpu.memory_space<semaphore_mem>>)
    %scan3A_76 = arith.constant 0 : i32
    %scan3A_77 = arith.constant 0 : i32
    %scan3A_78 = arith.constant 62 : i32
    %scan3A_79 = arith.addi %scan3A_77, %scan3A_78 : i32
    %scan3A_80 = arith.constant 1 : i32
    scf.for %scan3A_178 = %scan3A_77 to %scan3A_79 step %scan3A_80  : i32 {
      %mul3A_179 = arith.constant 2 : i32
      %mul3A_180 = arith.muli %mul3A_179, %scan3A_178 : i32
      %add3A_181 = arith.constant 1 : i32
      %add3A_182 = arith.addi %mul3A_180, %add3A_181 : i32
      %dma_start3A_183 = arith.constant 0 : i32
      %dma_start3A_184 = tpu.memref_slice %arg7[%add3A_182, %dma_start3A_183] : memref<125x80xi32, #tpu.memory_space<vmem>> -> memref<1x80xi32, #tpu.memory_space<vmem>>
      %dma_start3A_185 = tpu.memref_squeeze %dma_start3A_184 : memref<1x80xi32, #tpu.memory_space<vmem>> -> memref<80xi32, #tpu.memory_space<vmem>>
      %dma_start3A_186 = arith.constant 0 : i32
      %dma_start3A_187 = arith.constant 0 : i32
      %dma_start3A_188 = tpu.memref_slice %arg2[%dma_start3A_186, %dma_start3A_187] : memref<5000x128xf32, #tpu.memory_space<hbm>> -> memref<5000x128xf32, #tpu.memory_space<hbm>>
      tpu.enqueue_indirect_dma source(%dma_start3A_188 : memref<5000x128xf32, #tpu.memory_space<hbm>>) target(%arg9 : memref<80x128xf32, #tpu.memory_space<vmem>>) offsets(%dma_start3A_185 : memref<80xi32, #tpu.memory_space<vmem>>) semaphore(%arg12 : memref<!tpu.dma_semaphore, #tpu.memory_space<semaphore_mem>>)
      %dma_wait3A_189 = arith.constant 0 : i32
      %dma_wait3A_190 = tpu.memref_slice %arg7[%mul3A_180, %dma_wait3A_189] : memref<125x80xi32, #tpu.memory_space<vmem>> -> memref<1x80xi32, #tpu.memory_space<vmem>>
      %dma_wait3A_191 = tpu.memref_squeeze %dma_wait3A_190 : memref<1x80xi32, #tpu.memory_space<vmem>> -> memref<80xi32, #tpu.memory_space<vmem>>
      %dma_wait3A_192 = arith.constant 0 : i32
      %dma_wait3A_193 = arith.constant 0 : i32
      %dma_wait3A_194 = tpu.memref_slice %arg2[%dma_wait3A_192, %dma_wait3A_193] : memref<5000x128xf32, #tpu.memory_space<hbm>> -> memref<5000x128xf32, #tpu.memory_space<hbm>>
      tpu.wait_indirect_dma semaphore(%arg11 : memref<!tpu.dma_semaphore, #tpu.memory_space<semaphore_mem>>) src(%dma_wait3A_194 : memref<5000x128xf32, #tpu.memory_space<hbm>>) dst(%arg8 : memref<80x128xf32, #tpu.memory_space<vmem>>)
      "tpu.region"() ({
        %run_scoped3A_211 = tpu.sem_alloc : memref<!tpu.dma_semaphore, #tpu.memory_space<semaphore_mem>>
        %dma_start3A_212 = arith.constant 0 : i32
        %dma_start3A_213 = tpu.memref_slice %arg6[%mul3A_180, %dma_start3A_212] : memref<125x80xi32, #tpu.memory_space<vmem>> -> memref<1x80xi32, #tpu.memory_space<vmem>>
        %dma_start3A_214 = tpu.memref_squeeze %dma_start3A_213 : memref<1x80xi32, #tpu.memory_space<vmem>> -> memref<80xi32, #tpu.memory_space<vmem>>
        %dma_start3A_215 = arith.constant 0 : i32
        %dma_start3A_216 = arith.constant 0 : i32
        %dma_start3A_217 = tpu.memref_slice %arg10[%dma_start3A_215, %dma_start3A_216] : memref<10240x128xf32, #tpu.memory_space<vmem_shared>> -> memref<10240x128xf32, #tpu.memory_space<vmem_shared>>
        tpu.enqueue_indirect_dma source(%arg8 : memref<80x128xf32, #tpu.memory_space<vmem>>) target(%dma_start3A_217 : memref<10240x128xf32, #tpu.memory_space<vmem_shared>>) offsets(%dma_start3A_214 : memref<80xi32, #tpu.memory_space<vmem>>) semaphore(%run_scoped3A_211 : memref<!tpu.dma_semaphore, #tpu.memory_space<semaphore_mem>>) {add = true}
        %dma_wait3A_218 = arith.constant 0 : i32
        %dma_wait3A_219 = tpu.memref_slice %arg6[%mul3A_180, %dma_wait3A_218] : memref<125x80xi32, #tpu.memory_space<vmem>> -> memref<1x80xi32, #tpu.memory_space<vmem>>
        %dma_wait3A_220 = tpu.memref_squeeze %dma_wait3A_219 : memref<1x80xi32, #tpu.memory_space<vmem>> -> memref<80xi32, #tpu.memory_space<vmem>>
        %dma_wait3A_221 = arith.constant 0 : i32
        %dma_wait3A_222 = arith.constant 0 : i32
        %dma_wait3A_223 = tpu.memref_slice %arg10[%dma_wait3A_221, %dma_wait3A_222] : memref<10240x128xf32, #tpu.memory_space<vmem_shared>> -> memref<10240x128xf32, #tpu.memory_space<vmem_shared>>
        tpu.wait_indirect_dma semaphore(%run_scoped3A_211 : memref<!tpu.dma_semaphore, #tpu.memory_space<semaphore_mem>>) src(%arg8 : memref<80x128xf32, #tpu.memory_space<vmem>>) dst(%dma_wait3A_223 : memref<10240x128xf32, #tpu.memory_space<vmem_shared>>)
        tpu.yield
      }) : () -> ()
      %add3A_195 = arith.constant 2 : i32
      %add3A_196 = arith.addi %mul3A_180, %add3A_195 : i32
      %dma_start3A_197 = arith.constant 0 : i32
      %dma_start3A_198 = tpu.memref_slice %arg7[%add3A_196, %dma_start3A_197] : memref<125x80xi32, #tpu.memory_space<vmem>> -> memref<1x80xi32, #tpu.memory_space<vmem>>
      %dma_start3A_199 = tpu.memref_squeeze %dma_start3A_198 : memref<1x80xi32, #tpu.memory_space<vmem>> -> memref<80xi32, #tpu.memory_space<vmem>>
      %dma_start3A_200 = arith.constant 0 : i32
      %dma_start3A_201 = arith.constant 0 : i32
      %dma_start3A_202 = tpu.memref_slice %arg2[%dma_start3A_200, %dma_start3A_201] : memref<5000x128xf32, #tpu.memory_space<hbm>> -> memref<5000x128xf32, #tpu.memory_space<hbm>>
      tpu.enqueue_indirect_dma source(%dma_start3A_202 : memref<5000x128xf32, #tpu.memory_space<hbm>>) target(%arg8 : memref<80x128xf32, #tpu.memory_space<vmem>>) offsets(%dma_start3A_199 : memref<80xi32, #tpu.memory_space<vmem>>) semaphore(%arg11 : memref<!tpu.dma_semaphore, #tpu.memory_space<semaphore_mem>>)
      %dma_wait3A_203 = arith.constant 0 : i32
      %dma_wait3A_204 = tpu.memref_slice %arg7[%mul3A_180, %dma_wait3A_203] : memref<125x80xi32, #tpu.memory_space<vmem>> -> memref<1x80xi32, #tpu.memory_space<vmem>>
      %dma_wait3A_205 = tpu.memref_squeeze %dma_wait3A_204 : memref<1x80xi32, #tpu.memory_space<vmem>> -> memref<80xi32, #tpu.memory_space<vmem>>
      %dma_wait3A_206 = arith.constant 0 : i32
      %dma_wait3A_207 = arith.constant 0 : i32
      %dma_wait3A_208 = tpu.memref_slice %arg2[%dma_wait3A_206, %dma_wait3A_207] : memref<5000x128xf32, #tpu.memory_space<hbm>> -> memref<5000x128xf32, #tpu.memory_space<hbm>>
      tpu.wait_indirect_dma semaphore(%arg12 : memref<!tpu.dma_semaphore, #tpu.memory_space<semaphore_mem>>) src(%dma_wait3A_208 : memref<5000x128xf32, #tpu.memory_space<hbm>>) dst(%arg9 : memref<80x128xf32, #tpu.memory_space<vmem>>)
      %add3A_209 = arith.constant 1 : i32
      %add3A_210 = arith.addi %mul3A_180, %add3A_209 : i32
      "tpu.region"() ({
        %run_scoped3A_211 = tpu.sem_alloc : memref<!tpu.dma_semaphore, #tpu.memory_space<semaphore_mem>>
        %dma_start3A_212 = arith.constant 0 : i32
        %dma_start3A_213 = tpu.memref_slice %arg6[%add3A_210, %dma_start3A_212] : memref<125x80xi32, #tpu.memory_space<vmem>> -> memref<1x80xi32, #tpu.memory_space<vmem>>
        %dma_start3A_214 = tpu.memref_squeeze %dma_start3A_213 : memref<1x80xi32, #tpu.memory_space<vmem>> -> memref<80xi32, #tpu.memory_space<vmem>>
        %dma_start3A_215 = arith.constant 0 : i32
        %dma_start3A_216 = arith.constant 0 : i32
        %dma_start3A_217 = tpu.memref_slice %arg10[%dma_start3A_215, %dma_start3A_216] : memref<10240x128xf32, #tpu.memory_space<vmem_shared>> -> memref<10240x128xf32, #tpu.memory_space<vmem_shared>>
        tpu.enqueue_indirect_dma source(%arg9 : memref<80x128xf32, #tpu.memory_space<vmem>>) target(%dma_start3A_217 : memref<10240x128xf32, #tpu.memory_space<vmem_shared>>) offsets(%dma_start3A_214 : memref<80xi32, #tpu.memory_space<vmem>>) semaphore(%run_scoped3A_211 : memref<!tpu.dma_semaphore, #tpu.memory_space<semaphore_mem>>) {add = true}
        %dma_wait3A_218 = arith.constant 0 : i32
        %dma_wait3A_219 = tpu.memref_slice %arg6[%add3A_210, %dma_wait3A_218] : memref<125x80xi32, #tpu.memory_space<vmem>> -> memref<1x80xi32, #tpu.memory_space<vmem>>
        %dma_wait3A_220 = tpu.memref_squeeze %dma_wait3A_219 : memref<1x80xi32, #tpu.memory_space<vmem>> -> memref<80xi32, #tpu.memory_space<vmem>>
        %dma_wait3A_221 = arith.constant 0 : i32
        %dma_wait3A_222 = arith.constant 0 : i32
        %dma_wait3A_223 = tpu.memref_slice %arg10[%dma_wait3A_221, %dma_wait3A_222] : memref<10240x128xf32, #tpu.memory_space<vmem_shared>> -> memref<10240x128xf32, #tpu.memory_space<vmem_shared>>
        tpu.wait_indirect_dma semaphore(%run_scoped3A_211 : memref<!tpu.dma_semaphore, #tpu.memory_space<semaphore_mem>>) src(%arg9 : memref<80x128xf32, #tpu.memory_space<vmem>>) dst(%dma_wait3A_223 : memref<10240x128xf32, #tpu.memory_space<vmem_shared>>)
        tpu.yield
      }) : () -> ()
    }
    %scan3A_81 = arith.constant 62 : i32
    %dma_wait3A_82 = arith.constant 0 : i32
    %dma_wait3A_83 = arith.constant 0 : i32
    %dma_wait3A_84 = tpu.memref_slice %arg7[%dma_wait3A_82, %dma_wait3A_83] : memref<125x80xi32, #tpu.memory_space<vmem>> -> memref<1x80xi32, #tpu.memory_space<vmem>>
    %dma_wait3A_85 = tpu.memref_squeeze %dma_wait3A_84 : memref<1x80xi32, #tpu.memory_space<vmem>> -> memref<80xi32, #tpu.memory_space<vmem>>
    %dma_wait3A_86 = arith.constant 0 : i32
    %dma_wait3A_87 = arith.constant 0 : i32
    %dma_wait3A_88 = tpu.memref_slice %arg2[%dma_wait3A_86, %dma_wait3A_87] : memref<5000x128xf32, #tpu.memory_space<hbm>> -> memref<5000x128xf32, #tpu.memory_space<hbm>>
    tpu.wait_indirect_dma semaphore(%arg11 : memref<!tpu.dma_semaphore, #tpu.memory_space<semaphore_mem>>) src(%dma_wait3A_88 : memref<5000x128xf32, #tpu.memory_space<hbm>>) dst(%arg8 : memref<80x128xf32, #tpu.memory_space<vmem>>)
    %run_scoped3A = arith.constant 124 : i32
    "tpu.region"() ({
      %run_scoped3A_178 = tpu.sem_alloc : memref<!tpu.dma_semaphore, #tpu.memory_space<semaphore_mem>>
      %dma_start3A_179 = arith.constant 0 : i32
      %dma_start3A_180 = tpu.memref_slice %arg6[%run_scoped3A, %dma_start3A_179] : memref<125x80xi32, #tpu.memory_space<vmem>> -> memref<1x80xi32, #tpu.memory_space<vmem>>
      %dma_start3A_181 = tpu.memref_squeeze %dma_start3A_180 : memref<1x80xi32, #tpu.memory_space<vmem>> -> memref<80xi32, #tpu.memory_space<vmem>>
      %dma_start3A_182 = arith.constant 0 : i32
      %dma_start3A_183 = arith.constant 0 : i32
      %dma_start3A_184 = tpu.memref_slice %arg10[%dma_start3A_182, %dma_start3A_183] : memref<10240x128xf32, #tpu.memory_space<vmem_shared>> -> memref<10240x128xf32, #tpu.memory_space<vmem_shared>>
      tpu.enqueue_indirect_dma source(%arg8 : memref<80x128xf32, #tpu.memory_space<vmem>>) target(%dma_start3A_184 : memref<10240x128xf32, #tpu.memory_space<vmem_shared>>) offsets(%dma_start3A_181 : memref<80xi32, #tpu.memory_space<vmem>>) semaphore(%run_scoped3A_178 : memref<!tpu.dma_semaphore, #tpu.memory_space<semaphore_mem>>) {add = true}
      %dma_wait3A_185 = arith.constant 0 : i32
      %dma_wait3A_186 = tpu.memref_slice %arg6[%run_scoped3A, %dma_wait3A_185] : memref<125x80xi32, #tpu.memory_space<vmem>> -> memref<1x80xi32, #tpu.memory_space<vmem>>
      %dma_wait3A_187 = tpu.memref_squeeze %dma_wait3A_186 : memref<1x80xi32, #tpu.memory_space<vmem>> -> memref<80xi32, #tpu.memory_space<vmem>>
      %dma_wait3A_188 = arith.constant 0 : i32
      %dma_wait3A_189 = arith.constant 0 : i32
      %dma_wait3A_190 = tpu.memref_slice %arg10[%dma_wait3A_188, %dma_wait3A_189] : memref<10240x128xf32, #tpu.memory_space<vmem_shared>> -> memref<10240x128xf32, #tpu.memory_space<vmem_shared>>
      tpu.wait_indirect_dma semaphore(%run_scoped3A_178 : memref<!tpu.dma_semaphore, #tpu.memory_space<semaphore_mem>>) src(%arg8 : memref<80x128xf32, #tpu.memory_space<vmem>>) dst(%dma_wait3A_190 : memref<10240x128xf32, #tpu.memory_space<vmem_shared>>)
      tpu.yield
    }) : () -> ()
    %barrier3A_89 = arith.constant 0 : index
    tpu.barrier barrier_id(%barrier3A_89)
    %mul3A_90 = arith.constant 640 : i32
    %mul3A_91 = arith.muli %arg1, %mul3A_90 : i32
    %add3A_92 = arith.constant 0 : i32
    %add3A_93 = arith.addi %mul3A_91, %add3A_92 : i32
    "tpu.region"() ({
      %run_scoped3A_178 = tpu.sem_alloc : memref<!tpu.dma_semaphore, #tpu.memory_space<semaphore_mem>>
      %dma_start3A_179 = arith.constant 0 : i32
      %dma_start3A_180 = tpu.memref_slice %arg10[%add3A_93, %dma_start3A_179] : memref<10240x128xf32, #tpu.memory_space<vmem_shared>> -> memref<80x128xf32, #tpu.memory_space<vmem_shared>>
      %dma_start3A_181 = arith.constant 0 : i32
      %dma_start3A_182 = tpu.memref_slice %arg10[%add3A_93, %dma_start3A_181] : memref<10240x128xf32, #tpu.memory_space<vmem_shared>> -> memref<80x128xf32, #tpu.memory_space<vmem_shared>>
      tpu.enqueue_dma source(%dma_start3A_182 : memref<80x128xf32, #tpu.memory_space<vmem_shared>>) target(%arg8 : memref<80x128xf32, #tpu.memory_space<vmem>>) target_semaphore(%run_scoped3A_178 : memref<!tpu.dma_semaphore, #tpu.memory_space<semaphore_mem>>)
      %dma_wait3A_183 = arith.constant 0 : i32
      %dma_wait3A_184 = tpu.memref_slice %arg10[%add3A_93, %dma_wait3A_183] : memref<10240x128xf32, #tpu.memory_space<vmem_shared>> -> memref<80x128xf32, #tpu.memory_space<vmem_shared>>
      %dma_wait3A_185 = arith.constant 0 : i32
      %dma_wait3A_186 = tpu.memref_slice %arg10[%add3A_93, %dma_wait3A_185] : memref<10240x128xf32, #tpu.memory_space<vmem_shared>> -> memref<80x128xf32, #tpu.memory_space<vmem_shared>>
      tpu.wait_dma2 semaphore(%run_scoped3A_178 : memref<!tpu.dma_semaphore, #tpu.memory_space<semaphore_mem>>) src(%dma_wait3A_186 : memref<80x128xf32, #tpu.memory_space<vmem_shared>>) dst(%arg8 : memref<80x128xf32, #tpu.memory_space<vmem>>)
      tpu.yield
    }) : () -> ()
    %mul3A_94 = arith.constant 10240 : i32
    %mul3A_95 = arith.muli %arg0, %mul3A_94 : i32
    %mul3A_96 = arith.constant 640 : i32
    %mul3A_97 = arith.muli %arg1, %mul3A_96 : i32
    %add3A_98 = arith.addi %mul3A_95, %mul3A_97 : i32
    %add3A_99 = arith.constant 0 : i32
    %add3A_100 = arith.addi %add3A_98, %add3A_99 : i32
    "tpu.region"() ({
      %run_scoped3A_178 = tpu.sem_alloc : memref<!tpu.dma_semaphore, #tpu.memory_space<semaphore_mem>>
      %dma_start3A_179 = arith.constant 0 : i32
      %dma_start3A_180 = tpu.memref_slice %arg5[%add3A_100, %dma_start3A_179] : memref<20480x128xf32, #tpu.memory_space<hbm>> -> memref<80x128xf32, #tpu.memory_space<hbm>>
      %dma_start3A_181 = arith.constant 0 : i32
      %dma_start3A_182 = tpu.memref_slice %arg5[%add3A_100, %dma_start3A_181] : memref<20480x128xf32, #tpu.memory_space<hbm>> -> memref<80x128xf32, #tpu.memory_space<hbm>>
      tpu.enqueue_dma source(%arg8 : memref<80x128xf32, #tpu.memory_space<vmem>>) target(%dma_start3A_182 : memref<80x128xf32, #tpu.memory_space<hbm>>) target_semaphore(%run_scoped3A_178 : memref<!tpu.dma_semaphore, #tpu.memory_space<semaphore_mem>>)
      %dma_wait3A_183 = arith.constant 0 : i32
      %dma_wait3A_184 = tpu.memref_slice %arg5[%add3A_100, %dma_wait3A_183] : memref<20480x128xf32, #tpu.memory_space<hbm>> -> memref<80x128xf32, #tpu.memory_space<hbm>>
      %dma_wait3A_185 = arith.constant 0 : i32
      %dma_wait3A_186 = tpu.memref_slice %arg5[%add3A_100, %dma_wait3A_185] : memref<20480x128xf32, #tpu.memory_space<hbm>> -> memref<80x128xf32, #tpu.memory_space<hbm>>
      tpu.wait_dma2 semaphore(%run_scoped3A_178 : memref<!tpu.dma_semaphore, #tpu.memory_space<semaphore_mem>>) src(%arg8 : memref<80x128xf32, #tpu.memory_space<vmem>>) dst(%dma_wait3A_186 : memref<80x128xf32, #tpu.memory_space<hbm>>)
      tpu.yield
    }) : () -> ()
    %mul3A_101 = arith.constant 640 : i32
    %mul3A_102 = arith.muli %arg1, %mul3A_101 : i32
    %add3A_103 = arith.constant 80 : i32
    %add3A_104 = arith.addi %mul3A_102, %add3A_103 : i32
    "tpu.region"() ({
      %run_scoped3A_178 = tpu.sem_alloc : memref<!tpu.dma_semaphore, #tpu.memory_space<semaphore_mem>>
      %dma_start3A_179 = arith.constant 0 : i32
      %dma_start3A_180 = tpu.memref_slice %arg10[%add3A_104, %dma_start3A_179] : memref<10240x128xf32, #tpu.memory_space<vmem_shared>> -> memref<80x128xf32, #tpu.memory_space<vmem_shared>>
      %dma_start3A_181 = arith.constant 0 : i32
      %dma_start3A_182 = tpu.memref_slice %arg10[%add3A_104, %dma_start3A_181] : memref<10240x128xf32, #tpu.memory_space<vmem_shared>> -> memref<80x128xf32, #tpu.memory_space<vmem_shared>>
      tpu.enqueue_dma source(%dma_start3A_182 : memref<80x128xf32, #tpu.memory_space<vmem_shared>>) target(%arg8 : memref<80x128xf32, #tpu.memory_space<vmem>>) target_semaphore(%run_scoped3A_178 : memref<!tpu.dma_semaphore, #tpu.memory_space<semaphore_mem>>)
      %dma_wait3A_183 = arith.constant 0 : i32
      %dma_wait3A_184 = tpu.memref_slice %arg10[%add3A_104, %dma_wait3A_183] : memref<10240x128xf32, #tpu.memory_space<vmem_shared>> -> memref<80x128xf32, #tpu.memory_space<vmem_shared>>
      %dma_wait3A_185 = arith.constant 0 : i32
      %dma_wait3A_186 = tpu.memref_slice %arg10[%add3A_104, %dma_wait3A_185] : memref<10240x128xf32, #tpu.memory_space<vmem_shared>> -> memref<80x128xf32, #tpu.memory_space<vmem_shared>>
      tpu.wait_dma2 semaphore(%run_scoped3A_178 : memref<!tpu.dma_semaphore, #tpu.memory_space<semaphore_mem>>) src(%dma_wait3A_186 : memref<80x128xf32, #tpu.memory_space<vmem_shared>>) dst(%arg8 : memref<80x128xf32, #tpu.memory_space<vmem>>)
      tpu.yield
    }) : () -> ()
    %mul3A_105 = arith.constant 10240 : i32
    %mul3A_106 = arith.muli %arg0, %mul3A_105 : i32
    %mul3A_107 = arith.constant 640 : i32
    %mul3A_108 = arith.muli %arg1, %mul3A_107 : i32
    %add3A_109 = arith.addi %mul3A_106, %mul3A_108 : i32
    %add3A_110 = arith.constant 80 : i32
    %add3A_111 = arith.addi %add3A_109, %add3A_110 : i32
    "tpu.region"() ({
      %run_scoped3A_178 = tpu.sem_alloc : memref<!tpu.dma_semaphore, #tpu.memory_space<semaphore_mem>>
      %dma_start3A_179 = arith.constant 0 : i32
      %dma_start3A_180 = tpu.memref_slice %arg5[%add3A_111, %dma_start3A_179] : memref<20480x128xf32, #tpu.memory_space<hbm>> -> memref<80x128xf32, #tpu.memory_space<hbm>>
      %dma_start3A_181 = arith.constant 0 : i32
      %dma_start3A_182 = tpu.memref_slice %arg5[%add3A_111, %dma_start3A_181] : memref<20480x128xf32, #tpu.memory_space<hbm>> -> memref<80x128xf32, #tpu.memory_space<hbm>>
      tpu.enqueue_dma source(%arg8 : memref<80x128xf32, #tpu.memory_space<vmem>>) target(%dma_start3A_182 : memref<80x128xf32, #tpu.memory_space<hbm>>) target_semaphore(%run_scoped3A_178 : memref<!tpu.dma_semaphore, #tpu.memory_space<semaphore_mem>>)
      %dma_wait3A_183 = arith.constant 0 : i32
      %dma_wait3A_184 = tpu.memref_slice %arg5[%add3A_111, %dma_wait3A_183] : memref<20480x128xf32, #tpu.memory_space<hbm>> -> memref<80x128xf32, #tpu.memory_space<hbm>>
      %dma_wait3A_185 = arith.constant 0 : i32
      %dma_wait3A_186 = tpu.memref_slice %arg5[%add3A_111, %dma_wait3A_185] : memref<20480x128xf32, #tpu.memory_space<hbm>> -> memref<80x128xf32, #tpu.memory_space<hbm>>
      tpu.wait_dma2 semaphore(%run_scoped3A_178 : memref<!tpu.dma_semaphore, #tpu.memory_space<semaphore_mem>>) src(%arg8 : memref<80x128xf32, #tpu.memory_space<vmem>>) dst(%dma_wait3A_186 : memref<80x128xf32, #tpu.memory_space<hbm>>)
      tpu.yield
    }) : () -> ()
    %mul3A_112 = arith.constant 640 : i32
    %mul3A_113 = arith.muli %arg1, %mul3A_112 : i32
    %add3A_114 = arith.constant 160 : i32
    %add3A_115 = arith.addi %mul3A_113, %add3A_114 : i32
    "tpu.region"() ({
      %run_scoped3A_178 = tpu.sem_alloc : memref<!tpu.dma_semaphore, #tpu.memory_space<semaphore_mem>>
      %dma_start3A_179 = arith.constant 0 : i32
      %dma_start3A_180 = tpu.memref_slice %arg10[%add3A_115, %dma_start3A_179] : memref<10240x128xf32, #tpu.memory_space<vmem_shared>> -> memref<80x128xf32, #tpu.memory_space<vmem_shared>>
      %dma_start3A_181 = arith.constant 0 : i32
      %dma_start3A_182 = tpu.memref_slice %arg10[%add3A_115, %dma_start3A_181] : memref<10240x128xf32, #tpu.memory_space<vmem_shared>> -> memref<80x128xf32, #tpu.memory_space<vmem_shared>>
      tpu.enqueue_dma source(%dma_start3A_182 : memref<80x128xf32, #tpu.memory_space<vmem_shared>>) target(%arg8 : memref<80x128xf32, #tpu.memory_space<vmem>>) target_semaphore(%run_scoped3A_178 : memref<!tpu.dma_semaphore, #tpu.memory_space<semaphore_mem>>)
      %dma_wait3A_183 = arith.constant 0 : i32
      %dma_wait3A_184 = tpu.memref_slice %arg10[%add3A_115, %dma_wait3A_183] : memref<10240x128xf32, #tpu.memory_space<vmem_shared>> -> memref<80x128xf32, #tpu.memory_space<vmem_shared>>
      %dma_wait3A_185 = arith.constant 0 : i32
      %dma_wait3A_186 = tpu.memref_slice %arg10[%add3A_115, %dma_wait3A_185] : memref<10240x128xf32, #tpu.memory_space<vmem_shared>> -> memref<80x128xf32, #tpu.memory_space<vmem_shared>>
      tpu.wait_dma2 semaphore(%run_scoped3A_178 : memref<!tpu.dma_semaphore, #tpu.memory_space<semaphore_mem>>) src(%dma_wait3A_186 : memref<80x128xf32, #tpu.memory_space<vmem_shared>>) dst(%arg8 : memref<80x128xf32, #tpu.memory_space<vmem>>)
      tpu.yield
    }) : () -> ()
    %mul3A_116 = arith.constant 10240 : i32
    %mul3A_117 = arith.muli %arg0, %mul3A_116 : i32
    %mul3A_118 = arith.constant 640 : i32
    %mul3A_119 = arith.muli %arg1, %mul3A_118 : i32
    %add3A_120 = arith.addi %mul3A_117, %mul3A_119 : i32
    %add3A_121 = arith.constant 160 : i32
    %add3A_122 = arith.addi %add3A_120, %add3A_121 : i32
    "tpu.region"() ({
      %run_scoped3A_178 = tpu.sem_alloc : memref<!tpu.dma_semaphore, #tpu.memory_space<semaphore_mem>>
      %dma_start3A_179 = arith.constant 0 : i32
      %dma_start3A_180 = tpu.memref_slice %arg5[%add3A_122, %dma_start3A_179] : memref<20480x128xf32, #tpu.memory_space<hbm>> -> memref<80x128xf32, #tpu.memory_space<hbm>>
      %dma_start3A_181 = arith.constant 0 : i32
      %dma_start3A_182 = tpu.memref_slice %arg5[%add3A_122, %dma_start3A_181] : memref<20480x128xf32, #tpu.memory_space<hbm>> -> memref<80x128xf32, #tpu.memory_space<hbm>>
      tpu.enqueue_dma source(%arg8 : memref<80x128xf32, #tpu.memory_space<vmem>>) target(%dma_start3A_182 : memref<80x128xf32, #tpu.memory_space<hbm>>) target_semaphore(%run_scoped3A_178 : memref<!tpu.dma_semaphore, #tpu.memory_space<semaphore_mem>>)
      %dma_wait3A_183 = arith.constant 0 : i32
      %dma_wait3A_184 = tpu.memref_slice %arg5[%add3A_122, %dma_wait3A_183] : memref<20480x128xf32, #tpu.memory_space<hbm>> -> memref<80x128xf32, #tpu.memory_space<hbm>>
      %dma_wait3A_185 = arith.constant 0 : i32
      %dma_wait3A_186 = tpu.memref_slice %arg5[%add3A_122, %dma_wait3A_185] : memref<20480x128xf32, #tpu.memory_space<hbm>> -> memref<80x128xf32, #tpu.memory_space<hbm>>
      tpu.wait_dma2 semaphore(%run_scoped3A_178 : memref<!tpu.dma_semaphore, #tpu.memory_space<semaphore_mem>>) src(%arg8 : memref<80x128xf32, #tpu.memory_space<vmem>>) dst(%dma_wait3A_186 : memref<80x128xf32, #tpu.memory_space<hbm>>)
      tpu.yield
    }) : () -> ()
    %mul3A_123 = arith.constant 640 : i32
    %mul3A_124 = arith.muli %arg1, %mul3A_123 : i32
    %add3A_125 = arith.constant 240 : i32
    %add3A_126 = arith.addi %mul3A_124, %add3A_125 : i32
    "tpu.region"() ({
      %run_scoped3A_178 = tpu.sem_alloc : memref<!tpu.dma_semaphore, #tpu.memory_space<semaphore_mem>>
      %dma_start3A_179 = arith.constant 0 : i32
      %dma_start3A_180 = tpu.memref_slice %arg10[%add3A_126, %dma_start3A_179] : memref<10240x128xf32, #tpu.memory_space<vmem_shared>> -> memref<80x128xf32, #tpu.memory_space<vmem_shared>>
      %dma_start3A_181 = arith.constant 0 : i32
      %dma_start3A_182 = tpu.memref_slice %arg10[%add3A_126, %dma_start3A_181] : memref<10240x128xf32, #tpu.memory_space<vmem_shared>> -> memref<80x128xf32, #tpu.memory_space<vmem_shared>>
      tpu.enqueue_dma source(%dma_start3A_182 : memref<80x128xf32, #tpu.memory_space<vmem_shared>>) target(%arg8 : memref<80x128xf32, #tpu.memory_space<vmem>>) target_semaphore(%run_scoped3A_178 : memref<!tpu.dma_semaphore, #tpu.memory_space<semaphore_mem>>)
      %dma_wait3A_183 = arith.constant 0 : i32
      %dma_wait3A_184 = tpu.memref_slice %arg10[%add3A_126, %dma_wait3A_183] : memref<10240x128xf32, #tpu.memory_space<vmem_shared>> -> memref<80x128xf32, #tpu.memory_space<vmem_shared>>
      %dma_wait3A_185 = arith.constant 0 : i32
      %dma_wait3A_186 = tpu.memref_slice %arg10[%add3A_126, %dma_wait3A_185] : memref<10240x128xf32, #tpu.memory_space<vmem_shared>> -> memref<80x128xf32, #tpu.memory_space<vmem_shared>>
      tpu.wait_dma2 semaphore(%run_scoped3A_178 : memref<!tpu.dma_semaphore, #tpu.memory_space<semaphore_mem>>) src(%dma_wait3A_186 : memref<80x128xf32, #tpu.memory_space<vmem_shared>>) dst(%arg8 : memref<80x128xf32, #tpu.memory_space<vmem>>)
      tpu.yield
    }) : () -> ()
    %mul3A_127 = arith.constant 10240 : i32
    %mul3A_128 = arith.muli %arg0, %mul3A_127 : i32
    %mul3A_129 = arith.constant 640 : i32
    %mul3A_130 = arith.muli %arg1, %mul3A_129 : i32
    %add3A_131 = arith.addi %mul3A_128, %mul3A_130 : i32
    %add3A_132 = arith.constant 240 : i32
    %add3A_133 = arith.addi %add3A_131, %add3A_132 : i32
    "tpu.region"() ({
      %run_scoped3A_178 = tpu.sem_alloc : memref<!tpu.dma_semaphore, #tpu.memory_space<semaphore_mem>>
      %dma_start3A_179 = arith.constant 0 : i32
      %dma_start3A_180 = tpu.memref_slice %arg5[%add3A_133, %dma_start3A_179] : memref<20480x128xf32, #tpu.memory_space<hbm>> -> memref<80x128xf32, #tpu.memory_space<hbm>>
      %dma_start3A_181 = arith.constant 0 : i32
      %dma_start3A_182 = tpu.memref_slice %arg5[%add3A_133, %dma_start3A_181] : memref<20480x128xf32, #tpu.memory_space<hbm>> -> memref<80x128xf32, #tpu.memory_space<hbm>>
      tpu.enqueue_dma source(%arg8 : memref<80x128xf32, #tpu.memory_space<vmem>>) target(%dma_start3A_182 : memref<80x128xf32, #tpu.memory_space<hbm>>) target_semaphore(%run_scoped3A_178 : memref<!tpu.dma_semaphore, #tpu.memory_space<semaphore_mem>>)
      %dma_wait3A_183 = arith.constant 0 : i32
      %dma_wait3A_184 = tpu.memref_slice %arg5[%add3A_133, %dma_wait3A_183] : memref<20480x128xf32, #tpu.memory_space<hbm>> -> memref<80x128xf32, #tpu.memory_space<hbm>>
      %dma_wait3A_185 = arith.constant 0 : i32
      %dma_wait3A_186 = tpu.memref_slice %arg5[%add3A_133, %dma_wait3A_185] : memref<20480x128xf32, #tpu.memory_space<hbm>> -> memref<80x128xf32, #tpu.memory_space<hbm>>
      tpu.wait_dma2 semaphore(%run_scoped3A_178 : memref<!tpu.dma_semaphore, #tpu.memory_space<semaphore_mem>>) src(%arg8 : memref<80x128xf32, #tpu.memory_space<vmem>>) dst(%dma_wait3A_186 : memref<80x128xf32, #tpu.memory_space<hbm>>)
      tpu.yield
    }) : () -> ()
    %mul3A_134 = arith.constant 640 : i32
    %mul3A_135 = arith.muli %arg1, %mul3A_134 : i32
    %add3A_136 = arith.constant 320 : i32
    %add3A_137 = arith.addi %mul3A_135, %add3A_136 : i32
    "tpu.region"() ({
      %run_scoped3A_178 = tpu.sem_alloc : memref<!tpu.dma_semaphore, #tpu.memory_space<semaphore_mem>>
      %dma_start3A_179 = arith.constant 0 : i32
      %dma_start3A_180 = tpu.memref_slice %arg10[%add3A_137, %dma_start3A_179] : memref<10240x128xf32, #tpu.memory_space<vmem_shared>> -> memref<80x128xf32, #tpu.memory_space<vmem_shared>>
      %dma_start3A_181 = arith.constant 0 : i32
      %dma_start3A_182 = tpu.memref_slice %arg10[%add3A_137, %dma_start3A_181] : memref<10240x128xf32, #tpu.memory_space<vmem_shared>> -> memref<80x128xf32, #tpu.memory_space<vmem_shared>>
      tpu.enqueue_dma source(%dma_start3A_182 : memref<80x128xf32, #tpu.memory_space<vmem_shared>>) target(%arg8 : memref<80x128xf32, #tpu.memory_space<vmem>>) target_semaphore(%run_scoped3A_178 : memref<!tpu.dma_semaphore, #tpu.memory_space<semaphore_mem>>)
      %dma_wait3A_183 = arith.constant 0 : i32
      %dma_wait3A_184 = tpu.memref_slice %arg10[%add3A_137, %dma_wait3A_183] : memref<10240x128xf32, #tpu.memory_space<vmem_shared>> -> memref<80x128xf32, #tpu.memory_space<vmem_shared>>
      %dma_wait3A_185 = arith.constant 0 : i32
      %dma_wait3A_186 = tpu.memref_slice %arg10[%add3A_137, %dma_wait3A_185] : memref<10240x128xf32, #tpu.memory_space<vmem_shared>> -> memref<80x128xf32, #tpu.memory_space<vmem_shared>>
      tpu.wait_dma2 semaphore(%run_scoped3A_178 : memref<!tpu.dma_semaphore, #tpu.memory_space<semaphore_mem>>) src(%dma_wait3A_186 : memref<80x128xf32, #tpu.memory_space<vmem_shared>>) dst(%arg8 : memref<80x128xf32, #tpu.memory_space<vmem>>)
      tpu.yield
    }) : () -> ()
    %mul3A_138 = arith.constant 10240 : i32
    %mul3A_139 = arith.muli %arg0, %mul3A_138 : i32
    %mul3A_140 = arith.constant 640 : i32
    %mul3A_141 = arith.muli %arg1, %mul3A_140 : i32
    %add3A_142 = arith.addi %mul3A_139, %mul3A_141 : i32
    %add3A_143 = arith.constant 320 : i32
    %add3A_144 = arith.addi %add3A_142, %add3A_143 : i32
    "tpu.region"() ({
      %run_scoped3A_178 = tpu.sem_alloc : memref<!tpu.dma_semaphore, #tpu.memory_space<semaphore_mem>>
      %dma_start3A_179 = arith.constant 0 : i32
      %dma_start3A_180 = tpu.memref_slice %arg5[%add3A_144, %dma_start3A_179] : memref<20480x128xf32, #tpu.memory_space<hbm>> -> memref<80x128xf32, #tpu.memory_space<hbm>>
      %dma_start3A_181 = arith.constant 0 : i32
      %dma_start3A_182 = tpu.memref_slice %arg5[%add3A_144, %dma_start3A_181] : memref<20480x128xf32, #tpu.memory_space<hbm>> -> memref<80x128xf32, #tpu.memory_space<hbm>>
      tpu.enqueue_dma source(%arg8 : memref<80x128xf32, #tpu.memory_space<vmem>>) target(%dma_start3A_182 : memref<80x128xf32, #tpu.memory_space<hbm>>) target_semaphore(%run_scoped3A_178 : memref<!tpu.dma_semaphore, #tpu.memory_space<semaphore_mem>>)
      %dma_wait3A_183 = arith.constant 0 : i32
      %dma_wait3A_184 = tpu.memref_slice %arg5[%add3A_144, %dma_wait3A_183] : memref<20480x128xf32, #tpu.memory_space<hbm>> -> memref<80x128xf32, #tpu.memory_space<hbm>>
      %dma_wait3A_185 = arith.constant 0 : i32
      %dma_wait3A_186 = tpu.memref_slice %arg5[%add3A_144, %dma_wait3A_185] : memref<20480x128xf32, #tpu.memory_space<hbm>> -> memref<80x128xf32, #tpu.memory_space<hbm>>
      tpu.wait_dma2 semaphore(%run_scoped3A_178 : memref<!tpu.dma_semaphore, #tpu.memory_space<semaphore_mem>>) src(%arg8 : memref<80x128xf32, #tpu.memory_space<vmem>>) dst(%dma_wait3A_186 : memref<80x128xf32, #tpu.memory_space<hbm>>)
      tpu.yield
    }) : () -> ()
    %mul3A_145 = arith.constant 640 : i32
    %mul3A_146 = arith.muli %arg1, %mul3A_145 : i32
    %add3A_147 = arith.constant 400 : i32
    %add3A_148 = arith.addi %mul3A_146, %add3A_147 : i32
    "tpu.region"() ({
      %run_scoped3A_178 = tpu.sem_alloc : memref<!tpu.dma_semaphore, #tpu.memory_space<semaphore_mem>>
      %dma_start3A_179 = arith.constant 0 : i32
      %dma_start3A_180 = tpu.memref_slice %arg10[%add3A_148, %dma_start3A_179] : memref<10240x128xf32, #tpu.memory_space<vmem_shared>> -> memref<80x128xf32, #tpu.memory_space<vmem_shared>>
      %dma_start3A_181 = arith.constant 0 : i32
      %dma_start3A_182 = tpu.memref_slice %arg10[%add3A_148, %dma_start3A_181] : memref<10240x128xf32, #tpu.memory_space<vmem_shared>> -> memref<80x128xf32, #tpu.memory_space<vmem_shared>>
      tpu.enqueue_dma source(%dma_start3A_182 : memref<80x128xf32, #tpu.memory_space<vmem_shared>>) target(%arg8 : memref<80x128xf32, #tpu.memory_space<vmem>>) target_semaphore(%run_scoped3A_178 : memref<!tpu.dma_semaphore, #tpu.memory_space<semaphore_mem>>)
      %dma_wait3A_183 = arith.constant 0 : i32
      %dma_wait3A_184 = tpu.memref_slice %arg10[%add3A_148, %dma_wait3A_183] : memref<10240x128xf32, #tpu.memory_space<vmem_shared>> -> memref<80x128xf32, #tpu.memory_space<vmem_shared>>
      %dma_wait3A_185 = arith.constant 0 : i32
      %dma_wait3A_186 = tpu.memref_slice %arg10[%add3A_148, %dma_wait3A_185] : memref<10240x128xf32, #tpu.memory_space<vmem_shared>> -> memref<80x128xf32, #tpu.memory_space<vmem_shared>>
      tpu.wait_dma2 semaphore(%run_scoped3A_178 : memref<!tpu.dma_semaphore, #tpu.memory_space<semaphore_mem>>) src(%dma_wait3A_186 : memref<80x128xf32, #tpu.memory_space<vmem_shared>>) dst(%arg8 : memref<80x128xf32, #tpu.memory_space<vmem>>)
      tpu.yield
    }) : () -> ()
    %mul3A_149 = arith.constant 10240 : i32
    %mul3A_150 = arith.muli %arg0, %mul3A_149 : i32
    %mul3A_151 = arith.constant 640 : i32
    %mul3A_152 = arith.muli %arg1, %mul3A_151 : i32
    %add3A_153 = arith.addi %mul3A_150, %mul3A_152 : i32
    %add3A_154 = arith.constant 400 : i32
    %add3A_155 = arith.addi %add3A_153, %add3A_154 : i32
    "tpu.region"() ({
      %run_scoped3A_178 = tpu.sem_alloc : memref<!tpu.dma_semaphore, #tpu.memory_space<semaphore_mem>>
      %dma_start3A_179 = arith.constant 0 : i32
      %dma_start3A_180 = tpu.memref_slice %arg5[%add3A_155, %dma_start3A_179] : memref<20480x128xf32, #tpu.memory_space<hbm>> -> memref<80x128xf32, #tpu.memory_space<hbm>>
      %dma_start3A_181 = arith.constant 0 : i32
      %dma_start3A_182 = tpu.memref_slice %arg5[%add3A_155, %dma_start3A_181] : memref<20480x128xf32, #tpu.memory_space<hbm>> -> memref<80x128xf32, #tpu.memory_space<hbm>>
      tpu.enqueue_dma source(%arg8 : memref<80x128xf32, #tpu.memory_space<vmem>>) target(%dma_start3A_182 : memref<80x128xf32, #tpu.memory_space<hbm>>) target_semaphore(%run_scoped3A_178 : memref<!tpu.dma_semaphore, #tpu.memory_space<semaphore_mem>>)
      %dma_wait3A_183 = arith.constant 0 : i32
      %dma_wait3A_184 = tpu.memref_slice %arg5[%add3A_155, %dma_wait3A_183] : memref<20480x128xf32, #tpu.memory_space<hbm>> -> memref<80x128xf32, #tpu.memory_space<hbm>>
      %dma_wait3A_185 = arith.constant 0 : i32
      %dma_wait3A_186 = tpu.memref_slice %arg5[%add3A_155, %dma_wait3A_185] : memref<20480x128xf32, #tpu.memory_space<hbm>> -> memref<80x128xf32, #tpu.memory_space<hbm>>
      tpu.wait_dma2 semaphore(%run_scoped3A_178 : memref<!tpu.dma_semaphore, #tpu.memory_space<semaphore_mem>>) src(%arg8 : memref<80x128xf32, #tpu.memory_space<vmem>>) dst(%dma_wait3A_186 : memref<80x128xf32, #tpu.memory_space<hbm>>)
      tpu.yield
    }) : () -> ()
    %mul3A_156 = arith.constant 640 : i32
    %mul3A_157 = arith.muli %arg1, %mul3A_156 : i32
    %add3A_158 = arith.constant 480 : i32
    %add3A_159 = arith.addi %mul3A_157, %add3A_158 : i32
    "tpu.region"() ({
      %run_scoped3A_178 = tpu.sem_alloc : memref<!tpu.dma_semaphore, #tpu.memory_space<semaphore_mem>>
      %dma_start3A_179 = arith.constant 0 : i32
      %dma_start3A_180 = tpu.memref_slice %arg10[%add3A_159, %dma_start3A_179] : memref<10240x128xf32, #tpu.memory_space<vmem_shared>> -> memref<80x128xf32, #tpu.memory_space<vmem_shared>>
      %dma_start3A_181 = arith.constant 0 : i32
      %dma_start3A_182 = tpu.memref_slice %arg10[%add3A_159, %dma_start3A_181] : memref<10240x128xf32, #tpu.memory_space<vmem_shared>> -> memref<80x128xf32, #tpu.memory_space<vmem_shared>>
      tpu.enqueue_dma source(%dma_start3A_182 : memref<80x128xf32, #tpu.memory_space<vmem_shared>>) target(%arg8 : memref<80x128xf32, #tpu.memory_space<vmem>>) target_semaphore(%run_scoped3A_178 : memref<!tpu.dma_semaphore, #tpu.memory_space<semaphore_mem>>)
      %dma_wait3A_183 = arith.constant 0 : i32
      %dma_wait3A_184 = tpu.memref_slice %arg10[%add3A_159, %dma_wait3A_183] : memref<10240x128xf32, #tpu.memory_space<vmem_shared>> -> memref<80x128xf32, #tpu.memory_space<vmem_shared>>
      %dma_wait3A_185 = arith.constant 0 : i32
      %dma_wait3A_186 = tpu.memref_slice %arg10[%add3A_159, %dma_wait3A_185] : memref<10240x128xf32, #tpu.memory_space<vmem_shared>> -> memref<80x128xf32, #tpu.memory_space<vmem_shared>>
      tpu.wait_dma2 semaphore(%run_scoped3A_178 : memref<!tpu.dma_semaphore, #tpu.memory_space<semaphore_mem>>) src(%dma_wait3A_186 : memref<80x128xf32, #tpu.memory_space<vmem_shared>>) dst(%arg8 : memref<80x128xf32, #tpu.memory_space<vmem>>)
      tpu.yield
    }) : () -> ()
    %mul3A_160 = arith.constant 10240 : i32
    %mul3A_161 = arith.muli %arg0, %mul3A_160 : i32
    %mul3A_162 = arith.constant 640 : i32
    %mul3A_163 = arith.muli %arg1, %mul3A_162 : i32
    %add3A_164 = arith.addi %mul3A_161, %mul3A_163 : i32
    %add3A_165 = arith.constant 480 : i32
    %add3A_166 = arith.addi %add3A_164, %add3A_165 : i32
    "tpu.region"() ({
      %run_scoped3A_178 = tpu.sem_alloc : memref<!tpu.dma_semaphore, #tpu.memory_space<semaphore_mem>>
      %dma_start3A_179 = arith.constant 0 : i32
      %dma_start3A_180 = tpu.memref_slice %arg5[%add3A_166, %dma_start3A_179] : memref<20480x128xf32, #tpu.memory_space<hbm>> -> memref<80x128xf32, #tpu.memory_space<hbm>>
      %dma_start3A_181 = arith.constant 0 : i32
      %dma_start3A_182 = tpu.memref_slice %arg5[%add3A_166, %dma_start3A_181] : memref<20480x128xf32, #tpu.memory_space<hbm>> -> memref<80x128xf32, #tpu.memory_space<hbm>>
      tpu.enqueue_dma source(%arg8 : memref<80x128xf32, #tpu.memory_space<vmem>>) target(%dma_start3A_182 : memref<80x128xf32, #tpu.memory_space<hbm>>) target_semaphore(%run_scoped3A_178 : memref<!tpu.dma_semaphore, #tpu.memory_space<semaphore_mem>>)
      %dma_wait3A_183 = arith.constant 0 : i32
      %dma_wait3A_184 = tpu.memref_slice %arg5[%add3A_166, %dma_wait3A_183] : memref<20480x128xf32, #tpu.memory_space<hbm>> -> memref<80x128xf32, #tpu.memory_space<hbm>>
      %dma_wait3A_185 = arith.constant 0 : i32
      %dma_wait3A_186 = tpu.memref_slice %arg5[%add3A_166, %dma_wait3A_185] : memref<20480x128xf32, #tpu.memory_space<hbm>> -> memref<80x128xf32, #tpu.memory_space<hbm>>
      tpu.wait_dma2 semaphore(%run_scoped3A_178 : memref<!tpu.dma_semaphore, #tpu.memory_space<semaphore_mem>>) src(%arg8 : memref<80x128xf32, #tpu.memory_space<vmem>>) dst(%dma_wait3A_186 : memref<80x128xf32, #tpu.memory_space<hbm>>)
      tpu.yield
    }) : () -> ()
    %mul3A_167 = arith.constant 640 : i32
    %mul3A_168 = arith.muli %arg1, %mul3A_167 : i32
    %add3A_169 = arith.constant 560 : i32
    %add3A_170 = arith.addi %mul3A_168, %add3A_169 : i32
    "tpu.region"() ({
      %run_scoped3A_178 = tpu.sem_alloc : memref<!tpu.dma_semaphore, #tpu.memory_space<semaphore_mem>>
      %dma_start3A_179 = arith.constant 0 : i32
      %dma_start3A_180 = tpu.memref_slice %arg10[%add3A_170, %dma_start3A_179] : memref<10240x128xf32, #tpu.memory_space<vmem_shared>> -> memref<80x128xf32, #tpu.memory_space<vmem_shared>>
      %dma_start3A_181 = arith.constant 0 : i32
      %dma_start3A_182 = tpu.memref_slice %arg10[%add3A_170, %dma_start3A_181] : memref<10240x128xf32, #tpu.memory_space<vmem_shared>> -> memref<80x128xf32, #tpu.memory_space<vmem_shared>>
      tpu.enqueue_dma source(%dma_start3A_182 : memref<80x128xf32, #tpu.memory_space<vmem_shared>>) target(%arg8 : memref<80x128xf32, #tpu.memory_space<vmem>>) target_semaphore(%run_scoped3A_178 : memref<!tpu.dma_semaphore, #tpu.memory_space<semaphore_mem>>)
      %dma_wait3A_183 = arith.constant 0 : i32
      %dma_wait3A_184 = tpu.memref_slice %arg10[%add3A_170, %dma_wait3A_183] : memref<10240x128xf32, #tpu.memory_space<vmem_shared>> -> memref<80x128xf32, #tpu.memory_space<vmem_shared>>
      %dma_wait3A_185 = arith.constant 0 : i32
      %dma_wait3A_186 = tpu.memref_slice %arg10[%add3A_170, %dma_wait3A_185] : memref<10240x128xf32, #tpu.memory_space<vmem_shared>> -> memref<80x128xf32, #tpu.memory_space<vmem_shared>>
      tpu.wait_dma2 semaphore(%run_scoped3A_178 : memref<!tpu.dma_semaphore, #tpu.memory_space<semaphore_mem>>) src(%dma_wait3A_186 : memref<80x128xf32, #tpu.memory_space<vmem_shared>>) dst(%arg8 : memref<80x128xf32, #tpu.memory_space<vmem>>)
      tpu.yield
    }) : () -> ()
    %mul3A_171 = arith.constant 10240 : i32
    %mul3A_172 = arith.muli %arg0, %mul3A_171 : i32
    %mul3A_173 = arith.constant 640 : i32
    %mul3A_174 = arith.muli %arg1, %mul3A_173 : i32
    %add3A_175 = arith.addi %mul3A_172, %mul3A_174 : i32
    %add3A_176 = arith.constant 560 : i32
    %add3A_177 = arith.addi %add3A_175, %add3A_176 : i32
    "tpu.region"() ({
      %run_scoped3A_178 = tpu.sem_alloc : memref<!tpu.dma_semaphore, #tpu.memory_space<semaphore_mem>>
      %dma_start3A_179 = arith.constant 0 : i32
      %dma_start3A_180 = tpu.memref_slice %arg5[%add3A_177, %dma_start3A_179] : memref<20480x128xf32, #tpu.memory_space<hbm>> -> memref<80x128xf32, #tpu.memory_space<hbm>>
      %dma_start3A_181 = arith.constant 0 : i32
      %dma_start3A_182 = tpu.memref_slice %arg5[%add3A_177, %dma_start3A_181] : memref<20480x128xf32, #tpu.memory_space<hbm>> -> memref<80x128xf32, #tpu.memory_space<hbm>>
      tpu.enqueue_dma source(%arg8 : memref<80x128xf32, #tpu.memory_space<vmem>>) target(%dma_start3A_182 : memref<80x128xf32, #tpu.memory_space<hbm>>) target_semaphore(%run_scoped3A_178 : memref<!tpu.dma_semaphore, #tpu.memory_space<semaphore_mem>>)
      %dma_wait3A_183 = arith.constant 0 : i32
      %dma_wait3A_184 = tpu.memref_slice %arg5[%add3A_177, %dma_wait3A_183] : memref<20480x128xf32, #tpu.memory_space<hbm>> -> memref<80x128xf32, #tpu.memory_space<hbm>>
      %dma_wait3A_185 = arith.constant 0 : i32
      %dma_wait3A_186 = tpu.memref_slice %arg5[%add3A_177, %dma_wait3A_185] : memref<20480x128xf32, #tpu.memory_space<hbm>> -> memref<80x128xf32, #tpu.memory_space<hbm>>
      tpu.wait_dma2 semaphore(%run_scoped3A_178 : memref<!tpu.dma_semaphore, #tpu.memory_space<semaphore_mem>>) src(%arg8 : memref<80x128xf32, #tpu.memory_space<vmem>>) dst(%dma_wait3A_186 : memref<80x128xf32, #tpu.memory_space<hbm>>)
      tpu.yield
    }) : () -> ()
    return
  }
}

#map = affine_map<(d0, d1) -> (0, 0)>
#map1 = affine_map<(d0, d1) -> (0, 0, 0)>
module attributes {stable_mosaic.version = 14 : i64} {
  func.func @_sc1_body(%arg0: i32, %arg1: i32, %arg2: memref<10000x128xf32, #tpu.memory_space<hbm>>, %arg3: memref<32x125x80xi32, #tpu.memory_space<hbm>>, %arg4: memref<32x125x80xi32, #tpu.memory_space<hbm>>, %arg5: memref<10240x128xf32, #tpu.memory_space<hbm>>, %arg6: memref<10240x16xf32, #tpu.memory_space<hbm>>, %arg7: memref<20480x16xf32, #tpu.memory_space<hbm>>, %arg8: memref<125x80xi32, #tpu.memory_space<vmem>>, %arg9: memref<125x80xi32, #tpu.memory_space<vmem>>, %arg10: memref<80x128xf32, #tpu.memory_space<vmem>>, %arg11: memref<80x128xf32, #tpu.memory_space<vmem>>, %arg12: memref<80x16xf32, #tpu.memory_space<vmem>>, %arg13: memref<640x16xf32, #tpu.memory_space<vmem>>, %arg14: memref<5120x128xf32, #tpu.memory_space<vmem_shared>>, %arg15: memref<5120x16xf32, #tpu.memory_space<vmem_shared>>, %arg16: memref<10240x16xf32, #tpu.memory_space<vmem_shared>>, %arg17: memref<!tpu.dma_semaphore, #tpu.memory_space<semaphore_mem>>, %arg18: memref<!tpu.dma_semaphore, #tpu.memory_space<semaphore_mem>>, %arg19: memref<!tpu.dma_semaphore, #tpu.memory_space<semaphore_mem>>) attributes {dimension_semantics = [#tpu.dimension_semantics<core_parallel>, #tpu.dimension_semantics<subcore_parallel>], iteration_bounds = array<i64: 2, 16>, scalar_prefetch = 0 : i64, scratch_operands = 12 : i64, tpu.core_type = #tpu.core_type<sc_vector_subcore>, window_params = [{transform_indices = #map}, {transform_indices = #map1}, {transform_indices = #map1}, {transform_indices = #map}, {transform_indices = #map}, {transform_indices = #map}]} {
    %mul3A = arith.constant 2 : i32
    %mul3A_0 = arith.muli %arg1, %mul3A : i32
    %add3A = arith.addi %mul3A_0, %arg0 : i32
    %dma_start3A = arith.constant 0 : i32
    %dma_start3A_1 = arith.constant 0 : i32
    %dma_start3A_2 = tpu.memref_slice %arg3[%add3A, %dma_start3A, %dma_start3A_1] : memref<32x125x80xi32, #tpu.memory_space<hbm>> -> memref<1x125x80xi32, #tpu.memory_space<hbm>>
    %dma_start3A_3 = tpu.memref_squeeze %dma_start3A_2 : memref<1x125x80xi32, #tpu.memory_space<hbm>> -> memref<125x80xi32, #tpu.memory_space<hbm>>
    %dma_start3A_4 = arith.constant 0 : i32
    %dma_start3A_5 = arith.constant 0 : i32
    %dma_start3A_6 = tpu.memref_slice %arg3[%add3A, %dma_start3A_4, %dma_start3A_5] : memref<32x125x80xi32, #tpu.memory_space<hbm>> -> memref<1x125x80xi32, #tpu.memory_space<hbm>>
    %dma_start3A_7 = tpu.memref_squeeze %dma_start3A_6 : memref<1x125x80xi32, #tpu.memory_space<hbm>> -> memref<125x80xi32, #tpu.memory_space<hbm>>
    tpu.enqueue_dma source(%dma_start3A_7 : memref<125x80xi32, #tpu.memory_space<hbm>>) target(%arg8 : memref<125x80xi32, #tpu.memory_space<vmem>>) target_semaphore(%arg17 : memref<!tpu.dma_semaphore, #tpu.memory_space<semaphore_mem>>)
    %dma_start3A_8 = arith.constant 0 : i32
    %dma_start3A_9 = arith.constant 0 : i32
    %dma_start3A_10 = tpu.memref_slice %arg4[%add3A, %dma_start3A_8, %dma_start3A_9] : memref<32x125x80xi32, #tpu.memory_space<hbm>> -> memref<1x125x80xi32, #tpu.memory_space<hbm>>
    %dma_start3A_11 = tpu.memref_squeeze %dma_start3A_10 : memref<1x125x80xi32, #tpu.memory_space<hbm>> -> memref<125x80xi32, #tpu.memory_space<hbm>>
    %dma_start3A_12 = arith.constant 0 : i32
    %dma_start3A_13 = arith.constant 0 : i32
    %dma_start3A_14 = tpu.memref_slice %arg4[%add3A, %dma_start3A_12, %dma_start3A_13] : memref<32x125x80xi32, #tpu.memory_space<hbm>> -> memref<1x125x80xi32, #tpu.memory_space<hbm>>
    %dma_start3A_15 = tpu.memref_squeeze %dma_start3A_14 : memref<1x125x80xi32, #tpu.memory_space<hbm>> -> memref<125x80xi32, #tpu.memory_space<hbm>>
    tpu.enqueue_dma source(%dma_start3A_15 : memref<125x80xi32, #tpu.memory_space<hbm>>) target(%arg9 : memref<125x80xi32, #tpu.memory_space<vmem>>) target_semaphore(%arg18 : memref<!tpu.dma_semaphore, #tpu.memory_space<semaphore_mem>>)
    %broadcast_in_dim3A = arith.constant 0.000000e+00 : f32
    %broadcast_in_dim3A_16 = vector.broadcast %broadcast_in_dim3A : f32 to vector<16xf32>
    %scan3A = arith.constant 0 : i32
    %scan3A_17 = arith.constant 0 : i32
    %scan3A_18 = arith.constant 80 : i32
    %scan3A_19 = arith.addi %scan3A_17, %scan3A_18 : i32
    %scan3A_20 = arith.constant 1 : i32
    scf.for %scan3A_194 = %scan3A_17 to %scan3A_19 step %scan3A_20  : i32 {
      %swap3A = arith.index_cast %scan3A_194 : i32 to index
      %swap3A_195 = arith.constant 0 : index
      %swap3A_196 = tpu.vector_load %arg10[%swap3A, %swap3A_195] {strides = array<i32>} : memref<80x128xf32, #tpu.memory_space<vmem>>, vector<1x16xf32>,
      %swap3A_197 = vector.shape_cast %swap3A_196 : vector<1x16xf32> to vector<16xf32>
      %swap3A_198 = vector.shape_cast %broadcast_in_dim3A_16 : vector<16xf32> to vector<1x16xf32>
      tpu.vector_store %arg10[%swap3A, %swap3A_195], %swap3A_198 {strides = array<i32>} : memref<80x128xf32, #tpu.memory_space<vmem>>, vector<1x16xf32>,
      %swap3A_199 = arith.index_cast %scan3A_194 : i32 to index
      %swap3A_200 = arith.constant 16 : index
      %swap3A_201 = tpu.vector_load %arg10[%swap3A_199, %swap3A_200] {strides = array<i32>} : memref<80x128xf32, #tpu.memory_space<vmem>>, vector<1x16xf32>,
      %swap3A_202 = vector.shape_cast %swap3A_201 : vector<1x16xf32> to vector<16xf32>
      %swap3A_203 = vector.shape_cast %broadcast_in_dim3A_16 : vector<16xf32> to vector<1x16xf32>
      tpu.vector_store %arg10[%swap3A_199, %swap3A_200], %swap3A_203 {strides = array<i32>} : memref<80x128xf32, #tpu.memory_space<vmem>>, vector<1x16xf32>,
      %swap3A_204 = arith.index_cast %scan3A_194 : i32 to index
      %swap3A_205 = arith.constant 32 : index
      %swap3A_206 = tpu.vector_load %arg10[%swap3A_204, %swap3A_205] {strides = array<i32>} : memref<80x128xf32, #tpu.memory_space<vmem>>, vector<1x16xf32>,
      %swap3A_207 = vector.shape_cast %swap3A_206 : vector<1x16xf32> to vector<16xf32>
      %swap3A_208 = vector.shape_cast %broadcast_in_dim3A_16 : vector<16xf32> to vector<1x16xf32>
      tpu.vector_store %arg10[%swap3A_204, %swap3A_205], %swap3A_208 {strides = array<i32>} : memref<80x128xf32, #tpu.memory_space<vmem>>, vector<1x16xf32>,
      %swap3A_209 = arith.index_cast %scan3A_194 : i32 to index
      %swap3A_210 = arith.constant 48 : index
      %swap3A_211 = tpu.vector_load %arg10[%swap3A_209, %swap3A_210] {strides = array<i32>} : memref<80x128xf32, #tpu.memory_space<vmem>>, vector<1x16xf32>,
      %swap3A_212 = vector.shape_cast %swap3A_211 : vector<1x16xf32> to vector<16xf32>
      %swap3A_213 = vector.shape_cast %broadcast_in_dim3A_16 : vector<16xf32> to vector<1x16xf32>
      tpu.vector_store %arg10[%swap3A_209, %swap3A_210], %swap3A_213 {strides = array<i32>} : memref<80x128xf32, #tpu.memory_space<vmem>>, vector<1x16xf32>,
      %swap3A_214 = arith.index_cast %scan3A_194 : i32 to index
      %swap3A_215 = arith.constant 64 : index
      %swap3A_216 = tpu.vector_load %arg10[%swap3A_214, %swap3A_215] {strides = array<i32>} : memref<80x128xf32, #tpu.memory_space<vmem>>, vector<1x16xf32>,
      %swap3A_217 = vector.shape_cast %swap3A_216 : vector<1x16xf32> to vector<16xf32>
      %swap3A_218 = vector.shape_cast %broadcast_in_dim3A_16 : vector<16xf32> to vector<1x16xf32>
      tpu.vector_store %arg10[%swap3A_214, %swap3A_215], %swap3A_218 {strides = array<i32>} : memref<80x128xf32, #tpu.memory_space<vmem>>, vector<1x16xf32>,
      %swap3A_219 = arith.index_cast %scan3A_194 : i32 to index
      %swap3A_220 = arith.constant 80 : index
      %swap3A_221 = tpu.vector_load %arg10[%swap3A_219, %swap3A_220] {strides = array<i32>} : memref<80x128xf32, #tpu.memory_space<vmem>>, vector<1x16xf32>,
      %swap3A_222 = vector.shape_cast %swap3A_221 : vector<1x16xf32> to vector<16xf32>
      %swap3A_223 = vector.shape_cast %broadcast_in_dim3A_16 : vector<16xf32> to vector<1x16xf32>
      tpu.vector_store %arg10[%swap3A_219, %swap3A_220], %swap3A_223 {strides = array<i32>} : memref<80x128xf32, #tpu.memory_space<vmem>>, vector<1x16xf32>,
      %swap3A_224 = arith.index_cast %scan3A_194 : i32 to index
      %swap3A_225 = arith.constant 96 : index
      %swap3A_226 = tpu.vector_load %arg10[%swap3A_224, %swap3A_225] {strides = array<i32>} : memref<80x128xf32, #tpu.memory_space<vmem>>, vector<1x16xf32>,
      %swap3A_227 = vector.shape_cast %swap3A_226 : vector<1x16xf32> to vector<16xf32>
      %swap3A_228 = vector.shape_cast %broadcast_in_dim3A_16 : vector<16xf32> to vector<1x16xf32>
      tpu.vector_store %arg10[%swap3A_224, %swap3A_225], %swap3A_228 {strides = array<i32>} : memref<80x128xf32, #tpu.memory_space<vmem>>, vector<1x16xf32>,
      %swap3A_229 = arith.index_cast %scan3A_194 : i32 to index
      %swap3A_230 = arith.constant 112 : index
      %swap3A_231 = tpu.vector_load %arg10[%swap3A_229, %swap3A_230] {strides = array<i32>} : memref<80x128xf32, #tpu.memory_space<vmem>>, vector<1x16xf32>,
      %swap3A_232 = vector.shape_cast %swap3A_231 : vector<1x16xf32> to vector<16xf32>
      %swap3A_233 = vector.shape_cast %broadcast_in_dim3A_16 : vector<16xf32> to vector<1x16xf32>
      tpu.vector_store %arg10[%swap3A_229, %swap3A_230], %swap3A_233 {strides = array<i32>} : memref<80x128xf32, #tpu.memory_space<vmem>>, vector<1x16xf32>,
    }
    %scan3A_21 = arith.constant 80 : i32
    %broadcast_in_dim3A_22 = arith.constant 0.000000e+00 : f32
    %broadcast_in_dim3A_23 = vector.broadcast %broadcast_in_dim3A_22 : f32 to vector<16xf32>
    %scan3A_24 = arith.constant 0 : i32
    %scan3A_25 = arith.constant 0 : i32
    %scan3A_26 = arith.constant 640 : i32
    %scan3A_27 = arith.addi %scan3A_25, %scan3A_26 : i32
    %scan3A_28 = arith.constant 1 : i32
    scf.for %scan3A_194 = %scan3A_25 to %scan3A_27 step %scan3A_28  : i32 {
      %swap3A = arith.index_cast %scan3A_194 : i32 to index
      %swap3A_195 = arith.constant 0 : index
      %swap3A_196 = tpu.vector_load %arg13[%swap3A, %swap3A_195] {strides = array<i32>} : memref<640x16xf32, #tpu.memory_space<vmem>>, vector<1x16xf32>,
      %swap3A_197 = vector.shape_cast %swap3A_196 : vector<1x16xf32> to vector<16xf32>
      %swap3A_198 = vector.shape_cast %broadcast_in_dim3A_23 : vector<16xf32> to vector<1x16xf32>
      tpu.vector_store %arg13[%swap3A, %swap3A_195], %swap3A_198 {strides = array<i32>} : memref<640x16xf32, #tpu.memory_space<vmem>>, vector<1x16xf32>,
    }
    %scan3A_29 = arith.constant 640 : i32
    %broadcast_in_dim3A_30 = arith.constant 1.000000e+00 : f32
    %broadcast_in_dim3A_31 = vector.broadcast %broadcast_in_dim3A_30 : f32 to vector<16xf32>
    %scan3A_32 = arith.constant 0 : i32
    %scan3A_33 = arith.constant 0 : i32
    %scan3A_34 = arith.constant 80 : i32
    %scan3A_35 = arith.addi %scan3A_33, %scan3A_34 : i32
    %scan3A_36 = arith.constant 1 : i32
    scf.for %scan3A_194 = %scan3A_33 to %scan3A_35 step %scan3A_36  : i32 {
      %swap3A = arith.index_cast %scan3A_194 : i32 to index
      %swap3A_195 = arith.constant 0 : index
      %swap3A_196 = tpu.vector_load %arg12[%swap3A, %swap3A_195] {strides = array<i32>} : memref<80x16xf32, #tpu.memory_space<vmem>>, vector<1x16xf32>,
      %swap3A_197 = vector.shape_cast %swap3A_196 : vector<1x16xf32> to vector<16xf32>
      %swap3A_198 = vector.shape_cast %broadcast_in_dim3A_31 : vector<16xf32> to vector<1x16xf32>
      tpu.vector_store %arg12[%swap3A, %swap3A_195], %swap3A_198 {strides = array<i32>} : memref<80x16xf32, #tpu.memory_space<vmem>>, vector<1x16xf32>,
    }
    %scan3A_37 = arith.constant 80 : i32
    %mul3A_38 = arith.constant 320 : i32
    %mul3A_39 = arith.muli %arg1, %mul3A_38 : i32
    %add3A_40 = arith.constant 0 : i32
    %add3A_41 = arith.addi %mul3A_39, %add3A_40 : i32
    "tpu.region"() ({
      %run_scoped3A = tpu.sem_alloc : memref<!tpu.dma_semaphore, #tpu.memory_space<semaphore_mem>>
      %dma_start3A_194 = arith.constant 0 : i32
      %dma_start3A_195 = arith.constant 0 : i32
      %dma_start3A_196 = tpu.memref_slice %arg10[%dma_start3A_194, %dma_start3A_195] : memref<80x128xf32, #tpu.memory_space<vmem>> -> memref<80x128xf32, #tpu.memory_space<vmem>>
      %dma_start3A_197 = arith.constant 0 : i32
      %dma_start3A_198 = tpu.memref_slice %arg14[%add3A_41, %dma_start3A_197] : memref<5120x128xf32, #tpu.memory_space<vmem_shared>> -> memref<80x128xf32, #tpu.memory_space<vmem_shared>>
      %dma_start3A_199 = arith.constant 0 : i32
      %dma_start3A_200 = tpu.memref_slice %arg14[%add3A_41, %dma_start3A_199] : memref<5120x128xf32, #tpu.memory_space<vmem_shared>> -> memref<80x128xf32, #tpu.memory_space<vmem_shared>>
      %dma_start3A_201 = arith.constant 0 : i32
      %dma_start3A_202 = arith.constant 0 : i32
      %dma_start3A_203 = tpu.memref_slice %arg10[%dma_start3A_201, %dma_start3A_202] : memref<80x128xf32, #tpu.memory_space<vmem>> -> memref<80x128xf32, #tpu.memory_space<vmem>>
      tpu.enqueue_dma source(%dma_start3A_203 : memref<80x128xf32, #tpu.memory_space<vmem>>) target(%dma_start3A_200 : memref<80x128xf32, #tpu.memory_space<vmem_shared>>) target_semaphore(%run_scoped3A : memref<!tpu.dma_semaphore, #tpu.memory_space<semaphore_mem>>)
      %dma_wait3A_204 = arith.constant 0 : i32
      %dma_wait3A_205 = arith.constant 0 : i32
      %dma_wait3A_206 = tpu.memref_slice %arg10[%dma_wait3A_204, %dma_wait3A_205] : memref<80x128xf32, #tpu.memory_space<vmem>> -> memref<80x128xf32, #tpu.memory_space<vmem>>
      %dma_wait3A_207 = arith.constant 0 : i32
      %dma_wait3A_208 = tpu.memref_slice %arg14[%add3A_41, %dma_wait3A_207] : memref<5120x128xf32, #tpu.memory_space<vmem_shared>> -> memref<80x128xf32, #tpu.memory_space<vmem_shared>>
      %dma_wait3A_209 = arith.constant 0 : i32
      %dma_wait3A_210 = tpu.memref_slice %arg14[%add3A_41, %dma_wait3A_209] : memref<5120x128xf32, #tpu.memory_space<vmem_shared>> -> memref<80x128xf32, #tpu.memory_space<vmem_shared>>
      %dma_wait3A_211 = arith.constant 0 : i32
      %dma_wait3A_212 = arith.constant 0 : i32
      %dma_wait3A_213 = tpu.memref_slice %arg10[%dma_wait3A_211, %dma_wait3A_212] : memref<80x128xf32, #tpu.memory_space<vmem>> -> memref<80x128xf32, #tpu.memory_space<vmem>>
      tpu.wait_dma2 semaphore(%run_scoped3A : memref<!tpu.dma_semaphore, #tpu.memory_space<semaphore_mem>>) src(%dma_wait3A_213 : memref<80x128xf32, #tpu.memory_space<vmem>>) dst(%dma_wait3A_210 : memref<80x128xf32, #tpu.memory_space<vmem_shared>>)
      tpu.yield
    }) : () -> ()
    %mul3A_42 = arith.constant 320 : i32
    %mul3A_43 = arith.muli %arg1, %mul3A_42 : i32
    %add3A_44 = arith.constant 80 : i32
    %add3A_45 = arith.addi %mul3A_43, %add3A_44 : i32
    "tpu.region"() ({
      %run_scoped3A = tpu.sem_alloc : memref<!tpu.dma_semaphore, #tpu.memory_space<semaphore_mem>>
      %dma_start3A_194 = arith.constant 0 : i32
      %dma_start3A_195 = arith.constant 0 : i32
      %dma_start3A_196 = tpu.memref_slice %arg10[%dma_start3A_194, %dma_start3A_195] : memref<80x128xf32, #tpu.memory_space<vmem>> -> memref<80x128xf32, #tpu.memory_space<vmem>>
      %dma_start3A_197 = arith.constant 0 : i32
      %dma_start3A_198 = tpu.memref_slice %arg14[%add3A_45, %dma_start3A_197] : memref<5120x128xf32, #tpu.memory_space<vmem_shared>> -> memref<80x128xf32, #tpu.memory_space<vmem_shared>>
      %dma_start3A_199 = arith.constant 0 : i32
      %dma_start3A_200 = tpu.memref_slice %arg14[%add3A_45, %dma_start3A_199] : memref<5120x128xf32, #tpu.memory_space<vmem_shared>> -> memref<80x128xf32, #tpu.memory_space<vmem_shared>>
      %dma_start3A_201 = arith.constant 0 : i32
      %dma_start3A_202 = arith.constant 0 : i32
      %dma_start3A_203 = tpu.memref_slice %arg10[%dma_start3A_201, %dma_start3A_202] : memref<80x128xf32, #tpu.memory_space<vmem>> -> memref<80x128xf32, #tpu.memory_space<vmem>>
      tpu.enqueue_dma source(%dma_start3A_203 : memref<80x128xf32, #tpu.memory_space<vmem>>) target(%dma_start3A_200 : memref<80x128xf32, #tpu.memory_space<vmem_shared>>) target_semaphore(%run_scoped3A : memref<!tpu.dma_semaphore, #tpu.memory_space<semaphore_mem>>)
      %dma_wait3A_204 = arith.constant 0 : i32
      %dma_wait3A_205 = arith.constant 0 : i32
      %dma_wait3A_206 = tpu.memref_slice %arg10[%dma_wait3A_204, %dma_wait3A_205] : memref<80x128xf32, #tpu.memory_space<vmem>> -> memref<80x128xf32, #tpu.memory_space<vmem>>
      %dma_wait3A_207 = arith.constant 0 : i32
      %dma_wait3A_208 = tpu.memref_slice %arg14[%add3A_45, %dma_wait3A_207] : memref<5120x128xf32, #tpu.memory_space<vmem_shared>> -> memref<80x128xf32, #tpu.memory_space<vmem_shared>>
      %dma_wait3A_209 = arith.constant 0 : i32
      %dma_wait3A_210 = tpu.memref_slice %arg14[%add3A_45, %dma_wait3A_209] : memref<5120x128xf32, #tpu.memory_space<vmem_shared>> -> memref<80x128xf32, #tpu.memory_space<vmem_shared>>
      %dma_wait3A_211 = arith.constant 0 : i32
      %dma_wait3A_212 = arith.constant 0 : i32
      %dma_wait3A_213 = tpu.memref_slice %arg10[%dma_wait3A_211, %dma_wait3A_212] : memref<80x128xf32, #tpu.memory_space<vmem>> -> memref<80x128xf32, #tpu.memory_space<vmem>>
      tpu.wait_dma2 semaphore(%run_scoped3A : memref<!tpu.dma_semaphore, #tpu.memory_space<semaphore_mem>>) src(%dma_wait3A_213 : memref<80x128xf32, #tpu.memory_space<vmem>>) dst(%dma_wait3A_210 : memref<80x128xf32, #tpu.memory_space<vmem_shared>>)
      tpu.yield
    }) : () -> ()
    %mul3A_46 = arith.constant 320 : i32
    %mul3A_47 = arith.muli %arg1, %mul3A_46 : i32
    %add3A_48 = arith.constant 160 : i32
    %add3A_49 = arith.addi %mul3A_47, %add3A_48 : i32
    "tpu.region"() ({
      %run_scoped3A = tpu.sem_alloc : memref<!tpu.dma_semaphore, #tpu.memory_space<semaphore_mem>>
      %dma_start3A_194 = arith.constant 0 : i32
      %dma_start3A_195 = arith.constant 0 : i32
      %dma_start3A_196 = tpu.memref_slice %arg10[%dma_start3A_194, %dma_start3A_195] : memref<80x128xf32, #tpu.memory_space<vmem>> -> memref<80x128xf32, #tpu.memory_space<vmem>>
      %dma_start3A_197 = arith.constant 0 : i32
      %dma_start3A_198 = tpu.memref_slice %arg14[%add3A_49, %dma_start3A_197] : memref<5120x128xf32, #tpu.memory_space<vmem_shared>> -> memref<80x128xf32, #tpu.memory_space<vmem_shared>>
      %dma_start3A_199 = arith.constant 0 : i32
      %dma_start3A_200 = tpu.memref_slice %arg14[%add3A_49, %dma_start3A_199] : memref<5120x128xf32, #tpu.memory_space<vmem_shared>> -> memref<80x128xf32, #tpu.memory_space<vmem_shared>>
      %dma_start3A_201 = arith.constant 0 : i32
      %dma_start3A_202 = arith.constant 0 : i32
      %dma_start3A_203 = tpu.memref_slice %arg10[%dma_start3A_201, %dma_start3A_202] : memref<80x128xf32, #tpu.memory_space<vmem>> -> memref<80x128xf32, #tpu.memory_space<vmem>>
      tpu.enqueue_dma source(%dma_start3A_203 : memref<80x128xf32, #tpu.memory_space<vmem>>) target(%dma_start3A_200 : memref<80x128xf32, #tpu.memory_space<vmem_shared>>) target_semaphore(%run_scoped3A : memref<!tpu.dma_semaphore, #tpu.memory_space<semaphore_mem>>)
      %dma_wait3A_204 = arith.constant 0 : i32
      %dma_wait3A_205 = arith.constant 0 : i32
      %dma_wait3A_206 = tpu.memref_slice %arg10[%dma_wait3A_204, %dma_wait3A_205] : memref<80x128xf32, #tpu.memory_space<vmem>> -> memref<80x128xf32, #tpu.memory_space<vmem>>
      %dma_wait3A_207 = arith.constant 0 : i32
      %dma_wait3A_208 = tpu.memref_slice %arg14[%add3A_49, %dma_wait3A_207] : memref<5120x128xf32, #tpu.memory_space<vmem_shared>> -> memref<80x128xf32, #tpu.memory_space<vmem_shared>>
      %dma_wait3A_209 = arith.constant 0 : i32
      %dma_wait3A_210 = tpu.memref_slice %arg14[%add3A_49, %dma_wait3A_209] : memref<5120x128xf32, #tpu.memory_space<vmem_shared>> -> memref<80x128xf32, #tpu.memory_space<vmem_shared>>
      %dma_wait3A_211 = arith.constant 0 : i32
      %dma_wait3A_212 = arith.constant 0 : i32
      %dma_wait3A_213 = tpu.memref_slice %arg10[%dma_wait3A_211, %dma_wait3A_212] : memref<80x128xf32, #tpu.memory_space<vmem>> -> memref<80x128xf32, #tpu.memory_space<vmem>>
      tpu.wait_dma2 semaphore(%run_scoped3A : memref<!tpu.dma_semaphore, #tpu.memory_space<semaphore_mem>>) src(%dma_wait3A_213 : memref<80x128xf32, #tpu.memory_space<vmem>>) dst(%dma_wait3A_210 : memref<80x128xf32, #tpu.memory_space<vmem_shared>>)
      tpu.yield
    }) : () -> ()
    %mul3A_50 = arith.constant 320 : i32
    %mul3A_51 = arith.muli %arg1, %mul3A_50 : i32
    %add3A_52 = arith.constant 240 : i32
    %add3A_53 = arith.addi %mul3A_51, %add3A_52 : i32
    "tpu.region"() ({
      %run_scoped3A = tpu.sem_alloc : memref<!tpu.dma_semaphore, #tpu.memory_space<semaphore_mem>>
      %dma_start3A_194 = arith.constant 0 : i32
      %dma_start3A_195 = arith.constant 0 : i32
      %dma_start3A_196 = tpu.memref_slice %arg10[%dma_start3A_194, %dma_start3A_195] : memref<80x128xf32, #tpu.memory_space<vmem>> -> memref<80x128xf32, #tpu.memory_space<vmem>>
      %dma_start3A_197 = arith.constant 0 : i32
      %dma_start3A_198 = tpu.memref_slice %arg14[%add3A_53, %dma_start3A_197] : memref<5120x128xf32, #tpu.memory_space<vmem_shared>> -> memref<80x128xf32, #tpu.memory_space<vmem_shared>>
      %dma_start3A_199 = arith.constant 0 : i32
      %dma_start3A_200 = tpu.memref_slice %arg14[%add3A_53, %dma_start3A_199] : memref<5120x128xf32, #tpu.memory_space<vmem_shared>> -> memref<80x128xf32, #tpu.memory_space<vmem_shared>>
      %dma_start3A_201 = arith.constant 0 : i32
      %dma_start3A_202 = arith.constant 0 : i32
      %dma_start3A_203 = tpu.memref_slice %arg10[%dma_start3A_201, %dma_start3A_202] : memref<80x128xf32, #tpu.memory_space<vmem>> -> memref<80x128xf32, #tpu.memory_space<vmem>>
      tpu.enqueue_dma source(%dma_start3A_203 : memref<80x128xf32, #tpu.memory_space<vmem>>) target(%dma_start3A_200 : memref<80x128xf32, #tpu.memory_space<vmem_shared>>) target_semaphore(%run_scoped3A : memref<!tpu.dma_semaphore, #tpu.memory_space<semaphore_mem>>)
      %dma_wait3A_204 = arith.constant 0 : i32
      %dma_wait3A_205 = arith.constant 0 : i32
      %dma_wait3A_206 = tpu.memref_slice %arg10[%dma_wait3A_204, %dma_wait3A_205] : memref<80x128xf32, #tpu.memory_space<vmem>> -> memref<80x128xf32, #tpu.memory_space<vmem>>
      %dma_wait3A_207 = arith.constant 0 : i32
      %dma_wait3A_208 = tpu.memref_slice %arg14[%add3A_53, %dma_wait3A_207] : memref<5120x128xf32, #tpu.memory_space<vmem_shared>> -> memref<80x128xf32, #tpu.memory_space<vmem_shared>>
      %dma_wait3A_209 = arith.constant 0 : i32
      %dma_wait3A_210 = tpu.memref_slice %arg14[%add3A_53, %dma_wait3A_209] : memref<5120x128xf32, #tpu.memory_space<vmem_shared>> -> memref<80x128xf32, #tpu.memory_space<vmem_shared>>
      %dma_wait3A_211 = arith.constant 0 : i32
      %dma_wait3A_212 = arith.constant 0 : i32
      %dma_wait3A_213 = tpu.memref_slice %arg10[%dma_wait3A_211, %dma_wait3A_212] : memref<80x128xf32, #tpu.memory_space<vmem>> -> memref<80x128xf32, #tpu.memory_space<vmem>>
      tpu.wait_dma2 semaphore(%run_scoped3A : memref<!tpu.dma_semaphore, #tpu.memory_space<semaphore_mem>>) src(%dma_wait3A_213 : memref<80x128xf32, #tpu.memory_space<vmem>>) dst(%dma_wait3A_210 : memref<80x128xf32, #tpu.memory_space<vmem_shared>>)
      tpu.yield
    }) : () -> ()
    %mul3A_54 = arith.constant 320 : i32
    %mul3A_55 = arith.muli %arg1, %mul3A_54 : i32
    "tpu.region"() ({
      %run_scoped3A = tpu.sem_alloc : memref<!tpu.dma_semaphore, #tpu.memory_space<semaphore_mem>>
      %dma_start3A_194 = arith.constant 0 : i32
      %dma_start3A_195 = arith.constant 0 : i32
      %dma_start3A_196 = tpu.memref_slice %arg13[%dma_start3A_194, %dma_start3A_195] : memref<640x16xf32, #tpu.memory_space<vmem>> -> memref<320x16xf32, #tpu.memory_space<vmem>>
      %dma_start3A_197 = arith.constant 0 : i32
      %dma_start3A_198 = tpu.memref_slice %arg15[%mul3A_55, %dma_start3A_197] : memref<5120x16xf32, #tpu.memory_space<vmem_shared>> -> memref<320x16xf32, #tpu.memory_space<vmem_shared>>
      %dma_start3A_199 = arith.constant 0 : i32
      %dma_start3A_200 = tpu.memref_slice %arg15[%mul3A_55, %dma_start3A_199] : memref<5120x16xf32, #tpu.memory_space<vmem_shared>> -> memref<320x16xf32, #tpu.memory_space<vmem_shared>>
      %dma_start3A_201 = arith.constant 0 : i32
      %dma_start3A_202 = arith.constant 0 : i32
      %dma_start3A_203 = tpu.memref_slice %arg13[%dma_start3A_201, %dma_start3A_202] : memref<640x16xf32, #tpu.memory_space<vmem>> -> memref<320x16xf32, #tpu.memory_space<vmem>>
      tpu.enqueue_dma source(%dma_start3A_203 : memref<320x16xf32, #tpu.memory_space<vmem>>) target(%dma_start3A_200 : memref<320x16xf32, #tpu.memory_space<vmem_shared>>) target_semaphore(%run_scoped3A : memref<!tpu.dma_semaphore, #tpu.memory_space<semaphore_mem>>)
      %dma_wait3A_204 = arith.constant 0 : i32
      %dma_wait3A_205 = arith.constant 0 : i32
      %dma_wait3A_206 = tpu.memref_slice %arg13[%dma_wait3A_204, %dma_wait3A_205] : memref<640x16xf32, #tpu.memory_space<vmem>> -> memref<320x16xf32, #tpu.memory_space<vmem>>
      %dma_wait3A_207 = arith.constant 0 : i32
      %dma_wait3A_208 = tpu.memref_slice %arg15[%mul3A_55, %dma_wait3A_207] : memref<5120x16xf32, #tpu.memory_space<vmem_shared>> -> memref<320x16xf32, #tpu.memory_space<vmem_shared>>
      %dma_wait3A_209 = arith.constant 0 : i32
      %dma_wait3A_210 = tpu.memref_slice %arg15[%mul3A_55, %dma_wait3A_209] : memref<5120x16xf32, #tpu.memory_space<vmem_shared>> -> memref<320x16xf32, #tpu.memory_space<vmem_shared>>
      %dma_wait3A_211 = arith.constant 0 : i32
      %dma_wait3A_212 = arith.constant 0 : i32
      %dma_wait3A_213 = tpu.memref_slice %arg13[%dma_wait3A_211, %dma_wait3A_212] : memref<640x16xf32, #tpu.memory_space<vmem>> -> memref<320x16xf32, #tpu.memory_space<vmem>>
      tpu.wait_dma2 semaphore(%run_scoped3A : memref<!tpu.dma_semaphore, #tpu.memory_space<semaphore_mem>>) src(%dma_wait3A_213 : memref<320x16xf32, #tpu.memory_space<vmem>>) dst(%dma_wait3A_210 : memref<320x16xf32, #tpu.memory_space<vmem_shared>>)
      tpu.yield
    }) : () -> ()
    %mul3A_56 = arith.constant 640 : i32
    %mul3A_57 = arith.muli %arg1, %mul3A_56 : i32
    "tpu.region"() ({
      %run_scoped3A = tpu.sem_alloc : memref<!tpu.dma_semaphore, #tpu.memory_space<semaphore_mem>>
      %dma_start3A_194 = arith.constant 0 : i32
      %dma_start3A_195 = tpu.memref_slice %arg16[%mul3A_57, %dma_start3A_194] : memref<10240x16xf32, #tpu.memory_space<vmem_shared>> -> memref<640x16xf32, #tpu.memory_space<vmem_shared>>
      %dma_start3A_196 = arith.constant 0 : i32
      %dma_start3A_197 = tpu.memref_slice %arg16[%mul3A_57, %dma_start3A_196] : memref<10240x16xf32, #tpu.memory_space<vmem_shared>> -> memref<640x16xf32, #tpu.memory_space<vmem_shared>>
      tpu.enqueue_dma source(%arg13 : memref<640x16xf32, #tpu.memory_space<vmem>>) target(%dma_start3A_197 : memref<640x16xf32, #tpu.memory_space<vmem_shared>>) target_semaphore(%run_scoped3A : memref<!tpu.dma_semaphore, #tpu.memory_space<semaphore_mem>>)
      %dma_wait3A_198 = arith.constant 0 : i32
      %dma_wait3A_199 = tpu.memref_slice %arg16[%mul3A_57, %dma_wait3A_198] : memref<10240x16xf32, #tpu.memory_space<vmem_shared>> -> memref<640x16xf32, #tpu.memory_space<vmem_shared>>
      %dma_wait3A_200 = arith.constant 0 : i32
      %dma_wait3A_201 = tpu.memref_slice %arg16[%mul3A_57, %dma_wait3A_200] : memref<10240x16xf32, #tpu.memory_space<vmem_shared>> -> memref<640x16xf32, #tpu.memory_space<vmem_shared>>
      tpu.wait_dma2 semaphore(%run_scoped3A : memref<!tpu.dma_semaphore, #tpu.memory_space<semaphore_mem>>) src(%arg13 : memref<640x16xf32, #tpu.memory_space<vmem>>) dst(%dma_wait3A_201 : memref<640x16xf32, #tpu.memory_space<vmem_shared>>)
      tpu.yield
    }) : () -> ()
    %dma_wait3A = arith.constant 0 : i32
    %dma_wait3A_58 = arith.constant 0 : i32
    %dma_wait3A_59 = tpu.memref_slice %arg3[%add3A, %dma_wait3A, %dma_wait3A_58] : memref<32x125x80xi32, #tpu.memory_space<hbm>> -> memref<1x125x80xi32, #tpu.memory_space<hbm>>
    %dma_wait3A_60 = tpu.memref_squeeze %dma_wait3A_59 : memref<1x125x80xi32, #tpu.memory_space<hbm>> -> memref<125x80xi32, #tpu.memory_space<hbm>>
    %dma_wait3A_61 = arith.constant 0 : i32
    %dma_wait3A_62 = arith.constant 0 : i32
    %dma_wait3A_63 = tpu.memref_slice %arg3[%add3A, %dma_wait3A_61, %dma_wait3A_62] : memref<32x125x80xi32, #tpu.memory_space<hbm>> -> memref<1x125x80xi32, #tpu.memory_space<hbm>>
    %dma_wait3A_64 = tpu.memref_squeeze %dma_wait3A_63 : memref<1x125x80xi32, #tpu.memory_space<hbm>> -> memref<125x80xi32, #tpu.memory_space<hbm>>
    tpu.wait_dma2 semaphore(%arg17 : memref<!tpu.dma_semaphore, #tpu.memory_space<semaphore_mem>>) src(%dma_wait3A_64 : memref<125x80xi32, #tpu.memory_space<hbm>>) dst(%arg8 : memref<125x80xi32, #tpu.memory_space<vmem>>)
    %dma_wait3A_65 = arith.constant 0 : i32
    %dma_wait3A_66 = arith.constant 0 : i32
    %dma_wait3A_67 = tpu.memref_slice %arg4[%add3A, %dma_wait3A_65, %dma_wait3A_66] : memref<32x125x80xi32, #tpu.memory_space<hbm>> -> memref<1x125x80xi32, #tpu.memory_space<hbm>>
    %dma_wait3A_68 = tpu.memref_squeeze %dma_wait3A_67 : memref<1x125x80xi32, #tpu.memory_space<hbm>> -> memref<125x80xi32, #tpu.memory_space<hbm>>
    %dma_wait3A_69 = arith.constant 0 : i32
    %dma_wait3A_70 = arith.constant 0 : i32
    %dma_wait3A_71 = tpu.memref_slice %arg4[%add3A, %dma_wait3A_69, %dma_wait3A_70] : memref<32x125x80xi32, #tpu.memory_space<hbm>> -> memref<1x125x80xi32, #tpu.memory_space<hbm>>
    %dma_wait3A_72 = tpu.memref_squeeze %dma_wait3A_71 : memref<1x125x80xi32, #tpu.memory_space<hbm>> -> memref<125x80xi32, #tpu.memory_space<hbm>>
    tpu.wait_dma2 semaphore(%arg18 : memref<!tpu.dma_semaphore, #tpu.memory_space<semaphore_mem>>) src(%dma_wait3A_72 : memref<125x80xi32, #tpu.memory_space<hbm>>) dst(%arg9 : memref<125x80xi32, #tpu.memory_space<vmem>>)
    %barrier3A = arith.constant 0 : index
    tpu.barrier barrier_id(%barrier3A)
    %dma_start3A_73 = arith.constant 0 : i32
    %dma_start3A_74 = arith.constant 0 : i32
    %dma_start3A_75 = tpu.memref_slice %arg8[%dma_start3A_73, %dma_start3A_74] : memref<125x80xi32, #tpu.memory_space<vmem>> -> memref<1x80xi32, #tpu.memory_space<vmem>>
    %dma_start3A_76 = tpu.memref_squeeze %dma_start3A_75 : memref<1x80xi32, #tpu.memory_space<vmem>> -> memref<80xi32, #tpu.memory_space<vmem>>
    %dma_start3A_77 = arith.constant 0 : i32
    %dma_start3A_78 = arith.constant 0 : i32
    %dma_start3A_79 = tpu.memref_slice %arg2[%dma_start3A_77, %dma_start3A_78] : memref<10000x128xf32, #tpu.memory_space<hbm>> -> memref<10000x128xf32, #tpu.memory_space<hbm>>
    tpu.enqueue_indirect_dma source(%dma_start3A_79 : memref<10000x128xf32, #tpu.memory_space<hbm>>) target(%arg10 : memref<80x128xf32, #tpu.memory_space<vmem>>) offsets(%dma_start3A_76 : memref<80xi32, #tpu.memory_space<vmem>>) semaphore(%arg17 : memref<!tpu.dma_semaphore, #tpu.memory_space<semaphore_mem>>)
    %scan3A_80 = arith.constant 0 : i32
    %scan3A_81 = arith.constant 0 : i32
    %scan3A_82 = arith.constant 62 : i32
    %scan3A_83 = arith.addi %scan3A_81, %scan3A_82 : i32
    %scan3A_84 = arith.constant 1 : i32
    scf.for %scan3A_194 = %scan3A_81 to %scan3A_83 step %scan3A_84  : i32 {
      %mul3A_195 = arith.constant 2 : i32
      %mul3A_196 = arith.muli %mul3A_195, %scan3A_194 : i32
      %add3A_197 = arith.constant 1 : i32
      %add3A_198 = arith.addi %mul3A_196, %add3A_197 : i32
      %dma_start3A_199 = arith.constant 0 : i32
      %dma_start3A_200 = tpu.memref_slice %arg8[%add3A_198, %dma_start3A_199] : memref<125x80xi32, #tpu.memory_space<vmem>> -> memref<1x80xi32, #tpu.memory_space<vmem>>
      %dma_start3A_201 = tpu.memref_squeeze %dma_start3A_200 : memref<1x80xi32, #tpu.memory_space<vmem>> -> memref<80xi32, #tpu.memory_space<vmem>>
      %dma_start3A_202 = arith.constant 0 : i32
      %dma_start3A_203 = arith.constant 0 : i32
      %dma_start3A_204 = tpu.memref_slice %arg2[%dma_start3A_202, %dma_start3A_203] : memref<10000x128xf32, #tpu.memory_space<hbm>> -> memref<10000x128xf32, #tpu.memory_space<hbm>>
      tpu.enqueue_indirect_dma source(%dma_start3A_204 : memref<10000x128xf32, #tpu.memory_space<hbm>>) target(%arg11 : memref<80x128xf32, #tpu.memory_space<vmem>>) offsets(%dma_start3A_201 : memref<80xi32, #tpu.memory_space<vmem>>) semaphore(%arg18 : memref<!tpu.dma_semaphore, #tpu.memory_space<semaphore_mem>>)
      %dma_wait3A_205 = arith.constant 0 : i32
      %dma_wait3A_206 = tpu.memref_slice %arg8[%mul3A_196, %dma_wait3A_205] : memref<125x80xi32, #tpu.memory_space<vmem>> -> memref<1x80xi32, #tpu.memory_space<vmem>>
      %dma_wait3A_207 = tpu.memref_squeeze %dma_wait3A_206 : memref<1x80xi32, #tpu.memory_space<vmem>> -> memref<80xi32, #tpu.memory_space<vmem>>
      %dma_wait3A_208 = arith.constant 0 : i32
      %dma_wait3A_209 = arith.constant 0 : i32
      %dma_wait3A_210 = tpu.memref_slice %arg2[%dma_wait3A_208, %dma_wait3A_209] : memref<10000x128xf32, #tpu.memory_space<hbm>> -> memref<10000x128xf32, #tpu.memory_space<hbm>>
      tpu.wait_indirect_dma semaphore(%arg17 : memref<!tpu.dma_semaphore, #tpu.memory_space<semaphore_mem>>) src(%dma_wait3A_210 : memref<10000x128xf32, #tpu.memory_space<hbm>>) dst(%arg10 : memref<80x128xf32, #tpu.memory_space<vmem>>)
      %dma_start3A_211 = arith.constant 0 : i32
      %dma_start3A_212 = tpu.memref_slice %arg9[%mul3A_196, %dma_start3A_211] : memref<125x80xi32, #tpu.memory_space<vmem>> -> memref<1x80xi32, #tpu.memory_space<vmem>>
      %dma_start3A_213 = tpu.memref_squeeze %dma_start3A_212 : memref<1x80xi32, #tpu.memory_space<vmem>> -> memref<80xi32, #tpu.memory_space<vmem>>
      %dma_start3A_214 = arith.constant 0 : i32
      %dma_start3A_215 = arith.constant 0 : i32
      %dma_start3A_216 = tpu.memref_slice %arg14[%dma_start3A_214, %dma_start3A_215] : memref<5120x128xf32, #tpu.memory_space<vmem_shared>> -> memref<5120x128xf32, #tpu.memory_space<vmem_shared>>
      tpu.enqueue_indirect_dma source(%arg10 : memref<80x128xf32, #tpu.memory_space<vmem>>) target(%dma_start3A_216 : memref<5120x128xf32, #tpu.memory_space<vmem_shared>>) offsets(%dma_start3A_213 : memref<80xi32, #tpu.memory_space<vmem>>) semaphore(%arg19 : memref<!tpu.dma_semaphore, #tpu.memory_space<semaphore_mem>>) {add = true}
      %dma_start3A_217 = arith.constant 0 : i32
      %dma_start3A_218 = tpu.memref_slice %arg9[%mul3A_196, %dma_start3A_217] : memref<125x80xi32, #tpu.memory_space<vmem>> -> memref<1x80xi32, #tpu.memory_space<vmem>>
      %dma_start3A_219 = tpu.memref_squeeze %dma_start3A_218 : memref<1x80xi32, #tpu.memory_space<vmem>> -> memref<80xi32, #tpu.memory_space<vmem>>
      %dma_start3A_220 = arith.constant 0 : i32
      %dma_start3A_221 = arith.constant 0 : i32
      %dma_start3A_222 = tpu.memref_slice %arg15[%dma_start3A_220, %dma_start3A_221] : memref<5120x16xf32, #tpu.memory_space<vmem_shared>> -> memref<5120x16xf32, #tpu.memory_space<vmem_shared>>
      tpu.enqueue_indirect_dma source(%arg12 : memref<80x16xf32, #tpu.memory_space<vmem>>) target(%dma_start3A_222 : memref<5120x16xf32, #tpu.memory_space<vmem_shared>>) offsets(%dma_start3A_219 : memref<80xi32, #tpu.memory_space<vmem>>) semaphore(%arg19 : memref<!tpu.dma_semaphore, #tpu.memory_space<semaphore_mem>>) {add = true}
      %dma_start3A_223 = arith.constant 0 : i32
      %dma_start3A_224 = tpu.memref_slice %arg8[%mul3A_196, %dma_start3A_223] : memref<125x80xi32, #tpu.memory_space<vmem>> -> memref<1x80xi32, #tpu.memory_space<vmem>>
      %dma_start3A_225 = tpu.memref_squeeze %dma_start3A_224 : memref<1x80xi32, #tpu.memory_space<vmem>> -> memref<80xi32, #tpu.memory_space<vmem>>
      %dma_start3A_226 = arith.constant 0 : i32
      %dma_start3A_227 = arith.constant 0 : i32
      %dma_start3A_228 = tpu.memref_slice %arg16[%dma_start3A_226, %dma_start3A_227] : memref<10240x16xf32, #tpu.memory_space<vmem_shared>> -> memref<10240x16xf32, #tpu.memory_space<vmem_shared>>
      tpu.enqueue_indirect_dma source(%arg12 : memref<80x16xf32, #tpu.memory_space<vmem>>) target(%dma_start3A_228 : memref<10240x16xf32, #tpu.memory_space<vmem_shared>>) offsets(%dma_start3A_225 : memref<80xi32, #tpu.memory_space<vmem>>) semaphore(%arg19 : memref<!tpu.dma_semaphore, #tpu.memory_space<semaphore_mem>>) {add = true}
      %dma_wait3A_229 = arith.constant 0 : i32
      %dma_wait3A_230 = tpu.memref_slice %arg9[%mul3A_196, %dma_wait3A_229] : memref<125x80xi32, #tpu.memory_space<vmem>> -> memref<1x80xi32, #tpu.memory_space<vmem>>
      %dma_wait3A_231 = tpu.memref_squeeze %dma_wait3A_230 : memref<1x80xi32, #tpu.memory_space<vmem>> -> memref<80xi32, #tpu.memory_space<vmem>>
      %dma_wait3A_232 = arith.constant 0 : i32
      %dma_wait3A_233 = arith.constant 0 : i32
      %dma_wait3A_234 = tpu.memref_slice %arg14[%dma_wait3A_232, %dma_wait3A_233] : memref<5120x128xf32, #tpu.memory_space<vmem_shared>> -> memref<5120x128xf32, #tpu.memory_space<vmem_shared>>
      tpu.wait_indirect_dma semaphore(%arg19 : memref<!tpu.dma_semaphore, #tpu.memory_space<semaphore_mem>>) src(%arg10 : memref<80x128xf32, #tpu.memory_space<vmem>>) dst(%dma_wait3A_234 : memref<5120x128xf32, #tpu.memory_space<vmem_shared>>)
      %dma_wait3A_235 = arith.constant 0 : i32
      %dma_wait3A_236 = tpu.memref_slice %arg9[%mul3A_196, %dma_wait3A_235] : memref<125x80xi32, #tpu.memory_space<vmem>> -> memref<1x80xi32, #tpu.memory_space<vmem>>
      %dma_wait3A_237 = tpu.memref_squeeze %dma_wait3A_236 : memref<1x80xi32, #tpu.memory_space<vmem>> -> memref<80xi32, #tpu.memory_space<vmem>>
      %dma_wait3A_238 = arith.constant 0 : i32
      %dma_wait3A_239 = arith.constant 0 : i32
      %dma_wait3A_240 = tpu.memref_slice %arg15[%dma_wait3A_238, %dma_wait3A_239] : memref<5120x16xf32, #tpu.memory_space<vmem_shared>> -> memref<5120x16xf32, #tpu.memory_space<vmem_shared>>
      tpu.wait_indirect_dma semaphore(%arg19 : memref<!tpu.dma_semaphore, #tpu.memory_space<semaphore_mem>>) src(%arg12 : memref<80x16xf32, #tpu.memory_space<vmem>>) dst(%dma_wait3A_240 : memref<5120x16xf32, #tpu.memory_space<vmem_shared>>)
      %dma_wait3A_241 = arith.constant 0 : i32
      %dma_wait3A_242 = tpu.memref_slice %arg8[%mul3A_196, %dma_wait3A_241] : memref<125x80xi32, #tpu.memory_space<vmem>> -> memref<1x80xi32, #tpu.memory_space<vmem>>
      %dma_wait3A_243 = tpu.memref_squeeze %dma_wait3A_242 : memref<1x80xi32, #tpu.memory_space<vmem>> -> memref<80xi32, #tpu.memory_space<vmem>>
      %dma_wait3A_244 = arith.constant 0 : i32
      %dma_wait3A_245 = arith.constant 0 : i32
      %dma_wait3A_246 = tpu.memref_slice %arg16[%dma_wait3A_244, %dma_wait3A_245] : memref<10240x16xf32, #tpu.memory_space<vmem_shared>> -> memref<10240x16xf32, #tpu.memory_space<vmem_shared>>
      tpu.wait_indirect_dma semaphore(%arg19 : memref<!tpu.dma_semaphore, #tpu.memory_space<semaphore_mem>>) src(%arg12 : memref<80x16xf32, #tpu.memory_space<vmem>>) dst(%dma_wait3A_246 : memref<10240x16xf32, #tpu.memory_space<vmem_shared>>)
      %add3A_247 = arith.constant 2 : i32
      %add3A_248 = arith.addi %mul3A_196, %add3A_247 : i32
      %dma_start3A_249 = arith.constant 0 : i32
      %dma_start3A_250 = tpu.memref_slice %arg8[%add3A_248, %dma_start3A_249] : memref<125x80xi32, #tpu.memory_space<vmem>> -> memref<1x80xi32, #tpu.memory_space<vmem>>
      %dma_start3A_251 = tpu.memref_squeeze %dma_start3A_250 : memref<1x80xi32, #tpu.memory_space<vmem>> -> memref<80xi32, #tpu.memory_space<vmem>>
      %dma_start3A_252 = arith.constant 0 : i32
      %dma_start3A_253 = arith.constant 0 : i32
      %dma_start3A_254 = tpu.memref_slice %arg2[%dma_start3A_252, %dma_start3A_253] : memref<10000x128xf32, #tpu.memory_space<hbm>> -> memref<10000x128xf32, #tpu.memory_space<hbm>>
      tpu.enqueue_indirect_dma source(%dma_start3A_254 : memref<10000x128xf32, #tpu.memory_space<hbm>>) target(%arg10 : memref<80x128xf32, #tpu.memory_space<vmem>>) offsets(%dma_start3A_251 : memref<80xi32, #tpu.memory_space<vmem>>) semaphore(%arg17 : memref<!tpu.dma_semaphore, #tpu.memory_space<semaphore_mem>>)
      %dma_wait3A_255 = arith.constant 0 : i32
      %dma_wait3A_256 = tpu.memref_slice %arg8[%mul3A_196, %dma_wait3A_255] : memref<125x80xi32, #tpu.memory_space<vmem>> -> memref<1x80xi32, #tpu.memory_space<vmem>>
      %dma_wait3A_257 = tpu.memref_squeeze %dma_wait3A_256 : memref<1x80xi32, #tpu.memory_space<vmem>> -> memref<80xi32, #tpu.memory_space<vmem>>
      %dma_wait3A_258 = arith.constant 0 : i32
      %dma_wait3A_259 = arith.constant 0 : i32
      %dma_wait3A_260 = tpu.memref_slice %arg2[%dma_wait3A_258, %dma_wait3A_259] : memref<10000x128xf32, #tpu.memory_space<hbm>> -> memref<10000x128xf32, #tpu.memory_space<hbm>>
      tpu.wait_indirect_dma semaphore(%arg18 : memref<!tpu.dma_semaphore, #tpu.memory_space<semaphore_mem>>) src(%dma_wait3A_260 : memref<10000x128xf32, #tpu.memory_space<hbm>>) dst(%arg11 : memref<80x128xf32, #tpu.memory_space<vmem>>)
      %add3A_261 = arith.constant 1 : i32
      %add3A_262 = arith.addi %mul3A_196, %add3A_261 : i32
      %dma_start3A_263 = arith.constant 0 : i32
      %dma_start3A_264 = tpu.memref_slice %arg9[%add3A_262, %dma_start3A_263] : memref<125x80xi32, #tpu.memory_space<vmem>> -> memref<1x80xi32, #tpu.memory_space<vmem>>
      %dma_start3A_265 = tpu.memref_squeeze %dma_start3A_264 : memref<1x80xi32, #tpu.memory_space<vmem>> -> memref<80xi32, #tpu.memory_space<vmem>>
      %dma_start3A_266 = arith.constant 0 : i32
      %dma_start3A_267 = arith.constant 0 : i32
      %dma_start3A_268 = tpu.memref_slice %arg14[%dma_start3A_266, %dma_start3A_267] : memref<5120x128xf32, #tpu.memory_space<vmem_shared>> -> memref<5120x128xf32, #tpu.memory_space<vmem_shared>>
      tpu.enqueue_indirect_dma source(%arg11 : memref<80x128xf32, #tpu.memory_space<vmem>>) target(%dma_start3A_268 : memref<5120x128xf32, #tpu.memory_space<vmem_shared>>) offsets(%dma_start3A_265 : memref<80xi32, #tpu.memory_space<vmem>>) semaphore(%arg19 : memref<!tpu.dma_semaphore, #tpu.memory_space<semaphore_mem>>) {add = true}
      %dma_start3A_269 = arith.constant 0 : i32
      %dma_start3A_270 = tpu.memref_slice %arg9[%add3A_262, %dma_start3A_269] : memref<125x80xi32, #tpu.memory_space<vmem>> -> memref<1x80xi32, #tpu.memory_space<vmem>>
      %dma_start3A_271 = tpu.memref_squeeze %dma_start3A_270 : memref<1x80xi32, #tpu.memory_space<vmem>> -> memref<80xi32, #tpu.memory_space<vmem>>
      %dma_start3A_272 = arith.constant 0 : i32
      %dma_start3A_273 = arith.constant 0 : i32
      %dma_start3A_274 = tpu.memref_slice %arg15[%dma_start3A_272, %dma_start3A_273] : memref<5120x16xf32, #tpu.memory_space<vmem_shared>> -> memref<5120x16xf32, #tpu.memory_space<vmem_shared>>
      tpu.enqueue_indirect_dma source(%arg12 : memref<80x16xf32, #tpu.memory_space<vmem>>) target(%dma_start3A_274 : memref<5120x16xf32, #tpu.memory_space<vmem_shared>>) offsets(%dma_start3A_271 : memref<80xi32, #tpu.memory_space<vmem>>) semaphore(%arg19 : memref<!tpu.dma_semaphore, #tpu.memory_space<semaphore_mem>>) {add = true}
      %dma_start3A_275 = arith.constant 0 : i32
      %dma_start3A_276 = tpu.memref_slice %arg8[%add3A_262, %dma_start3A_275] : memref<125x80xi32, #tpu.memory_space<vmem>> -> memref<1x80xi32, #tpu.memory_space<vmem>>
      %dma_start3A_277 = tpu.memref_squeeze %dma_start3A_276 : memref<1x80xi32, #tpu.memory_space<vmem>> -> memref<80xi32, #tpu.memory_space<vmem>>
      %dma_start3A_278 = arith.constant 0 : i32
      %dma_start3A_279 = arith.constant 0 : i32
      %dma_start3A_280 = tpu.memref_slice %arg16[%dma_start3A_278, %dma_start3A_279] : memref<10240x16xf32, #tpu.memory_space<vmem_shared>> -> memref<10240x16xf32, #tpu.memory_space<vmem_shared>>
      tpu.enqueue_indirect_dma source(%arg12 : memref<80x16xf32, #tpu.memory_space<vmem>>) target(%dma_start3A_280 : memref<10240x16xf32, #tpu.memory_space<vmem_shared>>) offsets(%dma_start3A_277 : memref<80xi32, #tpu.memory_space<vmem>>) semaphore(%arg19 : memref<!tpu.dma_semaphore, #tpu.memory_space<semaphore_mem>>) {add = true}
      %dma_wait3A_281 = arith.constant 0 : i32
      %dma_wait3A_282 = tpu.memref_slice %arg9[%add3A_262, %dma_wait3A_281] : memref<125x80xi32, #tpu.memory_space<vmem>> -> memref<1x80xi32, #tpu.memory_space<vmem>>
      %dma_wait3A_283 = tpu.memref_squeeze %dma_wait3A_282 : memref<1x80xi32, #tpu.memory_space<vmem>> -> memref<80xi32, #tpu.memory_space<vmem>>
      %dma_wait3A_284 = arith.constant 0 : i32
      %dma_wait3A_285 = arith.constant 0 : i32
      %dma_wait3A_286 = tpu.memref_slice %arg14[%dma_wait3A_284, %dma_wait3A_285] : memref<5120x128xf32, #tpu.memory_space<vmem_shared>> -> memref<5120x128xf32, #tpu.memory_space<vmem_shared>>
      tpu.wait_indirect_dma semaphore(%arg19 : memref<!tpu.dma_semaphore, #tpu.memory_space<semaphore_mem>>) src(%arg11 : memref<80x128xf32, #tpu.memory_space<vmem>>) dst(%dma_wait3A_286 : memref<5120x128xf32, #tpu.memory_space<vmem_shared>>)
      %dma_wait3A_287 = arith.constant 0 : i32
      %dma_wait3A_288 = tpu.memref_slice %arg9[%add3A_262, %dma_wait3A_287] : memref<125x80xi32, #tpu.memory_space<vmem>> -> memref<1x80xi32, #tpu.memory_space<vmem>>
      %dma_wait3A_289 = tpu.memref_squeeze %dma_wait3A_288 : memref<1x80xi32, #tpu.memory_space<vmem>> -> memref<80xi32, #tpu.memory_space<vmem>>
      %dma_wait3A_290 = arith.constant 0 : i32
      %dma_wait3A_291 = arith.constant 0 : i32
      %dma_wait3A_292 = tpu.memref_slice %arg15[%dma_wait3A_290, %dma_wait3A_291] : memref<5120x16xf32, #tpu.memory_space<vmem_shared>> -> memref<5120x16xf32, #tpu.memory_space<vmem_shared>>
      tpu.wait_indirect_dma semaphore(%arg19 : memref<!tpu.dma_semaphore, #tpu.memory_space<semaphore_mem>>) src(%arg12 : memref<80x16xf32, #tpu.memory_space<vmem>>) dst(%dma_wait3A_292 : memref<5120x16xf32, #tpu.memory_space<vmem_shared>>)
      %dma_wait3A_293 = arith.constant 0 : i32
      %dma_wait3A_294 = tpu.memref_slice %arg8[%add3A_262, %dma_wait3A_293] : memref<125x80xi32, #tpu.memory_space<vmem>> -> memref<1x80xi32, #tpu.memory_space<vmem>>
      %dma_wait3A_295 = tpu.memref_squeeze %dma_wait3A_294 : memref<1x80xi32, #tpu.memory_space<vmem>> -> memref<80xi32, #tpu.memory_space<vmem>>
      %dma_wait3A_296 = arith.constant 0 : i32
      %dma_wait3A_297 = arith.constant 0 : i32
      %dma_wait3A_298 = tpu.memref_slice %arg16[%dma_wait3A_296, %dma_wait3A_297] : memref<10240x16xf32, #tpu.memory_space<vmem_shared>> -> memref<10240x16xf32, #tpu.memory_space<vmem_shared>>
      tpu.wait_indirect_dma semaphore(%arg19 : memref<!tpu.dma_semaphore, #tpu.memory_space<semaphore_mem>>) src(%arg12 : memref<80x16xf32, #tpu.memory_space<vmem>>) dst(%dma_wait3A_298 : memref<10240x16xf32, #tpu.memory_space<vmem_shared>>)
    }
    %scan3A_85 = arith.constant 62 : i32
    %dma_wait3A_86 = arith.constant 0 : i32
    %dma_wait3A_87 = arith.constant 0 : i32
    %dma_wait3A_88 = tpu.memref_slice %arg8[%dma_wait3A_86, %dma_wait3A_87] : memref<125x80xi32, #tpu.memory_space<vmem>> -> memref<1x80xi32, #tpu.memory_space<vmem>>
    %dma_wait3A_89 = tpu.memref_squeeze %dma_wait3A_88 : memref<1x80xi32, #tpu.memory_space<vmem>> -> memref<80xi32, #tpu.memory_space<vmem>>
    %dma_wait3A_90 = arith.constant 0 : i32
    %dma_wait3A_91 = arith.constant 0 : i32
    %dma_wait3A_92 = tpu.memref_slice %arg2[%dma_wait3A_90, %dma_wait3A_91] : memref<10000x128xf32, #tpu.memory_space<hbm>> -> memref<10000x128xf32, #tpu.memory_space<hbm>>
    tpu.wait_indirect_dma semaphore(%arg17 : memref<!tpu.dma_semaphore, #tpu.memory_space<semaphore_mem>>) src(%dma_wait3A_92 : memref<10000x128xf32, #tpu.memory_space<hbm>>) dst(%arg10 : memref<80x128xf32, #tpu.memory_space<vmem>>)
    %dma_start3A_93 = arith.constant 124 : i32
    %dma_start3A_94 = arith.constant 0 : i32
    %dma_start3A_95 = tpu.memref_slice %arg9[%dma_start3A_93, %dma_start3A_94] : memref<125x80xi32, #tpu.memory_space<vmem>> -> memref<1x80xi32, #tpu.memory_space<vmem>>
    %dma_start3A_96 = tpu.memref_squeeze %dma_start3A_95 : memref<1x80xi32, #tpu.memory_space<vmem>> -> memref<80xi32, #tpu.memory_space<vmem>>
    %dma_start3A_97 = arith.constant 0 : i32
    %dma_start3A_98 = arith.constant 0 : i32
    %dma_start3A_99 = tpu.memref_slice %arg14[%dma_start3A_97, %dma_start3A_98] : memref<5120x128xf32, #tpu.memory_space<vmem_shared>> -> memref<5120x128xf32, #tpu.memory_space<vmem_shared>>
    tpu.enqueue_indirect_dma source(%arg10 : memref<80x128xf32, #tpu.memory_space<vmem>>) target(%dma_start3A_99 : memref<5120x128xf32, #tpu.memory_space<vmem_shared>>) offsets(%dma_start3A_96 : memref<80xi32, #tpu.memory_space<vmem>>) semaphore(%arg19 : memref<!tpu.dma_semaphore, #tpu.memory_space<semaphore_mem>>) {add = true}
    %dma_start3A_100 = arith.constant 124 : i32
    %dma_start3A_101 = arith.constant 0 : i32
    %dma_start3A_102 = tpu.memref_slice %arg9[%dma_start3A_100, %dma_start3A_101] : memref<125x80xi32, #tpu.memory_space<vmem>> -> memref<1x80xi32, #tpu.memory_space<vmem>>
    %dma_start3A_103 = tpu.memref_squeeze %dma_start3A_102 : memref<1x80xi32, #tpu.memory_space<vmem>> -> memref<80xi32, #tpu.memory_space<vmem>>
    %dma_start3A_104 = arith.constant 0 : i32
    %dma_start3A_105 = arith.constant 0 : i32
    %dma_start3A_106 = tpu.memref_slice %arg15[%dma_start3A_104, %dma_start3A_105] : memref<5120x16xf32, #tpu.memory_space<vmem_shared>> -> memref<5120x16xf32, #tpu.memory_space<vmem_shared>>
    tpu.enqueue_indirect_dma source(%arg12 : memref<80x16xf32, #tpu.memory_space<vmem>>) target(%dma_start3A_106 : memref<5120x16xf32, #tpu.memory_space<vmem_shared>>) offsets(%dma_start3A_103 : memref<80xi32, #tpu.memory_space<vmem>>) semaphore(%arg19 : memref<!tpu.dma_semaphore, #tpu.memory_space<semaphore_mem>>) {add = true}
    %dma_start3A_107 = arith.constant 124 : i32
    %dma_start3A_108 = arith.constant 0 : i32
    %dma_start3A_109 = tpu.memref_slice %arg8[%dma_start3A_107, %dma_start3A_108] : memref<125x80xi32, #tpu.memory_space<vmem>> -> memref<1x80xi32, #tpu.memory_space<vmem>>
    %dma_start3A_110 = tpu.memref_squeeze %dma_start3A_109 : memref<1x80xi32, #tpu.memory_space<vmem>> -> memref<80xi32, #tpu.memory_space<vmem>>
    %dma_start3A_111 = arith.constant 0 : i32
    %dma_start3A_112 = arith.constant 0 : i32
    %dma_start3A_113 = tpu.memref_slice %arg16[%dma_start3A_111, %dma_start3A_112] : memref<10240x16xf32, #tpu.memory_space<vmem_shared>> -> memref<10240x16xf32, #tpu.memory_space<vmem_shared>>
    tpu.enqueue_indirect_dma source(%arg12 : memref<80x16xf32, #tpu.memory_space<vmem>>) target(%dma_start3A_113 : memref<10240x16xf32, #tpu.memory_space<vmem_shared>>) offsets(%dma_start3A_110 : memref<80xi32, #tpu.memory_space<vmem>>) semaphore(%arg19 : memref<!tpu.dma_semaphore, #tpu.memory_space<semaphore_mem>>) {add = true}
    %dma_wait3A_114 = arith.constant 124 : i32
    %dma_wait3A_115 = arith.constant 0 : i32
    %dma_wait3A_116 = tpu.memref_slice %arg9[%dma_wait3A_114, %dma_wait3A_115] : memref<125x80xi32, #tpu.memory_space<vmem>> -> memref<1x80xi32, #tpu.memory_space<vmem>>
    %dma_wait3A_117 = tpu.memref_squeeze %dma_wait3A_116 : memref<1x80xi32, #tpu.memory_space<vmem>> -> memref<80xi32, #tpu.memory_space<vmem>>
    %dma_wait3A_118 = arith.constant 0 : i32
    %dma_wait3A_119 = arith.constant 0 : i32
    %dma_wait3A_120 = tpu.memref_slice %arg14[%dma_wait3A_118, %dma_wait3A_119] : memref<5120x128xf32, #tpu.memory_space<vmem_shared>> -> memref<5120x128xf32, #tpu.memory_space<vmem_shared>>
    tpu.wait_indirect_dma semaphore(%arg19 : memref<!tpu.dma_semaphore, #tpu.memory_space<semaphore_mem>>) src(%arg10 : memref<80x128xf32, #tpu.memory_space<vmem>>) dst(%dma_wait3A_120 : memref<5120x128xf32, #tpu.memory_space<vmem_shared>>)
    %dma_wait3A_121 = arith.constant 124 : i32
    %dma_wait3A_122 = arith.constant 0 : i32
    %dma_wait3A_123 = tpu.memref_slice %arg9[%dma_wait3A_121, %dma_wait3A_122] : memref<125x80xi32, #tpu.memory_space<vmem>> -> memref<1x80xi32, #tpu.memory_space<vmem>>
    %dma_wait3A_124 = tpu.memref_squeeze %dma_wait3A_123 : memref<1x80xi32, #tpu.memory_space<vmem>> -> memref<80xi32, #tpu.memory_space<vmem>>
    %dma_wait3A_125 = arith.constant 0 : i32
    %dma_wait3A_126 = arith.constant 0 : i32
    %dma_wait3A_127 = tpu.memref_slice %arg15[%dma_wait3A_125, %dma_wait3A_126] : memref<5120x16xf32, #tpu.memory_space<vmem_shared>> -> memref<5120x16xf32, #tpu.memory_space<vmem_shared>>
    tpu.wait_indirect_dma semaphore(%arg19 : memref<!tpu.dma_semaphore, #tpu.memory_space<semaphore_mem>>) src(%arg12 : memref<80x16xf32, #tpu.memory_space<vmem>>) dst(%dma_wait3A_127 : memref<5120x16xf32, #tpu.memory_space<vmem_shared>>)
    %dma_wait3A_128 = arith.constant 124 : i32
    %dma_wait3A_129 = arith.constant 0 : i32
    %dma_wait3A_130 = tpu.memref_slice %arg8[%dma_wait3A_128, %dma_wait3A_129] : memref<125x80xi32, #tpu.memory_space<vmem>> -> memref<1x80xi32, #tpu.memory_space<vmem>>
    %dma_wait3A_131 = tpu.memref_squeeze %dma_wait3A_130 : memref<1x80xi32, #tpu.memory_space<vmem>> -> memref<80xi32, #tpu.memory_space<vmem>>
    %dma_wait3A_132 = arith.constant 0 : i32
    %dma_wait3A_133 = arith.constant 0 : i32
    %dma_wait3A_134 = tpu.memref_slice %arg16[%dma_wait3A_132, %dma_wait3A_133] : memref<10240x16xf32, #tpu.memory_space<vmem_shared>> -> memref<10240x16xf32, #tpu.memory_space<vmem_shared>>
    tpu.wait_indirect_dma semaphore(%arg19 : memref<!tpu.dma_semaphore, #tpu.memory_space<semaphore_mem>>) src(%arg12 : memref<80x16xf32, #tpu.memory_space<vmem>>) dst(%dma_wait3A_134 : memref<10240x16xf32, #tpu.memory_space<vmem_shared>>)
    %barrier3A_135 = arith.constant 0 : index
    tpu.barrier barrier_id(%barrier3A_135)
    %mul3A_136 = arith.constant 320 : i32
    %mul3A_137 = arith.muli %arg1, %mul3A_136 : i32
    %add3A_138 = arith.constant 0 : i32
    %add3A_139 = arith.addi %mul3A_137, %add3A_138 : i32
    "tpu.region"() ({
      %run_scoped3A = tpu.sem_alloc : memref<!tpu.dma_semaphore, #tpu.memory_space<semaphore_mem>>
      %dma_start3A_194 = arith.constant 0 : i32
      %dma_start3A_195 = arith.constant 0 : i32
      %dma_start3A_196 = tpu.memref_slice %arg10[%dma_start3A_194, %dma_start3A_195] : memref<80x128xf32, #tpu.memory_space<vmem>> -> memref<80x128xf32, #tpu.memory_space<vmem>>
      %dma_start3A_197 = arith.constant 0 : i32
      %dma_start3A_198 = tpu.memref_slice %arg14[%add3A_139, %dma_start3A_197] : memref<5120x128xf32, #tpu.memory_space<vmem_shared>> -> memref<80x128xf32, #tpu.memory_space<vmem_shared>>
      %dma_start3A_199 = arith.constant 0 : i32
      %dma_start3A_200 = arith.constant 0 : i32
      %dma_start3A_201 = tpu.memref_slice %arg10[%dma_start3A_199, %dma_start3A_200] : memref<80x128xf32, #tpu.memory_space<vmem>> -> memref<80x128xf32, #tpu.memory_space<vmem>>
      %dma_start3A_202 = arith.constant 0 : i32
      %dma_start3A_203 = tpu.memref_slice %arg14[%add3A_139, %dma_start3A_202] : memref<5120x128xf32, #tpu.memory_space<vmem_shared>> -> memref<80x128xf32, #tpu.memory_space<vmem_shared>>
      tpu.enqueue_dma source(%dma_start3A_203 : memref<80x128xf32, #tpu.memory_space<vmem_shared>>) target(%dma_start3A_201 : memref<80x128xf32, #tpu.memory_space<vmem>>) target_semaphore(%run_scoped3A : memref<!tpu.dma_semaphore, #tpu.memory_space<semaphore_mem>>)
      %dma_wait3A_204 = arith.constant 0 : i32
      %dma_wait3A_205 = arith.constant 0 : i32
      %dma_wait3A_206 = tpu.memref_slice %arg10[%dma_wait3A_204, %dma_wait3A_205] : memref<80x128xf32, #tpu.memory_space<vmem>> -> memref<80x128xf32, #tpu.memory_space<vmem>>
      %dma_wait3A_207 = arith.constant 0 : i32
      %dma_wait3A_208 = tpu.memref_slice %arg14[%add3A_139, %dma_wait3A_207] : memref<5120x128xf32, #tpu.memory_space<vmem_shared>> -> memref<80x128xf32, #tpu.memory_space<vmem_shared>>
      %dma_wait3A_209 = arith.constant 0 : i32
      %dma_wait3A_210 = arith.constant 0 : i32
      %dma_wait3A_211 = tpu.memref_slice %arg10[%dma_wait3A_209, %dma_wait3A_210] : memref<80x128xf32, #tpu.memory_space<vmem>> -> memref<80x128xf32, #tpu.memory_space<vmem>>
      %dma_wait3A_212 = arith.constant 0 : i32
      %dma_wait3A_213 = tpu.memref_slice %arg14[%add3A_139, %dma_wait3A_212] : memref<5120x128xf32, #tpu.memory_space<vmem_shared>> -> memref<80x128xf32, #tpu.memory_space<vmem_shared>>
      tpu.wait_dma2 semaphore(%run_scoped3A : memref<!tpu.dma_semaphore, #tpu.memory_space<semaphore_mem>>) src(%dma_wait3A_213 : memref<80x128xf32, #tpu.memory_space<vmem_shared>>) dst(%dma_wait3A_211 : memref<80x128xf32, #tpu.memory_space<vmem>>)
      tpu.yield
    }) : () -> ()
    %mul3A_140 = arith.constant 5120 : i32
    %mul3A_141 = arith.muli %arg0, %mul3A_140 : i32
    %mul3A_142 = arith.constant 320 : i32
    %mul3A_143 = arith.muli %arg1, %mul3A_142 : i32
    %add3A_144 = arith.addi %mul3A_141, %mul3A_143 : i32
    %add3A_145 = arith.constant 0 : i32
    %add3A_146 = arith.addi %add3A_144, %add3A_145 : i32
    "tpu.region"() ({
      %run_scoped3A = tpu.sem_alloc : memref<!tpu.dma_semaphore, #tpu.memory_space<semaphore_mem>>
      %dma_start3A_194 = arith.constant 0 : i32
      %dma_start3A_195 = arith.constant 0 : i32
      %dma_start3A_196 = tpu.memref_slice %arg10[%dma_start3A_194, %dma_start3A_195] : memref<80x128xf32, #tpu.memory_space<vmem>> -> memref<80x128xf32, #tpu.memory_space<vmem>>
      %dma_start3A_197 = arith.constant 0 : i32
      %dma_start3A_198 = tpu.memref_slice %arg5[%add3A_146, %dma_start3A_197] : memref<10240x128xf32, #tpu.memory_space<hbm>> -> memref<80x128xf32, #tpu.memory_space<hbm>>
      %dma_start3A_199 = arith.constant 0 : i32
      %dma_start3A_200 = tpu.memref_slice %arg5[%add3A_146, %dma_start3A_199] : memref<10240x128xf32, #tpu.memory_space<hbm>> -> memref<80x128xf32, #tpu.memory_space<hbm>>
      %dma_start3A_201 = arith.constant 0 : i32
      %dma_start3A_202 = arith.constant 0 : i32
      %dma_start3A_203 = tpu.memref_slice %arg10[%dma_start3A_201, %dma_start3A_202] : memref<80x128xf32, #tpu.memory_space<vmem>> -> memref<80x128xf32, #tpu.memory_space<vmem>>
      tpu.enqueue_dma source(%dma_start3A_203 : memref<80x128xf32, #tpu.memory_space<vmem>>) target(%dma_start3A_200 : memref<80x128xf32, #tpu.memory_space<hbm>>) target_semaphore(%run_scoped3A : memref<!tpu.dma_semaphore, #tpu.memory_space<semaphore_mem>>)
      %dma_wait3A_204 = arith.constant 0 : i32
      %dma_wait3A_205 = arith.constant 0 : i32
      %dma_wait3A_206 = tpu.memref_slice %arg10[%dma_wait3A_204, %dma_wait3A_205] : memref<80x128xf32, #tpu.memory_space<vmem>> -> memref<80x128xf32, #tpu.memory_space<vmem>>
      %dma_wait3A_207 = arith.constant 0 : i32
      %dma_wait3A_208 = tpu.memref_slice %arg5[%add3A_146, %dma_wait3A_207] : memref<10240x128xf32, #tpu.memory_space<hbm>> -> memref<80x128xf32, #tpu.memory_space<hbm>>
      %dma_wait3A_209 = arith.constant 0 : i32
      %dma_wait3A_210 = tpu.memref_slice %arg5[%add3A_146, %dma_wait3A_209] : memref<10240x128xf32, #tpu.memory_space<hbm>> -> memref<80x128xf32, #tpu.memory_space<hbm>>
      %dma_wait3A_211 = arith.constant 0 : i32
      %dma_wait3A_212 = arith.constant 0 : i32
      %dma_wait3A_213 = tpu.memref_slice %arg10[%dma_wait3A_211, %dma_wait3A_212] : memref<80x128xf32, #tpu.memory_space<vmem>> -> memref<80x128xf32, #tpu.memory_space<vmem>>
      tpu.wait_dma2 semaphore(%run_scoped3A : memref<!tpu.dma_semaphore, #tpu.memory_space<semaphore_mem>>) src(%dma_wait3A_213 : memref<80x128xf32, #tpu.memory_space<vmem>>) dst(%dma_wait3A_210 : memref<80x128xf32, #tpu.memory_space<hbm>>)
      tpu.yield
    }) : () -> ()
    %mul3A_147 = arith.constant 320 : i32
    %mul3A_148 = arith.muli %arg1, %mul3A_147 : i32
    %add3A_149 = arith.constant 80 : i32
    %add3A_150 = arith.addi %mul3A_148, %add3A_149 : i32
    "tpu.region"() ({
      %run_scoped3A = tpu.sem_alloc : memref<!tpu.dma_semaphore, #tpu.memory_space<semaphore_mem>>
      %dma_start3A_194 = arith.constant 0 : i32
      %dma_start3A_195 = arith.constant 0 : i32
      %dma_start3A_196 = tpu.memref_slice %arg10[%dma_start3A_194, %dma_start3A_195] : memref<80x128xf32, #tpu.memory_space<vmem>> -> memref<80x128xf32, #tpu.memory_space<vmem>>
      %dma_start3A_197 = arith.constant 0 : i32
      %dma_start3A_198 = tpu.memref_slice %arg14[%add3A_150, %dma_start3A_197] : memref<5120x128xf32, #tpu.memory_space<vmem_shared>> -> memref<80x128xf32, #tpu.memory_space<vmem_shared>>
      %dma_start3A_199 = arith.constant 0 : i32
      %dma_start3A_200 = arith.constant 0 : i32
      %dma_start3A_201 = tpu.memref_slice %arg10[%dma_start3A_199, %dma_start3A_200] : memref<80x128xf32, #tpu.memory_space<vmem>> -> memref<80x128xf32, #tpu.memory_space<vmem>>
      %dma_start3A_202 = arith.constant 0 : i32
      %dma_start3A_203 = tpu.memref_slice %arg14[%add3A_150, %dma_start3A_202] : memref<5120x128xf32, #tpu.memory_space<vmem_shared>> -> memref<80x128xf32, #tpu.memory_space<vmem_shared>>
      tpu.enqueue_dma source(%dma_start3A_203 : memref<80x128xf32, #tpu.memory_space<vmem_shared>>) target(%dma_start3A_201 : memref<80x128xf32, #tpu.memory_space<vmem>>) target_semaphore(%run_scoped3A : memref<!tpu.dma_semaphore, #tpu.memory_space<semaphore_mem>>)
      %dma_wait3A_204 = arith.constant 0 : i32
      %dma_wait3A_205 = arith.constant 0 : i32
      %dma_wait3A_206 = tpu.memref_slice %arg10[%dma_wait3A_204, %dma_wait3A_205] : memref<80x128xf32, #tpu.memory_space<vmem>> -> memref<80x128xf32, #tpu.memory_space<vmem>>
      %dma_wait3A_207 = arith.constant 0 : i32
      %dma_wait3A_208 = tpu.memref_slice %arg14[%add3A_150, %dma_wait3A_207] : memref<5120x128xf32, #tpu.memory_space<vmem_shared>> -> memref<80x128xf32, #tpu.memory_space<vmem_shared>>
      %dma_wait3A_209 = arith.constant 0 : i32
      %dma_wait3A_210 = arith.constant 0 : i32
      %dma_wait3A_211 = tpu.memref_slice %arg10[%dma_wait3A_209, %dma_wait3A_210] : memref<80x128xf32, #tpu.memory_space<vmem>> -> memref<80x128xf32, #tpu.memory_space<vmem>>
      %dma_wait3A_212 = arith.constant 0 : i32
      %dma_wait3A_213 = tpu.memref_slice %arg14[%add3A_150, %dma_wait3A_212] : memref<5120x128xf32, #tpu.memory_space<vmem_shared>> -> memref<80x128xf32, #tpu.memory_space<vmem_shared>>
      tpu.wait_dma2 semaphore(%run_scoped3A : memref<!tpu.dma_semaphore, #tpu.memory_space<semaphore_mem>>) src(%dma_wait3A_213 : memref<80x128xf32, #tpu.memory_space<vmem_shared>>) dst(%dma_wait3A_211 : memref<80x128xf32, #tpu.memory_space<vmem>>)
      tpu.yield
    }) : () -> ()
    %mul3A_151 = arith.constant 5120 : i32
    %mul3A_152 = arith.muli %arg0, %mul3A_151 : i32
    %mul3A_153 = arith.constant 320 : i32
    %mul3A_154 = arith.muli %arg1, %mul3A_153 : i32
    %add3A_155 = arith.addi %mul3A_152, %mul3A_154 : i32
    %add3A_156 = arith.constant 80 : i32
    %add3A_157 = arith.addi %add3A_155, %add3A_156 : i32
    "tpu.region"() ({
      %run_scoped3A = tpu.sem_alloc : memref<!tpu.dma_semaphore, #tpu.memory_space<semaphore_mem>>
      %dma_start3A_194 = arith.constant 0 : i32
      %dma_start3A_195 = arith.constant 0 : i32
      %dma_start3A_196 = tpu.memref_slice %arg10[%dma_start3A_194, %dma_start3A_195] : memref<80x128xf32, #tpu.memory_space<vmem>> -> memref<80x128xf32, #tpu.memory_space<vmem>>
      %dma_start3A_197 = arith.constant 0 : i32
      %dma_start3A_198 = tpu.memref_slice %arg5[%add3A_157, %dma_start3A_197] : memref<10240x128xf32, #tpu.memory_space<hbm>> -> memref<80x128xf32, #tpu.memory_space<hbm>>
      %dma_start3A_199 = arith.constant 0 : i32
      %dma_start3A_200 = tpu.memref_slice %arg5[%add3A_157, %dma_start3A_199] : memref<10240x128xf32, #tpu.memory_space<hbm>> -> memref<80x128xf32, #tpu.memory_space<hbm>>
      %dma_start3A_201 = arith.constant 0 : i32
      %dma_start3A_202 = arith.constant 0 : i32
      %dma_start3A_203 = tpu.memref_slice %arg10[%dma_start3A_201, %dma_start3A_202] : memref<80x128xf32, #tpu.memory_space<vmem>> -> memref<80x128xf32, #tpu.memory_space<vmem>>
      tpu.enqueue_dma source(%dma_start3A_203 : memref<80x128xf32, #tpu.memory_space<vmem>>) target(%dma_start3A_200 : memref<80x128xf32, #tpu.memory_space<hbm>>) target_semaphore(%run_scoped3A : memref<!tpu.dma_semaphore, #tpu.memory_space<semaphore_mem>>)
      %dma_wait3A_204 = arith.constant 0 : i32
      %dma_wait3A_205 = arith.constant 0 : i32
      %dma_wait3A_206 = tpu.memref_slice %arg10[%dma_wait3A_204, %dma_wait3A_205] : memref<80x128xf32, #tpu.memory_space<vmem>> -> memref<80x128xf32, #tpu.memory_space<vmem>>
      %dma_wait3A_207 = arith.constant 0 : i32
      %dma_wait3A_208 = tpu.memref_slice %arg5[%add3A_157, %dma_wait3A_207] : memref<10240x128xf32, #tpu.memory_space<hbm>> -> memref<80x128xf32, #tpu.memory_space<hbm>>
      %dma_wait3A_209 = arith.constant 0 : i32
      %dma_wait3A_210 = tpu.memref_slice %arg5[%add3A_157, %dma_wait3A_209] : memref<10240x128xf32, #tpu.memory_space<hbm>> -> memref<80x128xf32, #tpu.memory_space<hbm>>
      %dma_wait3A_211 = arith.constant 0 : i32
      %dma_wait3A_212 = arith.constant 0 : i32
      %dma_wait3A_213 = tpu.memref_slice %arg10[%dma_wait3A_211, %dma_wait3A_212] : memref<80x128xf32, #tpu.memory_space<vmem>> -> memref<80x128xf32, #tpu.memory_space<vmem>>
      tpu.wait_dma2 semaphore(%run_scoped3A : memref<!tpu.dma_semaphore, #tpu.memory_space<semaphore_mem>>) src(%dma_wait3A_213 : memref<80x128xf32, #tpu.memory_space<vmem>>) dst(%dma_wait3A_210 : memref<80x128xf32, #tpu.memory_space<hbm>>)
      tpu.yield
    }) : () -> ()
    %mul3A_158 = arith.constant 320 : i32
    %mul3A_159 = arith.muli %arg1, %mul3A_158 : i32
    %add3A_160 = arith.constant 160 : i32
    %add3A_161 = arith.addi %mul3A_159, %add3A_160 : i32
    "tpu.region"() ({
      %run_scoped3A = tpu.sem_alloc : memref<!tpu.dma_semaphore, #tpu.memory_space<semaphore_mem>>
      %dma_start3A_194 = arith.constant 0 : i32
      %dma_start3A_195 = arith.constant 0 : i32
      %dma_start3A_196 = tpu.memref_slice %arg10[%dma_start3A_194, %dma_start3A_195] : memref<80x128xf32, #tpu.memory_space<vmem>> -> memref<80x128xf32, #tpu.memory_space<vmem>>
      %dma_start3A_197 = arith.constant 0 : i32
      %dma_start3A_198 = tpu.memref_slice %arg14[%add3A_161, %dma_start3A_197] : memref<5120x128xf32, #tpu.memory_space<vmem_shared>> -> memref<80x128xf32, #tpu.memory_space<vmem_shared>>
      %dma_start3A_199 = arith.constant 0 : i32
      %dma_start3A_200 = arith.constant 0 : i32
      %dma_start3A_201 = tpu.memref_slice %arg10[%dma_start3A_199, %dma_start3A_200] : memref<80x128xf32, #tpu.memory_space<vmem>> -> memref<80x128xf32, #tpu.memory_space<vmem>>
      %dma_start3A_202 = arith.constant 0 : i32
      %dma_start3A_203 = tpu.memref_slice %arg14[%add3A_161, %dma_start3A_202] : memref<5120x128xf32, #tpu.memory_space<vmem_shared>> -> memref<80x128xf32, #tpu.memory_space<vmem_shared>>
      tpu.enqueue_dma source(%dma_start3A_203 : memref<80x128xf32, #tpu.memory_space<vmem_shared>>) target(%dma_start3A_201 : memref<80x128xf32, #tpu.memory_space<vmem>>) target_semaphore(%run_scoped3A : memref<!tpu.dma_semaphore, #tpu.memory_space<semaphore_mem>>)
      %dma_wait3A_204 = arith.constant 0 : i32
      %dma_wait3A_205 = arith.constant 0 : i32
      %dma_wait3A_206 = tpu.memref_slice %arg10[%dma_wait3A_204, %dma_wait3A_205] : memref<80x128xf32, #tpu.memory_space<vmem>> -> memref<80x128xf32, #tpu.memory_space<vmem>>
      %dma_wait3A_207 = arith.constant 0 : i32
      %dma_wait3A_208 = tpu.memref_slice %arg14[%add3A_161, %dma_wait3A_207] : memref<5120x128xf32, #tpu.memory_space<vmem_shared>> -> memref<80x128xf32, #tpu.memory_space<vmem_shared>>
      %dma_wait3A_209 = arith.constant 0 : i32
      %dma_wait3A_210 = arith.constant 0 : i32
      %dma_wait3A_211 = tpu.memref_slice %arg10[%dma_wait3A_209, %dma_wait3A_210] : memref<80x128xf32, #tpu.memory_space<vmem>> -> memref<80x128xf32, #tpu.memory_space<vmem>>
      %dma_wait3A_212 = arith.constant 0 : i32
      %dma_wait3A_213 = tpu.memref_slice %arg14[%add3A_161, %dma_wait3A_212] : memref<5120x128xf32, #tpu.memory_space<vmem_shared>> -> memref<80x128xf32, #tpu.memory_space<vmem_shared>>
      tpu.wait_dma2 semaphore(%run_scoped3A : memref<!tpu.dma_semaphore, #tpu.memory_space<semaphore_mem>>) src(%dma_wait3A_213 : memref<80x128xf32, #tpu.memory_space<vmem_shared>>) dst(%dma_wait3A_211 : memref<80x128xf32, #tpu.memory_space<vmem>>)
      tpu.yield
    }) : () -> ()
    %mul3A_162 = arith.constant 5120 : i32
    %mul3A_163 = arith.muli %arg0, %mul3A_162 : i32
    %mul3A_164 = arith.constant 320 : i32
    %mul3A_165 = arith.muli %arg1, %mul3A_164 : i32
    %add3A_166 = arith.addi %mul3A_163, %mul3A_165 : i32
    %add3A_167 = arith.constant 160 : i32
    %add3A_168 = arith.addi %add3A_166, %add3A_167 : i32
    "tpu.region"() ({
      %run_scoped3A = tpu.sem_alloc : memref<!tpu.dma_semaphore, #tpu.memory_space<semaphore_mem>>
      %dma_start3A_194 = arith.constant 0 : i32
      %dma_start3A_195 = arith.constant 0 : i32
      %dma_start3A_196 = tpu.memref_slice %arg10[%dma_start3A_194, %dma_start3A_195] : memref<80x128xf32, #tpu.memory_space<vmem>> -> memref<80x128xf32, #tpu.memory_space<vmem>>
      %dma_start3A_197 = arith.constant 0 : i32
      %dma_start3A_198 = tpu.memref_slice %arg5[%add3A_168, %dma_start3A_197] : memref<10240x128xf32, #tpu.memory_space<hbm>> -> memref<80x128xf32, #tpu.memory_space<hbm>>
      %dma_start3A_199 = arith.constant 0 : i32
      %dma_start3A_200 = tpu.memref_slice %arg5[%add3A_168, %dma_start3A_199] : memref<10240x128xf32, #tpu.memory_space<hbm>> -> memref<80x128xf32, #tpu.memory_space<hbm>>
      %dma_start3A_201 = arith.constant 0 : i32
      %dma_start3A_202 = arith.constant 0 : i32
      %dma_start3A_203 = tpu.memref_slice %arg10[%dma_start3A_201, %dma_start3A_202] : memref<80x128xf32, #tpu.memory_space<vmem>> -> memref<80x128xf32, #tpu.memory_space<vmem>>
      tpu.enqueue_dma source(%dma_start3A_203 : memref<80x128xf32, #tpu.memory_space<vmem>>) target(%dma_start3A_200 : memref<80x128xf32, #tpu.memory_space<hbm>>) target_semaphore(%run_scoped3A : memref<!tpu.dma_semaphore, #tpu.memory_space<semaphore_mem>>)
      %dma_wait3A_204 = arith.constant 0 : i32
      %dma_wait3A_205 = arith.constant 0 : i32
      %dma_wait3A_206 = tpu.memref_slice %arg10[%dma_wait3A_204, %dma_wait3A_205] : memref<80x128xf32, #tpu.memory_space<vmem>> -> memref<80x128xf32, #tpu.memory_space<vmem>>
      %dma_wait3A_207 = arith.constant 0 : i32
      %dma_wait3A_208 = tpu.memref_slice %arg5[%add3A_168, %dma_wait3A_207] : memref<10240x128xf32, #tpu.memory_space<hbm>> -> memref<80x128xf32, #tpu.memory_space<hbm>>
      %dma_wait3A_209 = arith.constant 0 : i32
      %dma_wait3A_210 = tpu.memref_slice %arg5[%add3A_168, %dma_wait3A_209] : memref<10240x128xf32, #tpu.memory_space<hbm>> -> memref<80x128xf32, #tpu.memory_space<hbm>>
      %dma_wait3A_211 = arith.constant 0 : i32
      %dma_wait3A_212 = arith.constant 0 : i32
      %dma_wait3A_213 = tpu.memref_slice %arg10[%dma_wait3A_211, %dma_wait3A_212] : memref<80x128xf32, #tpu.memory_space<vmem>> -> memref<80x128xf32, #tpu.memory_space<vmem>>
      tpu.wait_dma2 semaphore(%run_scoped3A : memref<!tpu.dma_semaphore, #tpu.memory_space<semaphore_mem>>) src(%dma_wait3A_213 : memref<80x128xf32, #tpu.memory_space<vmem>>) dst(%dma_wait3A_210 : memref<80x128xf32, #tpu.memory_space<hbm>>)
      tpu.yield
    }) : () -> ()
    %mul3A_169 = arith.constant 320 : i32
    %mul3A_170 = arith.muli %arg1, %mul3A_169 : i32
    %add3A_171 = arith.constant 240 : i32
    %add3A_172 = arith.addi %mul3A_170, %add3A_171 : i32
    "tpu.region"() ({
      %run_scoped3A = tpu.sem_alloc : memref<!tpu.dma_semaphore, #tpu.memory_space<semaphore_mem>>
      %dma_start3A_194 = arith.constant 0 : i32
      %dma_start3A_195 = arith.constant 0 : i32
      %dma_start3A_196 = tpu.memref_slice %arg10[%dma_start3A_194, %dma_start3A_195] : memref<80x128xf32, #tpu.memory_space<vmem>> -> memref<80x128xf32, #tpu.memory_space<vmem>>
      %dma_start3A_197 = arith.constant 0 : i32
      %dma_start3A_198 = tpu.memref_slice %arg14[%add3A_172, %dma_start3A_197] : memref<5120x128xf32, #tpu.memory_space<vmem_shared>> -> memref<80x128xf32, #tpu.memory_space<vmem_shared>>
      %dma_start3A_199 = arith.constant 0 : i32
      %dma_start3A_200 = arith.constant 0 : i32
      %dma_start3A_201 = tpu.memref_slice %arg10[%dma_start3A_199, %dma_start3A_200] : memref<80x128xf32, #tpu.memory_space<vmem>> -> memref<80x128xf32, #tpu.memory_space<vmem>>
      %dma_start3A_202 = arith.constant 0 : i32
      %dma_start3A_203 = tpu.memref_slice %arg14[%add3A_172, %dma_start3A_202] : memref<5120x128xf32, #tpu.memory_space<vmem_shared>> -> memref<80x128xf32, #tpu.memory_space<vmem_shared>>
      tpu.enqueue_dma source(%dma_start3A_203 : memref<80x128xf32, #tpu.memory_space<vmem_shared>>) target(%dma_start3A_201 : memref<80x128xf32, #tpu.memory_space<vmem>>) target_semaphore(%run_scoped3A : memref<!tpu.dma_semaphore, #tpu.memory_space<semaphore_mem>>)
      %dma_wait3A_204 = arith.constant 0 : i32
      %dma_wait3A_205 = arith.constant 0 : i32
      %dma_wait3A_206 = tpu.memref_slice %arg10[%dma_wait3A_204, %dma_wait3A_205] : memref<80x128xf32, #tpu.memory_space<vmem>> -> memref<80x128xf32, #tpu.memory_space<vmem>>
      %dma_wait3A_207 = arith.constant 0 : i32
      %dma_wait3A_208 = tpu.memref_slice %arg14[%add3A_172, %dma_wait3A_207] : memref<5120x128xf32, #tpu.memory_space<vmem_shared>> -> memref<80x128xf32, #tpu.memory_space<vmem_shared>>
      %dma_wait3A_209 = arith.constant 0 : i32
      %dma_wait3A_210 = arith.constant 0 : i32
      %dma_wait3A_211 = tpu.memref_slice %arg10[%dma_wait3A_209, %dma_wait3A_210] : memref<80x128xf32, #tpu.memory_space<vmem>> -> memref<80x128xf32, #tpu.memory_space<vmem>>
      %dma_wait3A_212 = arith.constant 0 : i32
      %dma_wait3A_213 = tpu.memref_slice %arg14[%add3A_172, %dma_wait3A_212] : memref<5120x128xf32, #tpu.memory_space<vmem_shared>> -> memref<80x128xf32, #tpu.memory_space<vmem_shared>>
      tpu.wait_dma2 semaphore(%run_scoped3A : memref<!tpu.dma_semaphore, #tpu.memory_space<semaphore_mem>>) src(%dma_wait3A_213 : memref<80x128xf32, #tpu.memory_space<vmem_shared>>) dst(%dma_wait3A_211 : memref<80x128xf32, #tpu.memory_space<vmem>>)
      tpu.yield
    }) : () -> ()
    %mul3A_173 = arith.constant 5120 : i32
    %mul3A_174 = arith.muli %arg0, %mul3A_173 : i32
    %mul3A_175 = arith.constant 320 : i32
    %mul3A_176 = arith.muli %arg1, %mul3A_175 : i32
    %add3A_177 = arith.addi %mul3A_174, %mul3A_176 : i32
    %add3A_178 = arith.constant 240 : i32
    %add3A_179 = arith.addi %add3A_177, %add3A_178 : i32
    "tpu.region"() ({
      %run_scoped3A = tpu.sem_alloc : memref<!tpu.dma_semaphore, #tpu.memory_space<semaphore_mem>>
      %dma_start3A_194 = arith.constant 0 : i32
      %dma_start3A_195 = arith.constant 0 : i32
      %dma_start3A_196 = tpu.memref_slice %arg10[%dma_start3A_194, %dma_start3A_195] : memref<80x128xf32, #tpu.memory_space<vmem>> -> memref<80x128xf32, #tpu.memory_space<vmem>>
      %dma_start3A_197 = arith.constant 0 : i32
      %dma_start3A_198 = tpu.memref_slice %arg5[%add3A_179, %dma_start3A_197] : memref<10240x128xf32, #tpu.memory_space<hbm>> -> memref<80x128xf32, #tpu.memory_space<hbm>>
      %dma_start3A_199 = arith.constant 0 : i32
      %dma_start3A_200 = tpu.memref_slice %arg5[%add3A_179, %dma_start3A_199] : memref<10240x128xf32, #tpu.memory_space<hbm>> -> memref<80x128xf32, #tpu.memory_space<hbm>>
      %dma_start3A_201 = arith.constant 0 : i32
      %dma_start3A_202 = arith.constant 0 : i32
      %dma_start3A_203 = tpu.memref_slice %arg10[%dma_start3A_201, %dma_start3A_202] : memref<80x128xf32, #tpu.memory_space<vmem>> -> memref<80x128xf32, #tpu.memory_space<vmem>>
      tpu.enqueue_dma source(%dma_start3A_203 : memref<80x128xf32, #tpu.memory_space<vmem>>) target(%dma_start3A_200 : memref<80x128xf32, #tpu.memory_space<hbm>>) target_semaphore(%run_scoped3A : memref<!tpu.dma_semaphore, #tpu.memory_space<semaphore_mem>>)
      %dma_wait3A_204 = arith.constant 0 : i32
      %dma_wait3A_205 = arith.constant 0 : i32
      %dma_wait3A_206 = tpu.memref_slice %arg10[%dma_wait3A_204, %dma_wait3A_205] : memref<80x128xf32, #tpu.memory_space<vmem>> -> memref<80x128xf32, #tpu.memory_space<vmem>>
      %dma_wait3A_207 = arith.constant 0 : i32
      %dma_wait3A_208 = tpu.memref_slice %arg5[%add3A_179, %dma_wait3A_207] : memref<10240x128xf32, #tpu.memory_space<hbm>> -> memref<80x128xf32, #tpu.memory_space<hbm>>
      %dma_wait3A_209 = arith.constant 0 : i32
      %dma_wait3A_210 = tpu.memref_slice %arg5[%add3A_179, %dma_wait3A_209] : memref<10240x128xf32, #tpu.memory_space<hbm>> -> memref<80x128xf32, #tpu.memory_space<hbm>>
      %dma_wait3A_211 = arith.constant 0 : i32
      %dma_wait3A_212 = arith.constant 0 : i32
      %dma_wait3A_213 = tpu.memref_slice %arg10[%dma_wait3A_211, %dma_wait3A_212] : memref<80x128xf32, #tpu.memory_space<vmem>> -> memref<80x128xf32, #tpu.memory_space<vmem>>
      tpu.wait_dma2 semaphore(%run_scoped3A : memref<!tpu.dma_semaphore, #tpu.memory_space<semaphore_mem>>) src(%dma_wait3A_213 : memref<80x128xf32, #tpu.memory_space<vmem>>) dst(%dma_wait3A_210 : memref<80x128xf32, #tpu.memory_space<hbm>>)
      tpu.yield
    }) : () -> ()
    %mul3A_180 = arith.constant 320 : i32
    %mul3A_181 = arith.muli %arg1, %mul3A_180 : i32
    "tpu.region"() ({
      %run_scoped3A = tpu.sem_alloc : memref<!tpu.dma_semaphore, #tpu.memory_space<semaphore_mem>>
      %dma_start3A_194 = arith.constant 0 : i32
      %dma_start3A_195 = arith.constant 0 : i32
      %dma_start3A_196 = tpu.memref_slice %arg13[%dma_start3A_194, %dma_start3A_195] : memref<640x16xf32, #tpu.memory_space<vmem>> -> memref<320x16xf32, #tpu.memory_space<vmem>>
      %dma_start3A_197 = arith.constant 0 : i32
      %dma_start3A_198 = tpu.memref_slice %arg15[%mul3A_181, %dma_start3A_197] : memref<5120x16xf32, #tpu.memory_space<vmem_shared>> -> memref<320x16xf32, #tpu.memory_space<vmem_shared>>
      %dma_start3A_199 = arith.constant 0 : i32
      %dma_start3A_200 = arith.constant 0 : i32
      %dma_start3A_201 = tpu.memref_slice %arg13[%dma_start3A_199, %dma_start3A_200] : memref<640x16xf32, #tpu.memory_space<vmem>> -> memref<320x16xf32, #tpu.memory_space<vmem>>
      %dma_start3A_202 = arith.constant 0 : i32
      %dma_start3A_203 = tpu.memref_slice %arg15[%mul3A_181, %dma_start3A_202] : memref<5120x16xf32, #tpu.memory_space<vmem_shared>> -> memref<320x16xf32, #tpu.memory_space<vmem_shared>>
      tpu.enqueue_dma source(%dma_start3A_203 : memref<320x16xf32, #tpu.memory_space<vmem_shared>>) target(%dma_start3A_201 : memref<320x16xf32, #tpu.memory_space<vmem>>) target_semaphore(%run_scoped3A : memref<!tpu.dma_semaphore, #tpu.memory_space<semaphore_mem>>)
      %dma_wait3A_204 = arith.constant 0 : i32
      %dma_wait3A_205 = arith.constant 0 : i32
      %dma_wait3A_206 = tpu.memref_slice %arg13[%dma_wait3A_204, %dma_wait3A_205] : memref<640x16xf32, #tpu.memory_space<vmem>> -> memref<320x16xf32, #tpu.memory_space<vmem>>
      %dma_wait3A_207 = arith.constant 0 : i32
      %dma_wait3A_208 = tpu.memref_slice %arg15[%mul3A_181, %dma_wait3A_207] : memref<5120x16xf32, #tpu.memory_space<vmem_shared>> -> memref<320x16xf32, #tpu.memory_space<vmem_shared>>
      %dma_wait3A_209 = arith.constant 0 : i32
      %dma_wait3A_210 = arith.constant 0 : i32
      %dma_wait3A_211 = tpu.memref_slice %arg13[%dma_wait3A_209, %dma_wait3A_210] : memref<640x16xf32, #tpu.memory_space<vmem>> -> memref<320x16xf32, #tpu.memory_space<vmem>>
      %dma_wait3A_212 = arith.constant 0 : i32
      %dma_wait3A_213 = tpu.memref_slice %arg15[%mul3A_181, %dma_wait3A_212] : memref<5120x16xf32, #tpu.memory_space<vmem_shared>> -> memref<320x16xf32, #tpu.memory_space<vmem_shared>>
      tpu.wait_dma2 semaphore(%run_scoped3A : memref<!tpu.dma_semaphore, #tpu.memory_space<semaphore_mem>>) src(%dma_wait3A_213 : memref<320x16xf32, #tpu.memory_space<vmem_shared>>) dst(%dma_wait3A_211 : memref<320x16xf32, #tpu.memory_space<vmem>>)
      tpu.yield
    }) : () -> ()
    %mul3A_182 = arith.constant 5120 : i32
    %mul3A_183 = arith.muli %arg0, %mul3A_182 : i32
    %mul3A_184 = arith.constant 320 : i32
    %mul3A_185 = arith.muli %arg1, %mul3A_184 : i32
    %add3A_186 = arith.addi %mul3A_183, %mul3A_185 : i32
    "tpu.region"() ({
      %run_scoped3A = tpu.sem_alloc : memref<!tpu.dma_semaphore, #tpu.memory_space<semaphore_mem>>
      %dma_start3A_194 = arith.constant 0 : i32
      %dma_start3A_195 = arith.constant 0 : i32
      %dma_start3A_196 = tpu.memref_slice %arg13[%dma_start3A_194, %dma_start3A_195] : memref<640x16xf32, #tpu.memory_space<vmem>> -> memref<320x16xf32, #tpu.memory_space<vmem>>
      %dma_start3A_197 = arith.constant 0 : i32
      %dma_start3A_198 = tpu.memref_slice %arg6[%add3A_186, %dma_start3A_197] : memref<10240x16xf32, #tpu.memory_space<hbm>> -> memref<320x16xf32, #tpu.memory_space<hbm>>
      %dma_start3A_199 = arith.constant 0 : i32
      %dma_start3A_200 = tpu.memref_slice %arg6[%add3A_186, %dma_start3A_199] : memref<10240x16xf32, #tpu.memory_space<hbm>> -> memref<320x16xf32, #tpu.memory_space<hbm>>
      %dma_start3A_201 = arith.constant 0 : i32
      %dma_start3A_202 = arith.constant 0 : i32
      %dma_start3A_203 = tpu.memref_slice %arg13[%dma_start3A_201, %dma_start3A_202] : memref<640x16xf32, #tpu.memory_space<vmem>> -> memref<320x16xf32, #tpu.memory_space<vmem>>
      tpu.enqueue_dma source(%dma_start3A_203 : memref<320x16xf32, #tpu.memory_space<vmem>>) target(%dma_start3A_200 : memref<320x16xf32, #tpu.memory_space<hbm>>) target_semaphore(%run_scoped3A : memref<!tpu.dma_semaphore, #tpu.memory_space<semaphore_mem>>)
      %dma_wait3A_204 = arith.constant 0 : i32
      %dma_wait3A_205 = arith.constant 0 : i32
      %dma_wait3A_206 = tpu.memref_slice %arg13[%dma_wait3A_204, %dma_wait3A_205] : memref<640x16xf32, #tpu.memory_space<vmem>> -> memref<320x16xf32, #tpu.memory_space<vmem>>
      %dma_wait3A_207 = arith.constant 0 : i32
      %dma_wait3A_208 = tpu.memref_slice %arg6[%add3A_186, %dma_wait3A_207] : memref<10240x16xf32, #tpu.memory_space<hbm>> -> memref<320x16xf32, #tpu.memory_space<hbm>>
      %dma_wait3A_209 = arith.constant 0 : i32
      %dma_wait3A_210 = tpu.memref_slice %arg6[%add3A_186, %dma_wait3A_209] : memref<10240x16xf32, #tpu.memory_space<hbm>> -> memref<320x16xf32, #tpu.memory_space<hbm>>
      %dma_wait3A_211 = arith.constant 0 : i32
      %dma_wait3A_212 = arith.constant 0 : i32
      %dma_wait3A_213 = tpu.memref_slice %arg13[%dma_wait3A_211, %dma_wait3A_212] : memref<640x16xf32, #tpu.memory_space<vmem>> -> memref<320x16xf32, #tpu.memory_space<vmem>>
      tpu.wait_dma2 semaphore(%run_scoped3A : memref<!tpu.dma_semaphore, #tpu.memory_space<semaphore_mem>>) src(%dma_wait3A_213 : memref<320x16xf32, #tpu.memory_space<vmem>>) dst(%dma_wait3A_210 : memref<320x16xf32, #tpu.memory_space<hbm>>)
      tpu.yield
    }) : () -> ()
    %mul3A_187 = arith.constant 640 : i32
    %mul3A_188 = arith.muli %arg1, %mul3A_187 : i32
    "tpu.region"() ({
      %run_scoped3A = tpu.sem_alloc : memref<!tpu.dma_semaphore, #tpu.memory_space<semaphore_mem>>
      %dma_start3A_194 = arith.constant 0 : i32
      %dma_start3A_195 = tpu.memref_slice %arg16[%mul3A_188, %dma_start3A_194] : memref<10240x16xf32, #tpu.memory_space<vmem_shared>> -> memref<640x16xf32, #tpu.memory_space<vmem_shared>>
      %dma_start3A_196 = arith.constant 0 : i32
      %dma_start3A_197 = tpu.memref_slice %arg16[%mul3A_188, %dma_start3A_196] : memref<10240x16xf32, #tpu.memory_space<vmem_shared>> -> memref<640x16xf32, #tpu.memory_space<vmem_shared>>
      tpu.enqueue_dma source(%dma_start3A_197 : memref<640x16xf32, #tpu.memory_space<vmem_shared>>) target(%arg13 : memref<640x16xf32, #tpu.memory_space<vmem>>) target_semaphore(%run_scoped3A : memref<!tpu.dma_semaphore, #tpu.memory_space<semaphore_mem>>)
      %dma_wait3A_198 = arith.constant 0 : i32
      %dma_wait3A_199 = tpu.memref_slice %arg16[%mul3A_188, %dma_wait3A_198] : memref<10240x16xf32, #tpu.memory_space<vmem_shared>> -> memref<640x16xf32, #tpu.memory_space<vmem_shared>>
      %dma_wait3A_200 = arith.constant 0 : i32
      %dma_wait3A_201 = tpu.memref_slice %arg16[%mul3A_188, %dma_wait3A_200] : memref<10240x16xf32, #tpu.memory_space<vmem_shared>> -> memref<640x16xf32, #tpu.memory_space<vmem_shared>>
      tpu.wait_dma2 semaphore(%run_scoped3A : memref<!tpu.dma_semaphore, #tpu.memory_space<semaphore_mem>>) src(%dma_wait3A_201 : memref<640x16xf32, #tpu.memory_space<vmem_shared>>) dst(%arg13 : memref<640x16xf32, #tpu.memory_space<vmem>>)
      tpu.yield
    }) : () -> ()
    %mul3A_189 = arith.constant 10240 : i32
    %mul3A_190 = arith.muli %arg0, %mul3A_189 : i32
    %mul3A_191 = arith.constant 640 : i32
    %mul3A_192 = arith.muli %arg1, %mul3A_191 : i32
    %add3A_193 = arith.addi %mul3A_190, %mul3A_192 : i32
    "tpu.region"() ({
      %run_scoped3A = tpu.sem_alloc : memref<!tpu.dma_semaphore, #tpu.memory_space<semaphore_mem>>
      %dma_start3A_194 = arith.constant 0 : i32
      %dma_start3A_195 = tpu.memref_slice %arg7[%add3A_193, %dma_start3A_194] : memref<20480x16xf32, #tpu.memory_space<hbm>> -> memref<640x16xf32, #tpu.memory_space<hbm>>
      %dma_start3A_196 = arith.constant 0 : i32
      %dma_start3A_197 = tpu.memref_slice %arg7[%add3A_193, %dma_start3A_196] : memref<20480x16xf32, #tpu.memory_space<hbm>> -> memref<640x16xf32, #tpu.memory_space<hbm>>
      tpu.enqueue_dma source(%arg13 : memref<640x16xf32, #tpu.memory_space<vmem>>) target(%dma_start3A_197 : memref<640x16xf32, #tpu.memory_space<hbm>>) target_semaphore(%run_scoped3A : memref<!tpu.dma_semaphore, #tpu.memory_space<semaphore_mem>>)
      %dma_wait3A_198 = arith.constant 0 : i32
      %dma_wait3A_199 = tpu.memref_slice %arg7[%add3A_193, %dma_wait3A_198] : memref<20480x16xf32, #tpu.memory_space<hbm>> -> memref<640x16xf32, #tpu.memory_space<hbm>>
      %dma_wait3A_200 = arith.constant 0 : i32
      %dma_wait3A_201 = tpu.memref_slice %arg7[%add3A_193, %dma_wait3A_200] : memref<20480x16xf32, #tpu.memory_space<hbm>> -> memref<640x16xf32, #tpu.memory_space<hbm>>
      tpu.wait_dma2 semaphore(%run_scoped3A : memref<!tpu.dma_semaphore, #tpu.memory_space<semaphore_mem>>) src(%arg13 : memref<640x16xf32, #tpu.memory_space<vmem>>) dst(%dma_wait3A_201 : memref<640x16xf32, #tpu.memory_space<hbm>>)
      tpu.yield
    }) : () -> ()
    return
  }
}

module attributes {stable_mosaic.version = 14 : i64} {
  func.func @_tc1_body(%arg0: i32, %arg1: memref<2x1000x128xf32, #tpu.memory_space<vmem>>, %arg2: memref<2x1000x16xf32, #tpu.memory_space<vmem>>, %arg3: memref<1000x128xf32, #tpu.memory_space<vmem>>, %arg4: memref<256x128xf32, #tpu.memory_space<vmem>>, %arg5: memref<1x128xf32, #tpu.memory_space<vmem>>, %arg6: memref<256x128xf32, #tpu.memory_space<vmem>>, %arg7: memref<1x128xf32, #tpu.memory_space<vmem>>, %arg8: memref<1000x128xf32, #tpu.memory_space<vmem>>) attributes {dimension_semantics = [#tpu.dimension_semantics<arbitrary>], iteration_bounds = array<i64: 5>, scalar_prefetch = 0 : i64, scratch_operands = 0 : i64, tpu.core_type = #tpu.core_type<tc>, window_params = [{transform_indices = @transform_0, window_bounds = array<i64: 2, 1000, 128>}, {transform_indices = @transform_1, window_bounds = array<i64: 2, 1000, 16>}, {transform_indices = @transform_2, window_bounds = array<i64: 1000, 128>}, {pipeline_mode = #tpu.pipeline_mode<synchronous>, transform_indices = @transform_3, window_bounds = array<i64: 256, 128>}, {pipeline_mode = #tpu.pipeline_mode<synchronous>, transform_indices = @transform_4, window_bounds = array<i64: 1, 128>}, {pipeline_mode = #tpu.pipeline_mode<synchronous>, transform_indices = @transform_5, window_bounds = array<i64: 256, 128>}, {pipeline_mode = #tpu.pipeline_mode<synchronous>, transform_indices = @transform_6, window_bounds = array<i64: 1, 128>}, {transform_indices = @transform_7, window_bounds = array<i64: 1000, 128>}]} {
    %get3A = arith.constant 0 : index
    %get3A_0 = arith.constant 0 : index
    %get3A_1 = arith.constant 0 : index
    %get3A_2 = vector.load %arg1[%get3A, %get3A_0, %get3A_1] : memref<2x1000x128xf32, #tpu.memory_space<vmem>>, vector<1x1000x128xf32>
    %get3A_3 = vector.shape_cast %get3A_2 : vector<1x1000x128xf32> to vector<1000x128xf32>
    %get3A_4 = arith.constant 1 : index
    %get3A_5 = arith.constant 0 : index
    %get3A_6 = arith.constant 0 : index
    %get3A_7 = vector.load %arg1[%get3A_4, %get3A_5, %get3A_6] : memref<2x1000x128xf32, #tpu.memory_space<vmem>>, vector<1x1000x128xf32>
    %get3A_8 = vector.shape_cast %get3A_7 : vector<1x1000x128xf32> to vector<1000x128xf32>
    %add3A = arith.addf %get3A_3, %get3A_8 : vector<1000x128xf32>
    %get3A_9 = arith.constant 0 : index
    %get3A_10 = arith.constant 0 : index
    %get3A_11 = arith.constant 0 : index
    %get3A_12 = vector.load %arg2[%get3A_9, %get3A_10, %get3A_11] : memref<2x1000x16xf32, #tpu.memory_space<vmem>>, vector<1x1000x1xf32>
    %get3A_13 = vector.shape_cast %get3A_12 : vector<1x1000x1xf32> to vector<1000x1xf32>
    %get3A_14 = arith.constant 1 : index
    %get3A_15 = arith.constant 0 : index
    %get3A_16 = arith.constant 0 : index
    %get3A_17 = vector.load %arg2[%get3A_14, %get3A_15, %get3A_16] : memref<2x1000x16xf32, #tpu.memory_space<vmem>>, vector<1x1000x1xf32>
    %get3A_18 = vector.shape_cast %get3A_17 : vector<1x1000x1xf32> to vector<1000x1xf32>
    %add3A_19 = arith.addf %get3A_13, %get3A_18 : vector<1000x1xf32>
    %gt3A = arith.constant 0.000000e+00 : f32
    %gt3A_20 = vector.broadcast %gt3A : f32 to vector<1000x1xf32>
    %gt3A_21 = arith.cmpf ogt, %add3A_19, %gt3A_20 : vector<1000x1xf32>
    %convert_element_type3A = arith.extui %gt3A_21 : vector<1000x1xi1> to vector<1000x1xi32>
    %convert_element_type3A_22 = arith.sitofp %convert_element_type3A : vector<1000x1xi32> to vector<1000x1xf32>
    %max3A = arith.constant 1.000000e+00 : f32
    %max3A_23 = vector.broadcast %max3A : f32 to vector<1000x1xf32>
    %max3A_24 = arith.maximumf %add3A_19, %max3A_23 : vector<1000x1xf32>
    %div3A = vector.broadcast %max3A_24 : vector<1000x1xf32> to vector<1000x128xf32>
    %div3A_25 = arith.divf %add3A, %div3A : vector<1000x128xf32>
    %get3A_26 = arith.constant 0 : index
    %get3A_27 = arith.constant 0 : index
    %get3A_28 = vector.load %arg3[%get3A_26, %get3A_27] : memref<1000x128xf32, #tpu.memory_space<vmem>>, vector<1000x128xf32>
    %get3A_29 = arith.constant 0 : index
    %get3A_30 = arith.constant 0 : index
    %get3A_31 = vector.load %arg4[%get3A_29, %get3A_30] : memref<256x128xf32, #tpu.memory_space<vmem>>, vector<128x128xf32>
    %dot_general3A = arith.constant dense<0.000000e+00> : vector<1000x128xf32>
    %dot_general3A_32 = tpu.matmul %div3A_25, %get3A_31, %dot_general3A {dimension_numbers = #tpu.dot_dimension_numbers<[1], [0], [0], [1], [0, 0, 1, 1], [], []>, transpose_lhs_hint = false} : vector<1000x128xf32>, vector<128x128xf32>, vector<1000x128xf32> -> vector<1000x128xf32>
    %get3A_33 = arith.constant 128 : index
    %get3A_34 = arith.constant 0 : index
    %get3A_35 = vector.load %arg4[%get3A_33, %get3A_34] : memref<256x128xf32, #tpu.memory_space<vmem>>, vector<128x128xf32>
    %dot_general3A_36 = arith.constant dense<0.000000e+00> : vector<1000x128xf32>
    %dot_general3A_37 = tpu.matmul %get3A_28, %get3A_35, %dot_general3A_36 {dimension_numbers = #tpu.dot_dimension_numbers<[1], [0], [0], [1], [0, 0, 1, 1], [], []>, transpose_lhs_hint = false} : vector<1000x128xf32>, vector<128x128xf32>, vector<1000x128xf32> -> vector<1000x128xf32>
    %get3A_38 = arith.constant 0 : index
    %get3A_39 = arith.constant 0 : index
    %get3A_40 = vector.load %arg5[%get3A_38, %get3A_39] : memref<1x128xf32, #tpu.memory_space<vmem>>, vector<1x128xf32>
    %add3A_41 = vector.broadcast %get3A_40 : vector<1x128xf32> to vector<1000x128xf32>
    %add3A_42 = arith.addf %dot_general3A_37, %add3A_41 : vector<1000x128xf32>
    %mul3A = vector.broadcast %convert_element_type3A_22 : vector<1000x1xf32> to vector<1000x128xf32>
    %mul3A_43 = arith.mulf %mul3A, %add3A_42 : vector<1000x128xf32>
    %add3A_44 = arith.addf %dot_general3A_32, %mul3A_43 : vector<1000x128xf32>
    %get3A_45 = arith.constant 0 : index
    %get3A_46 = arith.constant 0 : index
    %get3A_47 = vector.load %arg6[%get3A_45, %get3A_46] : memref<256x128xf32, #tpu.memory_space<vmem>>, vector<128x128xf32>
    %dot_general3A_48 = arith.constant dense<0.000000e+00> : vector<1000x128xf32>
    %dot_general3A_49 = tpu.matmul %get3A_28, %get3A_47, %dot_general3A_48 {dimension_numbers = #tpu.dot_dimension_numbers<[1], [0], [0], [1], [0, 0, 1, 1], [], []>, transpose_lhs_hint = false} : vector<1000x128xf32>, vector<128x128xf32>, vector<1000x128xf32> -> vector<1000x128xf32>
    %get3A_50 = arith.constant 128 : index
    %get3A_51 = arith.constant 0 : index
    %get3A_52 = vector.load %arg6[%get3A_50, %get3A_51] : memref<256x128xf32, #tpu.memory_space<vmem>>, vector<128x128xf32>
    %dot_general3A_53 = arith.constant dense<0.000000e+00> : vector<1000x128xf32>
    %dot_general3A_54 = tpu.matmul %add3A_44, %get3A_52, %dot_general3A_53 {dimension_numbers = #tpu.dot_dimension_numbers<[1], [0], [0], [1], [0, 0, 1, 1], [], []>, transpose_lhs_hint = false} : vector<1000x128xf32>, vector<128x128xf32>, vector<1000x128xf32> -> vector<1000x128xf32>
    %add3A_55 = arith.addf %dot_general3A_49, %dot_general3A_54 : vector<1000x128xf32>
    %get3A_56 = arith.constant 0 : index
    %get3A_57 = arith.constant 0 : index
    %get3A_58 = vector.load %arg7[%get3A_56, %get3A_57] : memref<1x128xf32, #tpu.memory_space<vmem>>, vector<1x128xf32>
    %add3A_59 = vector.broadcast %get3A_58 : vector<1x128xf32> to vector<1000x128xf32>
    %add3A_60 = arith.addf %add3A_55, %add3A_59 : vector<1000x128xf32>
    %swap3A = arith.constant 0 : index
    %swap3A_61 = arith.constant 0 : index
    %swap3A_62 = vector.load %arg8[%swap3A, %swap3A_61] : memref<1000x128xf32, #tpu.memory_space<vmem>>, vector<1000x128xf32>
    tpu.vector_store %arg8[%swap3A, %swap3A_61], %add3A_60 {strides = array<i32>} : memref<1000x128xf32, #tpu.memory_space<vmem>>, vector<1000x128xf32>,
    return
  }
  func.func @transform_0(%arg0: i32) -> (i32, i32, i32) {
    %c0_i32 = arith.constant 0 : i32
    %c0_i32_0 = arith.constant 0 : i32
    %c0_i32_1 = arith.constant 0 : i32
    return %c0_i32, %arg0, %c0_i32_0 : i32, i32, i32
  }
  func.func @transform_1(%arg0: i32) -> (i32, i32, i32) {
    %c0_i32 = arith.constant 0 : i32
    %c0_i32_0 = arith.constant 0 : i32
    %c0_i32_1 = arith.constant 0 : i32
    return %c0_i32, %arg0, %c0_i32_0 : i32, i32, i32
  }
  func.func @transform_2(%arg0: i32) -> (i32, i32) {
    %c0_i32 = arith.constant 0 : i32
    %c0_i32_0 = arith.constant 0 : i32
    return %arg0, %c0_i32 : i32, i32
  }
  func.func @transform_3(%arg0: i32) -> (i32, i32) {
    %c0_i32 = arith.constant 0 : i32
    %c0_i32_0 = arith.constant 0 : i32
    %c0_i32_1 = arith.constant 0 : i32
    return %c0_i32, %c0_i32_0 : i32, i32
  }
  func.func @transform_4(%arg0: i32) -> (i32, i32) {
    %c0_i32 = arith.constant 0 : i32
    %c0_i32_0 = arith.constant 0 : i32
    %c0_i32_1 = arith.constant 0 : i32
    return %c0_i32, %c0_i32_0 : i32, i32
  }
  func.func @transform_5(%arg0: i32) -> (i32, i32) {
    %c0_i32 = arith.constant 0 : i32
    %c0_i32_0 = arith.constant 0 : i32
    %c0_i32_1 = arith.constant 0 : i32
    return %c0_i32, %c0_i32_0 : i32, i32
  }
  func.func @transform_6(%arg0: i32) -> (i32, i32) {
    %c0_i32 = arith.constant 0 : i32
    %c0_i32_0 = arith.constant 0 : i32
    %c0_i32_1 = arith.constant 0 : i32
    return %c0_i32, %c0_i32_0 : i32, i32
  }
  func.func @transform_7(%arg0: i32) -> (i32, i32) {
    %c0_i32 = arith.constant 0 : i32
    %c0_i32_0 = arith.constant 0 : i32
    return %arg0, %c0_i32 : i32, i32
  }
}

module attributes {stable_mosaic.version = 14 : i64} {
  func.func @_tc2_body(%arg0: i32, %arg1: memref<2000x128xf32, #tpu.memory_space<vmem>>, %arg2: memref<2x2000x128xf32, #tpu.memory_space<vmem>>, %arg3: memref<2x2000x16xf32, #tpu.memory_space<vmem>>, %arg4: memref<256x128xf32, #tpu.memory_space<vmem>>, %arg5: memref<1x128xf32, #tpu.memory_space<vmem>>, %arg6: memref<256x128xf32, #tpu.memory_space<vmem>>, %arg7: memref<1x128xf32, #tpu.memory_space<vmem>>, %arg8: memref<2000x128xf32, #tpu.memory_space<vmem>>) attributes {dimension_semantics = [#tpu.dimension_semantics<arbitrary>], iteration_bounds = array<i64: 5>, scalar_prefetch = 0 : i64, scratch_operands = 0 : i64, tpu.core_type = #tpu.core_type<tc>, window_params = [{transform_indices = @transform_0, window_bounds = array<i64: 2000, 128>}, {transform_indices = @transform_1, window_bounds = array<i64: 2, 2000, 128>}, {transform_indices = @transform_2, window_bounds = array<i64: 2, 2000, 16>}, {pipeline_mode = #tpu.pipeline_mode<synchronous>, transform_indices = @transform_3, window_bounds = array<i64: 256, 128>}, {pipeline_mode = #tpu.pipeline_mode<synchronous>, transform_indices = @transform_4, window_bounds = array<i64: 1, 128>}, {pipeline_mode = #tpu.pipeline_mode<synchronous>, transform_indices = @transform_5, window_bounds = array<i64: 256, 128>}, {pipeline_mode = #tpu.pipeline_mode<synchronous>, transform_indices = @transform_6, window_bounds = array<i64: 1, 128>}, {transform_indices = @transform_7, window_bounds = array<i64: 2000, 128>}]} {
    %get3A = arith.constant 0 : index
    %get3A_0 = arith.constant 0 : index
    %get3A_1 = arith.constant 0 : index
    %get3A_2 = vector.load %arg2[%get3A, %get3A_0, %get3A_1] : memref<2x2000x128xf32, #tpu.memory_space<vmem>>, vector<1x2000x128xf32>
    %get3A_3 = vector.shape_cast %get3A_2 : vector<1x2000x128xf32> to vector<2000x128xf32>
    %get3A_4 = arith.constant 1 : index
    %get3A_5 = arith.constant 0 : index
    %get3A_6 = arith.constant 0 : index
    %get3A_7 = vector.load %arg2[%get3A_4, %get3A_5, %get3A_6] : memref<2x2000x128xf32, #tpu.memory_space<vmem>>, vector<1x2000x128xf32>
    %get3A_8 = vector.shape_cast %get3A_7 : vector<1x2000x128xf32> to vector<2000x128xf32>
    %add3A = arith.addf %get3A_3, %get3A_8 : vector<2000x128xf32>
    %get3A_9 = arith.constant 0 : index
    %get3A_10 = arith.constant 0 : index
    %get3A_11 = arith.constant 0 : index
    %get3A_12 = vector.load %arg3[%get3A_9, %get3A_10, %get3A_11] : memref<2x2000x16xf32, #tpu.memory_space<vmem>>, vector<1x2000x1xf32>
    %get3A_13 = vector.shape_cast %get3A_12 : vector<1x2000x1xf32> to vector<2000x1xf32>
    %get3A_14 = arith.constant 1 : index
    %get3A_15 = arith.constant 0 : index
    %get3A_16 = arith.constant 0 : index
    %get3A_17 = vector.load %arg3[%get3A_14, %get3A_15, %get3A_16] : memref<2x2000x16xf32, #tpu.memory_space<vmem>>, vector<1x2000x1xf32>
    %get3A_18 = vector.shape_cast %get3A_17 : vector<1x2000x1xf32> to vector<2000x1xf32>
    %add3A_19 = arith.addf %get3A_13, %get3A_18 : vector<2000x1xf32>
    %iota3A = tpu.iota {dimensions = array<i32: 0>} : vector<2000x1xi32>
    %eq3A = arith.constant 0 : i32
    %eq3A_20 = arith.cmpi eq, %arg0, %eq3A : i32
    %eq3A_21 = arith.constant 0 : i32
    %eq3A_22 = vector.broadcast %eq3A_21 : i32 to vector<2000x1xi32>
    %eq3A_23 = arith.cmpi eq, %iota3A, %eq3A_22 : vector<2000x1xi32>
    %and3A = vector.broadcast %eq3A_20 : i1 to vector<2000x1xi1>
    %and3A_24 = arith.andi %and3A, %eq3A_23 : vector<2000x1xi1>
    %jit3A = arith.constant 0.000000e+00 : f32
    %jit3A_25 = arith.constant 0.000000e+00 : f32
    %broadcast_in_dim3A = vector.broadcast %jit3A : f32 to vector<2000x1xf32>
    %broadcast_in_dim3A_26 = vector.broadcast %jit3A_25 : f32 to vector<2000x1xf32>
    %select_n3A = arith.select %and3A_24, %broadcast_in_dim3A, %broadcast_in_dim3A_26 : vector<2000x1xi1>, vector<2000x1xf32>
    %sub3A = arith.subf %add3A_19, %select_n3A : vector<2000x1xf32>
    %gt3A = arith.constant 0.000000e+00 : f32
    %gt3A_27 = vector.broadcast %gt3A : f32 to vector<2000x1xf32>
    %gt3A_28 = arith.cmpf ogt, %sub3A, %gt3A_27 : vector<2000x1xf32>
    %convert_element_type3A = arith.extui %gt3A_28 : vector<2000x1xi1> to vector<2000x1xi32>
    %convert_element_type3A_29 = arith.sitofp %convert_element_type3A : vector<2000x1xi32> to vector<2000x1xf32>
    %max3A = arith.constant 1.000000e+00 : f32
    %max3A_30 = vector.broadcast %max3A : f32 to vector<2000x1xf32>
    %max3A_31 = arith.maximumf %sub3A, %max3A_30 : vector<2000x1xf32>
    %div3A = vector.broadcast %max3A_31 : vector<2000x1xf32> to vector<2000x128xf32>
    %div3A_32 = arith.divf %add3A, %div3A : vector<2000x128xf32>
    %get3A_33 = arith.constant 0 : index
    %get3A_34 = arith.constant 0 : index
    %get3A_35 = vector.load %arg1[%get3A_33, %get3A_34] : memref<2000x128xf32, #tpu.memory_space<vmem>>, vector<2000x128xf32>
    %get3A_36 = arith.constant 0 : index
    %get3A_37 = arith.constant 0 : index
    %get3A_38 = vector.load %arg4[%get3A_36, %get3A_37] : memref<256x128xf32, #tpu.memory_space<vmem>>, vector<128x128xf32>
    %dot_general3A = arith.constant dense<0.000000e+00> : vector<2000x128xf32>
    %dot_general3A_39 = tpu.matmul %get3A_35, %get3A_38, %dot_general3A {dimension_numbers = #tpu.dot_dimension_numbers<[1], [0], [0], [1], [0, 0, 1, 1], [], []>, transpose_lhs_hint = false} : vector<2000x128xf32>, vector<128x128xf32>, vector<2000x128xf32> -> vector<2000x128xf32>
    %get3A_40 = arith.constant 0 : index
    %get3A_41 = arith.constant 0 : index
    %get3A_42 = vector.load %arg5[%get3A_40, %get3A_41] : memref<1x128xf32, #tpu.memory_space<vmem>>, vector<1x128xf32>
    %add3A_43 = vector.broadcast %get3A_42 : vector<1x128xf32> to vector<2000x128xf32>
    %add3A_44 = arith.addf %dot_general3A_39, %add3A_43 : vector<2000x128xf32>
    %mul3A = vector.broadcast %convert_element_type3A_29 : vector<2000x1xf32> to vector<2000x128xf32>
    %mul3A_45 = arith.mulf %mul3A, %add3A_44 : vector<2000x128xf32>
    %get3A_46 = arith.constant 128 : index
    %get3A_47 = arith.constant 0 : index
    %get3A_48 = vector.load %arg4[%get3A_46, %get3A_47] : memref<256x128xf32, #tpu.memory_space<vmem>>, vector<128x128xf32>
    %dot_general3A_49 = arith.constant dense<0.000000e+00> : vector<2000x128xf32>
    %dot_general3A_50 = tpu.matmul %div3A_32, %get3A_48, %dot_general3A_49 {dimension_numbers = #tpu.dot_dimension_numbers<[1], [0], [0], [1], [0, 0, 1, 1], [], []>, transpose_lhs_hint = false} : vector<2000x128xf32>, vector<128x128xf32>, vector<2000x128xf32> -> vector<2000x128xf32>
    %add3A_51 = arith.addf %mul3A_45, %dot_general3A_50 : vector<2000x128xf32>
    %get3A_52 = arith.constant 0 : index
    %get3A_53 = arith.constant 0 : index
    %get3A_54 = vector.load %arg6[%get3A_52, %get3A_53] : memref<256x128xf32, #tpu.memory_space<vmem>>, vector<128x128xf32>
    %dot_general3A_55 = arith.constant dense<0.000000e+00> : vector<2000x128xf32>
    %dot_general3A_56 = tpu.matmul %get3A_35, %get3A_54, %dot_general3A_55 {dimension_numbers = #tpu.dot_dimension_numbers<[1], [0], [0], [1], [0, 0, 1, 1], [], []>, transpose_lhs_hint = false} : vector<2000x128xf32>, vector<128x128xf32>, vector<2000x128xf32> -> vector<2000x128xf32>
    %get3A_57 = arith.constant 128 : index
    %get3A_58 = arith.constant 0 : index
    %get3A_59 = vector.load %arg6[%get3A_57, %get3A_58] : memref<256x128xf32, #tpu.memory_space<vmem>>, vector<128x128xf32>
    %dot_general3A_60 = arith.constant dense<0.000000e+00> : vector<2000x128xf32>
    %dot_general3A_61 = tpu.matmul %add3A_51, %get3A_59, %dot_general3A_60 {dimension_numbers = #tpu.dot_dimension_numbers<[1], [0], [0], [1], [0, 0, 1, 1], [], []>, transpose_lhs_hint = false} : vector<2000x128xf32>, vector<128x128xf32>, vector<2000x128xf32> -> vector<2000x128xf32>
    %add3A_62 = arith.addf %dot_general3A_56, %dot_general3A_61 : vector<2000x128xf32>
    %get3A_63 = arith.constant 0 : index
    %get3A_64 = arith.constant 0 : index
    %get3A_65 = vector.load %arg7[%get3A_63, %get3A_64] : memref<1x128xf32, #tpu.memory_space<vmem>>, vector<1x128xf32>
    %add3A_66 = vector.broadcast %get3A_65 : vector<1x128xf32> to vector<2000x128xf32>
    %add3A_67 = arith.addf %add3A_62, %add3A_66 : vector<2000x128xf32>
    %swap3A = arith.constant 0 : index
    %swap3A_68 = arith.constant 0 : index
    %swap3A_69 = vector.load %arg8[%swap3A, %swap3A_68] : memref<2000x128xf32, #tpu.memory_space<vmem>>, vector<2000x128xf32>
    tpu.vector_store %arg8[%swap3A, %swap3A_68], %add3A_67 {strides = array<i32>} : memref<2000x128xf32, #tpu.memory_space<vmem>>, vector<2000x128xf32>,
    return
  }
  func.func @transform_0(%arg0: i32) -> (i32, i32) {
    %c0_i32 = arith.constant 0 : i32
    %c0_i32_0 = arith.constant 0 : i32
    return %arg0, %c0_i32 : i32, i32
  }
  func.func @transform_1(%arg0: i32) -> (i32, i32, i32) {
    %c0_i32 = arith.constant 0 : i32
    %c0_i32_0 = arith.constant 0 : i32
    %c0_i32_1 = arith.constant 0 : i32
    return %c0_i32, %arg0, %c0_i32_0 : i32, i32, i32
  }
  func.func @transform_2(%arg0: i32) -> (i32, i32, i32) {
    %c0_i32 = arith.constant 0 : i32
    %c0_i32_0 = arith.constant 0 : i32
    %c0_i32_1 = arith.constant 0 : i32
    return %c0_i32, %arg0, %c0_i32_0 : i32, i32, i32
  }
  func.func @transform_3(%arg0: i32) -> (i32, i32) {
    %c0_i32 = arith.constant 0 : i32
    %c0_i32_0 = arith.constant 0 : i32
    %c0_i32_1 = arith.constant 0 : i32
    return %c0_i32, %c0_i32_0 : i32, i32
  }
  func.func @transform_4(%arg0: i32) -> (i32, i32) {
    %c0_i32 = arith.constant 0 : i32
    %c0_i32_0 = arith.constant 0 : i32
    %c0_i32_1 = arith.constant 0 : i32
    return %c0_i32, %c0_i32_0 : i32, i32
  }
  func.func @transform_5(%arg0: i32) -> (i32, i32) {
    %c0_i32 = arith.constant 0 : i32
    %c0_i32_0 = arith.constant 0 : i32
    %c0_i32_1 = arith.constant 0 : i32
    return %c0_i32, %c0_i32_0 : i32, i32
  }
  func.func @transform_6(%arg0: i32) -> (i32, i32) {
    %c0_i32 = arith.constant 0 : i32
    %c0_i32_0 = arith.constant 0 : i32
    %c0_i32_1 = arith.constant 0 : i32
    return %c0_i32, %c0_i32_0 : i32, i32
  }
  func.func @transform_7(%arg0: i32) -> (i32, i32) {
    %c0_i32 = arith.constant 0 : i32
    %c0_i32_0 = arith.constant 0 : i32
    return %arg0, %c0_i32 : i32, i32
  }
}

</mosaic_0001>

<sc_bundles>
// kernel: _run.6.cloned.1.call-start
scs
__scs_entry_jumppad:
0x0: {  	(pc) =	sbr.rel $0x88, $3  }
0x1: {  	(tag) =	ssettag $0x0;
	lr =	simm.s32 $0x1  }
0x2: {  	[smem:$0x3F95] =	sst lr;
	_ =	strace $0xD0000000  }
0x3: {  	_ = 	snop  }
0x4: {  	_ = 	snop  }
0x5: {  	_ = 	snop  }
0x6: {  	_ = 	snop  }
0x7: {  	_ = 	snop  }
__scs_overlays_trampoline_lowered:
0x8: {  	[smem:$0x3FA4] =	sst s0  }
0x9: {  	[smem:$0x3FA5] =	sst s1  }
0xa: {  	[smem:$0x3FA6] =	sst s2  }
0xb: {  	[smem:$0x3FA7] =	sst s3  }
0xc: {  	[smem:$0x3FA8] =	sst s4  }
0xd: {  	[smem:$0x3FA9] =	sst s5  }
0xe: {  	[smem:$0x3FAA] =	sst s6  }
0xf: {  	[smem:$0x3FAB] =	sst s7  }
0x10: {  	[smem:$0x3FAC] =	sst s8  }
0x11: {  	[smem:$0x3FAD] =	sst s9;
	s0 =	simm.s32 @!p0 $0x0  }
0x12: {  	s1 =	sld [smem:$0x3F93];
	s0 =	simm.s32 @p0 $0x1  }
0x13: {  	[smem:$0x3FAE] =	sst s0;
	s0 =	simm.s32 @!p1 $0x0  }
0x14: {  	s2 =	sld [smem:$0x3F92];
	s0 =	simm.s32 @p1 $0x1  }
0x15: {  	[smem:$0x3FAF] =	sst s0;
	s0 =	simm.s32 @!p2 $0x0  }
0x16: {  	s3 =	sld [smem:$0x3FDB];
	s0 =	simm.s32 @p2 $0x1  }
0x17: {  	s4 =	simm.s32 $0x1BF5;
	[smem:$0x3FB1] =	sst s0  }
0x18: {  	s0 =	sld [smem:$0x3F94];
	_ =	swait.ge [sflag:s4], $0x0  }
0x19: {  	s7 =	sld [smem:$0x3F95]  }
0x1a: {  	s8 =	sadd.s32 $0xFFFFE003, lr  }
0x1b: {  	s9 =	sadd.s32 $0xFFFFFEF7, lr;
	s5 =	simm.s32 $0xFFFFFFFF;
	p2 =	slt.u32 s8, $0xFFFFF086  }
0x1c: {  	p1 =	slt.u32 s9, $0xF7A;
	s5 =	simm.s32 @!p2 $0x0  }
0x1d: {  	s5 =	simm.s32 @p1 $0x1;
	p0 =	seq.s32 s7, s2  }
0x1e: {  	s7 =	smul.u32 @!p0 $0xF7A, s2;
	p2 =	seq.s32 @!p0 s5, $0x0  }
0x1f: {  	s9 =	smul.u32 $0xF7A, s1;
	s8 =	simm.s32 @!p0 $0x1BF5;
	p2 =	por !p2, p0  }
0x20: {  	[sflag:s8] =	ssyncset.s32 @!p0 $0xFFFFF086;
	s6 =	sadd.s32 @!p0 s3, s7;
	s7 =	simm.s32 @!p0 $0x108  }
0x21: {  	s3 =	sadd.s32 s3, s9;
	s6 =	sadd.s32 @!p0 $0x88, s6;
	s7 =	simm.s32 @p2 $0x1082  }
0x22: {  	[simem:s7], [sflag:s8] =	dma.local @!p0 [hbm:s6], $0xF7A  }
0x23: {  	s9 =	sor.u32 $0xD0000000, s2;
	s6 =	simm.s32 $0x108;
	_ =	swait.ge @!p0 [sflag:s8], $0x0  }
0x24: {  	s3 =	sadd.s32 $0x88, s3;
	s6 =	simm.s32 @!p1 $0x1082;
	[sflag:s4] =	ssyncset.s32 $0xFFFFF086  }
0x25: {  	[simem:s6], [sflag:s4] =	dma.local [hbm:s3], $0xF7A  }
0x26: {  	[smem:$0x3F95] =	sst s1;
	(tag) =	ssettag s2;
	_ =	strace s9  }
0x27: {  	s1 =	sld [smem:$0x3FA5]  }
0x28: {  	s2 =	sld [smem:$0x3FA6]  }
0x29: {  	s4 =	sld [smem:$0x3FA8]  }
0x2a: {  	p0 =	seq.s32 s5, $0x0;
	s5 =	sld [smem:$0x3FA9]  }
0x2b: {  	s6 =	sld [smem:$0x3FAA]  }
0x2c: {  	s7 =	sld [smem:$0x3FAB]  }
0x2d: {  	s3 =	simm.s32 $0x108;
	s8 =	sld [smem:$0x3FAC]  }
0x2e: {  	s3 =	simm.s32 @!p0 $0x1082;
	s9 =	sld [smem:$0x3FAD]  }
0x2f: {  	lr =	sadd.s32 s0, s3;
	s0 =	sld [smem:$0x3FA4]  }
0x30: {  	s3 =	sld [smem:$0x3FA7]  }
0x31: {  	[smem:$0x3FB0] =	sst s10  }
0x32: {  	s10 =	sld [smem:$0x3FAE];
	_ =	sdelay $0x3  }
0x33: {  	p0 =	seq.s32 s10, $0x1;
	s10 =	sld [smem:$0x3FB0];
	_ =	sdelay $0x3  }
0x34: {  	[smem:$0x3FB0] =	sst s10  }
0x35: {  	s10 =	sld [smem:$0x3FAF];
	_ =	sdelay $0x3  }
0x36: {  	p1 =	seq.s32 s10, $0x1;
	s10 =	sld [smem:$0x3FB0];
	_ =	sdelay $0x3  }
0x37: {  	[smem:$0x3FB0] =	sst s10  }
0x38: {  	s10 =	sld [smem:$0x3FB1]  }
0x39: {  	_ = 	snop;
	(pc) =	sbr.ind lr, $3  }
0x3a: {  	_ = 	snop  }
0x3b: {  	_ = 	snop  }
0x3c: {  	p2 =	seq.s32 s10, $0x1;
	s10 =	sld [smem:$0x3FB0]  }
0x3d: {  	_ =	shalt  }
0x3e: {  	_ =	shalt  }
0x3f: {  	_ =	shalt  }
0x40: {  	_ =	shalt  }
0x41: {  	_ =	shalt  }
0x42: {  	_ =	shalt  }
0x43: {  	_ =	shalt  }
0x44: {  	_ =	shalt  }
0x45: {  	_ =	shalt  }
0x46: {  	_ =	shalt  }
0x47: {  	_ =	shalt  }
0x48: {  	_ =	shalt  }
0x49: {  	_ =	shalt  }
0x4a: {  	_ =	shalt  }
0x4b: {  	_ =	shalt  }
0x4c: {  	_ =	shalt  }
0x4d: {  	_ =	shalt  }
0x4e: {  	_ =	shalt  }
0x4f: {  	_ =	shalt  }
0x50: {  	_ =	shalt  }
0x51: {  	_ =	shalt  }
0x52: {  	_ =	shalt  }
0x53: {  	_ =	shalt  }
0x54: {  	_ =	shalt  }
0x55: {  	_ =	shalt  }
0x56: {  	_ =	shalt  }
0x57: {  	_ =	shalt  }
0x58: {  	_ =	shalt  }
0x59: {  	_ =	shalt  }
0x5a: {  	_ =	shalt  }
0x5b: {  	_ =	shalt  }
0x5c: {  	_ =	shalt  }
0x5d: {  	_ =	shalt  }
0x5e: {  	_ =	shalt  }
0x5f: {  	_ =	shalt  }
0x60: {  	_ =	shalt  }
0x61: {  	_ =	shalt  }
0x62: {  	_ =	shalt  }
0x63: {  	_ =	shalt  }
0x64: {  	_ =	shalt  }
0x65: {  	_ =	shalt  }
0x66: {  	_ =	shalt  }
0x67: {  	_ =	shalt  }
0x68: {  	_ =	shalt  }
0x69: {  	_ =	shalt  }
0x6a: {  	_ =	shalt  }
0x6b: {  	_ =	shalt  }
0x6c: {  	_ =	shalt  }
0x6d: {  	_ =	shalt  }
0x6e: {  	_ =	shalt  }
0x6f: {  	_ =	shalt  }
0x70: {  	_ =	shalt  }
0x71: {  	_ =	shalt  }
0x72: {  	_ =	shalt  }
0x73: {  	_ =	shalt  }
0x74: {  	_ =	shalt  }
0x75: {  	_ =	shalt  }
0x76: {  	_ =	shalt  }
0x77: {  	_ =	shalt  }
0x78: {  	_ =	shalt  }
0x79: {  	_ =	shalt  }
0x7a: {  	_ =	shalt  }
0x7b: {  	_ =	shalt  }
0x7c: {  	_ =	shalt  }
0x7d: {  	_ =	shalt  }
0x7e: {  	_ =	shalt  }
0x7f: {  	_ =	shalt  }
0x80: {  	_ =	shalt  }
0x81: {  	_ =	shalt  }
0x82: {  	_ =	shalt  }
0x83: {  	_ =	shalt  }
0x84: {  	_ =	shalt  }
0x85: {  	_ =	shalt  }
0x86: {  	_ =	shalt  }
0x87: {  	_ =	shalt  }
.Lfunc_end0:
.L_simem_size_0:
called_computation_lowered:
.L_overlay_start_0:
0x88: {  	s2 =	sld [smem:$0x3FD9]  }
0x89: {  	s3 =	sld [smem:$0x3FFE];
	_ =	sdelay $0x1  }
0x8a: {  	s1 =	srdreg.scid  }
0x8b: {  	s0 =	sand.u32 $0x1, s1  }
0x8c: {  	s14 =	sshll.u32 s0, $0xA;
	s2 =	sadd.s32 s3, s2  }
0x8d: {  	s2 =	sadd.s32 s2, s14  }
0x8e: {  	[smem:$0x3FBC] =	sst s2  }
0x8f: {  	_ = 	snop  }
0x90: {  	s2 =	sld [smem:$0x3FD0]  }
0x91: {  	s15 =	sld [smem:$0x3FC9]  }
0x92: {  	s4 =	sld [smem:$0x3FC7]  }
0x93: {  	s6 =	simm.s32 $0xA;
	s7 =	simm.s32 $0x10;
	s5 =	sld [smem:$0x3FC6]  }
0x94: {  	[smem:s7], [sflag:s6] =	dma.local [hbm:s2], $0x1  }
0x95: {  	_ =	swait.eq [sflag:s6], $0x1  }
0x96: {  	[sflag:s6] =	ssyncset.done $0x0  }
0x97: {  	s16 =	sld [smem:$0x10];
	[sflag:s6] =	ssyncadd.s32 $0xFFFFFFFF  }
0x98: {  	s17 =	sld [smem:$0x11];
	(tm) =	ssettm $0x1  }
0x99: {  	s18 =	sld [smem:$0x3FFB];
	_ =	sdelay $0x3  }
0x9a: {  	_ =	strace s18  }
0x9b: {  	s7 =	sld [smem:$0x3FFC];
	_ =	sdelay $0x3  }
0x9c: {  	_ =	strace s7  }
0x9d: {  	s7 =	sld [smem:$0x3FFD];
	_ =	sdelay $0x3  }
0x9e: {  	_ =	strace s7  }
0x9f: {  	_ =	strace $0x8FFFFFFF  }
0xa0: {  	s19 =	sld [smem:$0x3FDB];
	_ =	sdelay $0x1  }
0xa1: {  	s8 =	simm.s32 $_scs_section_size  }
0xa2: {  	s9 =	simm.s32 $_size__tile_overlayer_lowered;
	s10 =	simm.s32 $_tile_overlayer_lowered  }
0xa3: {  	s22 =	simm.s32 $0x1BFF;
	s21 =	sshll.u32 s10, $0x1;
	s7 =	sadd.s32 s8, s19  }
0xa4: {  	s11 =	simm.s32 $0x0;
	s20 =	sshll.u32 s9, $0x1;
	s9 =	sadd.s32 s21, s7  }
0xa5: {  	[timem:s11], [sflag:s22] =	dma.local [hbm:s9], s20  }
0xa6: {  	_ =	swait.ge [sflag:s22], s20  }
0xa7: {  	s8 =	ssub.s32 $0x0, s20;
	[sflag:s22] =	ssyncset.done $0x0  }
0xa8: {  	[sflag:s22] =	ssyncadd.s32 s8;
	_ =	sdelay $0x1  }
0xa9: {  	s23 =	simm.s32 $0x1B8B  }
0xaa: {  	_ =	swait.ge [sflag:s23], $0x1  }
0xab: {  	[sflag:s23] =	ssyncset.done $0x0  }
0xac: {  	s25 =	simm.s32 $0x1B8E;
	s24 =	sld [smem:$0x3FFE];
	[sflag:s23] =	ssyncadd.s32 $0xFFFFFFFF  }
0xad: {  	s26 =	simm.s32 $execute0_lowered;
	[smem:$0x3FD2] =	sst s25  }
0xae: {  	s9 =	sshll.u32 s26, $0x1;
	_ =	strace $0x80000046;
	[dreg:$0x1] =	wrdreg $0xFFFFFFFF  }
0xaf: {  	s28 =	simm.s32 $_size_execute0_lowered;
	s7 =	sadd.s32 s7, s9;
	[dreg:$0x0] =	wrdreg $0x0  }
0xb0: {  	s9 =	sshll.u32 s28, $0x1;
	[dreg:$0x2] =	wrdreg s7  }
0xb1: {  	[dreg:$0x3] =	wrdreg s9  }
0xb2: {  	[dreg:$0x4] =	wrdreg $0xC0  }
0xb3: {  	_ =	task [dreg:s11], $0x5FFFF  }
0xb4: {  	[dreg:$0x1] =	wrdreg $0xFFFFFFFF  }
0xb5: {  	[dreg:$0x0] =	wrdreg $0x60  }
0xb6: {  	[dreg:$0x2] =	wrdreg s15  }
0xb7: {  	[dreg:$0x3] =	wrdreg s4  }
0xb8: {  	[dreg:$0x4] =	wrdreg s5  }
0xb9: {  	[dreg:$0x5] =	wrdreg s24  }
0xba: {  	[dreg:$0x6] =	wrdreg s17  }
0xbb: {  	[dreg:$0x7] =	wrdreg s16  }
0xbc: {  	[dreg:$0x8] =	wrdreg $0xCB200  }
0xbd: {  	[dreg:$0x9] =	wrdreg $0x16B200  }
0xbe: {  	[dreg:$0xa] =	wrdreg $0x17F200  }
0xbf: {  	[dreg:$0xb] =	wrdreg $0x9  }
0xc0: {  	_ =	task.clear_ibuf [dreg:s11], $0xCFFFF;
	_ =	strace $0x90000046  }
0xc1: {  	s29 =	simm.s32 $0x9;
	_ =	strace $0x80000048  }
0xc2: {  	_ =	swait.ge [sflag:s29], $0x1  }
0xc3: {  	[sflag:s29] =	ssyncadd.s32 $0xFFFFFFFF  }
0xc4: {  	_ =	strace $0x90000048  }
0xc5: {  	_ =	sfence  }
0xc6: {  	s30 =	sld [smem:$0x0];
	_ =	sdelay $0x2  }
0xc7: {  	s31 =	sshll.u32 s1, $0xD;
	s1 =	sshrl.u32 s1, $0x2  }
0xc8: {  	s3 =	sand.u32 $0x4000, s31;
	s1 =	sadd.s32 s1, s30  }
0xc9: {  	s0 =	sor.u32 s3, s0;
	s1 =	sshll.u32 s1, $0x11  }
0xca: {  	s0 =	sor.u32 s1, s0  }
0xcb: {  	s0 =	sadd.s32 $0x8F2B, s0  }
0xcc: {  	[sflag:s0] =	ssyncadd.remote.s32 $0x1  }
0xcd: {  	_ =	sfence.sel $0xFFFF  }
0xce: {  	[dreg:$0x0] =	wrdreg $0xFFFFFFFF;
	(pc) =	sbr.abs _section_cstart, $3  }
0xcf: {  	[dreg:$0x1] =	wrdreg $0xFFFFFFFF  }
0xd0: {  	_ =	task.clear_ibuf [dreg:s11], $0x2FFFF;
	_ =	strace $0x9FFFFFFF  }
0xd1: {  	(tm) =	ssettm $0x7FFFFFFF  }
tec
execute0_lowered:
.L_overlay_start_1:
0x0: {  	(tag) =	ssettag $0x1  }
0x1: {  	s0 =	rddreg [dreg:$0x0]  }
0x2: {  	s1 =	rddreg [dreg:$0x1]  }
0x3: {  	s3 =	rddreg [dreg:$0x2]  }
0x4: {  	s7 =	rddreg [dreg:$0x3]  }
0x5: {  	s9 =	rddreg [dreg:$0x4]  }
0x6: {  	s15 =	rddreg [dreg:$0x5]  }
0x7: {  	s2 =	rddreg [dreg:$0x6]  }
0x8: {  	s4 =	rddreg [dreg:$0x7]  }
0x9: {  	s6 =	srdreg.scid;
	s17 =	stileid.u32  }
0xa: {  	s5 =	rddreg [dreg:$0x8];
	s28 =	simm.s32 $0x2;
	s8 =	smul.u32 $0x140, s17  }
0xb: {  	s29 =	simm.s32 $0x50;
	s30 =	simm.s32 $0x7620;
	s11 =	smul.u32 $0x28000, s17  }
0xc: {  	s31 =	simm.s32 $0x9E20;
	s16 =	sand.u32 $0x1, s6;
	s19 =	smul.u32 $0xA000, s17  }
0xd: {  	s6 =	simm.s32 $0x0;
	s25 =	sshll.u32 s17, $0x1;
	s10 =	smul.u32 $0x1400, s16  }
0xe: {  	s20 =	smul.u32 $0x500, s17;
	[smem:$0x7FF] =	sst s6;
	s26 =	ssub.s32 $0x2, s16  }
0xf: {  	s23 =	smul.u32 $0x5000, s16;
	s13 =	sshrl.u32 s26, $0x1;
	s18 =	sadd.s32 s8, s10  }
0x10: {  	s8 =	sor.u32 s16, s25;
	s21 =	ssub.s32 s26, s13;
	s13 =	smul.u32 $0x5000, s17  }
0x11: {  	_ =	strace $0x80000047;
	s12 =	sshll.u32 s18, $0x4;
	s14 =	smul.u32 $0x4E2, s8  }
0x12: {  	s26 =	sshll.u32 s18, $0x1;
	s7 =	sadd.s32 s12, s7;
	s12 =	sshrl.u32 s11, $0x2  }
0x13: {  	s21 =	smax.u32 s21, $0x1;
	s1 =	sadd.s32 s1, s14;
	s8 =	sadd.s32 s12, s2  }
0x14: {  	s3 =	sadd.s32 s3, s14;
	s22 =	sadd.s32 $0x2C00, s7;
	[dreg:$0xa] =	wrdreg s1  }
0x15: {  	s24 =	sadd.s32 $0x3100, s7;
	s25 =	sadd.s32 $0x3600, s7;
	[dreg:$0xb] =	wrdreg s3  }
0x16: {  	s18 =	sadd.s32 $0x3B00, s7;
	s10 =	sadd.s32 $0x2800, s8;
	[dreg:$0xc] =	wrdreg s22  }
0x17: {  	s11 =	sadd.s32 $0x5000, s8;
	s12 =	sadd.s32 $0x7800, s8;
	[dreg:$0xd] =	wrdreg s24  }
0x18: {  	s1 =	sshrl.u32 s13, $0x2;
	s3 =	sshrl.u32 s19, $0x2;
	[dreg:$0xe] =	wrdreg s25  }
0x19: {  	s19 =	sadd.s32 s9, s26;
	s24 =	simm.s32 $0x4;
	s25 =	simm.s32 $0xA320  }
0x1a: {  	s26 =	simm.s32 $0x1;
	s22 =	simm.s32 $0x0;
	s13 =	sadd.s32 s1, s4  }
0x1b: {  	s14 =	sadd.s32 s3, s5;
	s1 =	sadd.s32 s20, s23;
	s23 =	simm.s32 $0x4E20  }
0x1c: {  	v0 =	vimm.f32 $0.0e+00;
	v1 =	vimm.f32 $1.000000000e+00;
	s3 =	simm.s32 $0x3;
	s20 =	sadd.s32 s15, s1;
	s1 =	simm.s32 $0x4DD0  }
.LBB2_1:
0x1d: {  	s7 =	rddreg [dreg:$0xa]  }
0x1e: {  	[tilespmem:s6], [sflag:$0x1] =	stream.linear.gather [hbm4b:s7+s6], $0x2710, $0x38;
	[tilespmem:$0x1A720] =	vst v63  }
0x1f: {  	s17 =	rddreg [dreg:$0xb];
	s9 =	simm.s32 $0x2710  }
0x20: {  	[tilespmem:s9], [sflag:$0x2] =	stream.linear.gather [hbm4b:s17+s6], $0x2710, $0x38;
	[tilespmem:$0x1A720] =	vst v63  }
0x21: {  	s7 =	simm.s32 $0x0;
	s9 =	simm.s32 $0x200  }
.LBB2_2:
0x22: {  	p0 =	sne.s32 s9, $0x9E00;
	[tilespmem:s7+$0x4E90] =	vst v0  }
0x23: {  	[tilespmem:s7+$0x4E20] =	vst v0  }
0x24: {  	[tilespmem:s7+$0x4E30] =	vst v0  }
.Ltmp0:
0x25: {  	[tilespmem:s7+$0x4E40] =	vst v0;
	(pc) =	sbr.rel @p0 .LBB2_2-.Ltmp0, $4  }
0x26: {  	[tilespmem:s7+$0x4E50] =	vst v0  }
0x27: {  	[tilespmem:s7+$0x4E60] =	vst v0  }
0x28: {  	[tilespmem:s7+$0x4E70] =	vst v0  }
0x29: {  	[tilespmem:s7+$0x4E80] =	vst v0;
	s7 =	sshra.s32 s9, $0x2;
	s9 =	sadd.s32 $0x200, s9  }
0x2a: {  	[tilespmem:s7+$0x4E90] =	vst v0  }
0x2b: {  	[tilespmem:s7+$0x4E20] =	vst v0  }
0x2c: {  	[tilespmem:s7+$0x4E30] =	vst v0  }
0x2d: {  	[tilespmem:s7+$0x4E40] =	vst v0  }
0x2e: {  	[tilespmem:s7+$0x4E50] =	vst v0  }
0x2f: {  	[tilespmem:s7+$0x4E60] =	vst v0  }
0x30: {  	[tilespmem:s7+$0x4E70] =	vst v0  }
0x31: {  	[tilespmem:s7+$0x4E80] =	vst v0;
	s7 =	simm.s32 $0x40;
	s9 =	simm.s32 $0x0  }
.LBB2_4:
0x32: {  	p0 =	sne.s32 s7, $0x9FC0;
	[tilespmem:s9+$0xA320] =	vst v0;
	s9 =	smov.u32 s7;
	s7 =	sadd.s32 $0x40, s7  }
.Ltmp1:
0x33: {  	(pc) =	sbr.rel @p0 .LBB2_4-.Ltmp1, $2  }
0x34: {  	_ =	sdelay $0x2  }
0x35: {  	s9 =	sshra.s32 s9, $0x2  }
0x36: {  	[tilespmem:s9+$0xA320] =	vst v0;
	s7 =	simm.s32 $0x40;
	s9 =	simm.s32 $0x0  }
.LBB2_6:
0x37: {  	p0 =	sne.s32 s7, $0x13C0;
	[tilespmem:s9+$0x9E20] =	vst v1;
	s9 =	smov.u32 s7;
	s7 =	sadd.s32 $0x40, s7  }
.Ltmp2:
0x38: {  	(pc) =	sbr.rel @p0 .LBB2_6-.Ltmp2, $2  }
0x39: {  	_ =	sdelay $0x2  }
0x3a: {  	s9 =	sshra.s32 s9, $0x2  }
0x3b: {  	[tilespmem:s9+$0x9E20] =	vst v1  }
0x3c: {  	[spmem:s8] =	stream.linear.scatter [tilespmem:s23], [sflag:$0x4], $0x2800, $0x38;
	[tilespmem:$0x1A720] =	vst v63  }
0x3d: {  	_ =	swait.ge [sflag:s24], $0x2800  }
0x3e: {  	[sflag:s24] =	ssyncset.done $0x0  }
0x3f: {  	[sflag:s24] =	ssyncadd.s32 $0xFFFFD800  }
0x40: {  	[spmem:s10] =	stream.linear.scatter [tilespmem:s23], [sflag:$0x4], $0x2800, $0x38;
	[tilespmem:$0x1A720] =	vst v63  }
0x41: {  	_ =	swait.ge [sflag:s24], $0x2800  }
0x42: {  	[sflag:s24] =	ssyncset.done $0x0  }
0x43: {  	[sflag:s24] =	ssyncadd.s32 $0xFFFFD800  }
0x44: {  	[spmem:s11] =	stream.linear.scatter [tilespmem:s23], [sflag:$0x4], $0x2800, $0x38;
	[tilespmem:$0x1A720] =	vst v63  }
0x45: {  	_ =	swait.ge [sflag:s24], $0x2800  }
0x46: {  	[sflag:s24] =	ssyncset.done $0x0  }
0x47: {  	[sflag:s24] =	ssyncadd.s32 $0xFFFFD800  }
0x48: {  	[spmem:s12] =	stream.linear.scatter [tilespmem:s23], [sflag:$0x4], $0x2800, $0x38;
	[tilespmem:$0x1A720] =	vst v63  }
0x49: {  	_ =	swait.ge [sflag:s24], $0x2800  }
0x4a: {  	[sflag:s24] =	ssyncset.done $0x0  }
0x4b: {  	[sflag:s24] =	ssyncadd.s32 $0xFFFFD800  }
0x4c: {  	[spmem:s13] =	stream.linear.scatter [tilespmem:s25], [sflag:$0x4], $0x1400, $0x38;
	[tilespmem:$0x1A720] =	vst v63  }
0x4d: {  	_ =	swait.ge [sflag:s24], $0x1400  }
0x4e: {  	[sflag:s24] =	ssyncset.done $0x0  }
0x4f: {  	[sflag:s24] =	ssyncadd.s32 $0xFFFFEC00  }
0x50: {  	[spmem:s14] =	stream.linear.scatter [tilespmem:s25], [sflag:$0x4], $0x2800, $0x38;
	[tilespmem:$0x1A720] =	vst v63  }
0x51: {  	_ =	swait.ge [sflag:s24], $0x2800  }
0x52: {  	[sflag:s24] =	ssyncset.done $0x0  }
0x53: {  	[sflag:s24] =	ssyncadd.s32 $0xFFFFD800  }
0x54: {  	_ =	swait.ge [sflag:s26], $0x2710  }
0x55: {  	[sflag:s26] =	ssyncset.done $0x0  }
0x56: {  	[sflag:s26] =	ssyncadd.s32 $0xFFFFD8F0  }
0x57: {  	_ =	swait.ge [sflag:s28], $0x2710  }
0x58: {  	[sflag:s28] =	ssyncset.done $0x0  }
0x59: {  	[sflag:s28] =	ssyncadd.s32 $0xFFFFD8F0  }
0x5a: {  	s7 =	simm.s32 $0x0;
	[bflag:$0x0] =	sbarrier.arrive $0xFFFF  }
0x5b: {  	[tilespmem:s23], [sflag:$0x1] =	stream.indirect.gather [hbm4b:s0+s29], $0x80, s7, s29, $0xb8;
	[tilespmem:$0x1A720] =	vst v63  }
0x5c: {  	s7 =	simm.s32 $0x50  }
0x5d: {  	[tilespmem:s30], [sflag:$0x2] =	stream.indirect.gather [hbm4b:s0+s29], $0x80, s7, s29, $0xb8;
	[tilespmem:$0x1A720] =	vst v63  }
0x5e: {  	_ =	swait.ge [sflag:s26], $0x2800  }
0x5f: {  	[sflag:s26] =	ssyncset.done $0x0  }
0x60: {  	s17 =	simm.s32 $0x2710;
	[sflag:s26] =	ssyncadd.s32 $0xFFFFD800  }
0x61: {  	[spmem:s2] =	stream.indirect.scatter.add.f32 [tilespmem:s23], [sflag:$0x3], $0x80, s17, s29, $0xb8;
	[tilespmem:$0x1A720] =	vst v63  }
0x62: {  	_ = 	snop  }
0x63: {  	[spmem:s4] =	stream.indirect.scatter.add.f32 [tilespmem:s31], [sflag:$0x3], $0x10, s17, s29, $0xb8;
	[tilespmem:$0x1A720] =	vst v63  }
0x64: {  	s15 =	simm.s32 $0x0  }
0x65: {  	[spmem:s5] =	stream.indirect.scatter.add.f32 [tilespmem:s31], [sflag:$0x3], $0x10, s15, s29, $0xb8;
	[tilespmem:$0x1A720] =	vst v63  }
0x66: {  	_ =	swait.ge [sflag:s3], $0x2800  }
0x67: {  	[sflag:s3] =	ssyncset.done $0x0  }
0x68: {  	[sflag:s3] =	ssyncadd.s32 $0xFFFFD800  }
0x69: {  	_ =	swait.ge [sflag:s3], $0x500  }
0x6a: {  	[sflag:s3] =	ssyncset.done $0x0  }
0x6b: {  	[sflag:s3] =	ssyncadd.s32 $0xFFFFFB00  }
0x6c: {  	_ =	swait.ge [sflag:s3], $0x500  }
0x6d: {  	[sflag:s3] =	ssyncset.done $0x0  }
0x6e: {  	s16 =	simm.s32 $0xA0;
	[sflag:s3] =	ssyncadd.s32 $0xFFFFFB00  }
0x6f: {  	[tilespmem:s23], [sflag:$0x1] =	stream.indirect.gather [hbm4b:s0+s29], $0x80, s16, s29, $0xb8;
	[tilespmem:$0x1A720] =	vst v63  }
0x70: {  	_ =	swait.ge [sflag:s28], $0x2800  }
0x71: {  	[sflag:s28] =	ssyncset.done $0x0  }
0x72: {  	s17 =	simm.s32 $0x2760;
	[sflag:s28] =	ssyncadd.s32 $0xFFFFD800  }
0x73: {  	[spmem:s2] =	stream.indirect.scatter.add.f32 [tilespmem:s30], [sflag:$0x3], $0x80, s17, s29, $0xb8;
	[tilespmem:$0x1A720] =	vst v63  }
0x74: {  	_ = 	snop  }
0x75: {  	[spmem:s4] =	stream.indirect.scatter.add.f32 [tilespmem:s31], [sflag:$0x3], $0x10, s17, s29, $0xb8;
	[tilespmem:$0x1A720] =	vst v63  }
0x76: {  	_ = 	snop  }
0x77: {  	[spmem:s5] =	stream.indirect.scatter.add.f32 [tilespmem:s31], [sflag:$0x3], $0x10, s7, s29, $0xb8;
	[tilespmem:$0x1A720] =	vst v63  }
0x78: {  	_ =	swait.ge [sflag:s3], $0x2800  }
0x79: {  	[sflag:s3] =	ssyncset.done $0x0  }
0x7a: {  	[sflag:s3] =	ssyncadd.s32 $0xFFFFD800  }
0x7b: {  	_ =	swait.ge [sflag:s3], $0x500  }
0x7c: {  	[sflag:s3] =	ssyncset.done $0x0  }
0x7d: {  	[sflag:s3] =	ssyncadd.s32 $0xFFFFFB00  }
0x7e: {  	_ =	swait.ge [sflag:s3], $0x500  }
0x7f: {  	s9 =	simm.s32 $0x500;
	s7 =	simm.s32 $0xA0;
	[sflag:s3] =	ssyncset.done $0x0  }
.LBB2_8:
0x80: {  	s17 =	sadd.s32 $0x50, s7  }
0x81: {  	[sflag:s3] =	ssyncadd.s32 $0xFFFFFB00;
	s15 =	smov.u32 s9;
	s16 =	sadd.s32 $0x280, s9  }
0x82: {  	[tilespmem:s30], [sflag:$0x2] =	stream.indirect.gather [hbm4b:s0+s29], $0x80, s17, s29, $0xb8;
	[tilespmem:$0x1A720] =	vst v63  }
0x83: {  	p0 =	sne.s32 s9, $0x9880;
	_ =	swait.ge [sflag:s26], $0x2800  }
0x84: {  	[sflag:s26] =	ssyncset.done $0x0  }
0x85: {  	s9 =	sadd.s32 $0x2710, s7;
	[sflag:s26] =	ssyncadd.s32 $0xFFFFD800  }
0x86: {  	[spmem:s2] =	stream.indirect.scatter.add.f32 [tilespmem:s23], [sflag:$0x3], $0x80, s9, s29, $0xb8;
	[tilespmem:$0x1A720] =	vst v63  }
0x87: {  	_ = 	snop  }
0x88: {  	[spmem:s4] =	stream.indirect.scatter.add.f32 [tilespmem:s31], [sflag:$0x3], $0x10, s9, s29, $0xb8;
	[tilespmem:$0x1A720] =	vst v63  }
0x89: {  	_ = 	snop  }
0x8a: {  	[spmem:s5] =	stream.indirect.scatter.add.f32 [tilespmem:s31], [sflag:$0x3], $0x10, s7, s29, $0xb8;
	[tilespmem:$0x1A720] =	vst v63  }
0x8b: {  	_ =	swait.ge [sflag:s3], $0x2800  }
0x8c: {  	[sflag:s3] =	ssyncset.done $0x0  }
0x8d: {  	[sflag:s3] =	ssyncadd.s32 $0xFFFFD800  }
0x8e: {  	_ =	swait.ge [sflag:s3], $0x500  }
0x8f: {  	[sflag:s3] =	ssyncset.done $0x0  }
0x90: {  	[sflag:s3] =	ssyncadd.s32 $0xFFFFFB00  }
0x91: {  	_ =	swait.ge [sflag:s3], $0x500  }
0x92: {  	[sflag:s3] =	ssyncset.done $0x0  }
0x93: {  	s9 =	sadd.s32 $0xA0, s7;
	[sflag:s3] =	ssyncadd.s32 $0xFFFFFB00  }
0x94: {  	[tilespmem:s23], [sflag:$0x1] =	stream.indirect.gather [hbm4b:s0+s29], $0x80, s9, s29, $0xb8;
	[tilespmem:$0x1A720] =	vst v63  }
0x95: {  	_ =	swait.ge [sflag:s28], $0x2800  }
0x96: {  	[sflag:s28] =	ssyncset.done $0x0  }
0x97: {  	s7 =	sadd.s32 $0x2760, s7;
	[sflag:s28] =	ssyncadd.s32 $0xFFFFD800  }
0x98: {  	[spmem:s2] =	stream.indirect.scatter.add.f32 [tilespmem:s30], [sflag:$0x3], $0x80, s7, s29, $0xb8;
	[tilespmem:$0x1A720] =	vst v63  }
0x99: {  	_ = 	snop  }
0x9a: {  	[spmem:s4] =	stream.indirect.scatter.add.f32 [tilespmem:s31], [sflag:$0x3], $0x10, s7, s29, $0xb8;
	[tilespmem:$0x1A720] =	vst v63  }
0x9b: {  	_ = 	snop  }
0x9c: {  	[spmem:s5] =	stream.indirect.scatter.add.f32 [tilespmem:s31], [sflag:$0x3], $0x10, s17, s29, $0xb8;
	[tilespmem:$0x1A720] =	vst v63  }
0x9d: {  	_ =	swait.ge [sflag:s3], $0x2800  }
0x9e: {  	[sflag:s3] =	ssyncset.done $0x0  }
0x9f: {  	[sflag:s3] =	ssyncadd.s32 $0xFFFFD800  }
.Ltmp3:
0xa0: {  	_ =	swait.ge [sflag:s3], $0x500;
	(pc) =	sbr.rel @p0 .LBB2_8-.Ltmp3, $4  }
0xa1: {  	[sflag:s3] =	ssyncset.done $0x0  }
0xa2: {  	[sflag:s3] =	ssyncadd.s32 $0xFFFFFB00  }
0xa3: {  	_ =	swait.ge [sflag:s3], $0x500  }
0xa4: {  	s9 =	smov.u32 s16;
	s7 =	sshra.s32 s15, $0x2;
	[sflag:s3] =	ssyncset.done $0x0  }
0xa5: {  	s9 =	sadd.s32 $0x50, s7;
	[sflag:s3] =	ssyncadd.s32 $0xFFFFFB00  }
0xa6: {  	[tilespmem:s30], [sflag:$0x2] =	stream.indirect.gather [hbm4b:s0+s29], $0x80, s9, s29, $0xb8;
	[tilespmem:$0x1A720] =	vst v63  }
0xa7: {  	_ =	swait.ge [sflag:s26], $0x2800  }
0xa8: {  	[sflag:s26] =	ssyncset.done $0x0  }
0xa9: {  	s15 =	sadd.s32 $0x2710, s7;
	[sflag:s26] =	ssyncadd.s32 $0xFFFFD800  }
0xaa: {  	[spmem:s2] =	stream.indirect.scatter.add.f32 [tilespmem:s23], [sflag:$0x3], $0x80, s15, s29, $0xb8;
	[tilespmem:$0x1A720] =	vst v63  }
0xab: {  	_ = 	snop  }
0xac: {  	[spmem:s4] =	stream.indirect.scatter.add.f32 [tilespmem:s31], [sflag:$0x3], $0x10, s15, s29, $0xb8;
	[tilespmem:$0x1A720] =	vst v63  }
0xad: {  	_ = 	snop  }
0xae: {  	[spmem:s5] =	stream.indirect.scatter.add.f32 [tilespmem:s31], [sflag:$0x3], $0x10, s7, s29, $0xb8;
	[tilespmem:$0x1A720] =	vst v63  }
0xaf: {  	_ =	swait.ge [sflag:s3], $0x2800  }
0xb0: {  	[sflag:s3] =	ssyncset.done $0x0  }
0xb1: {  	[sflag:s3] =	ssyncadd.s32 $0xFFFFD800  }
0xb2: {  	_ =	swait.ge [sflag:s3], $0x500  }
0xb3: {  	[sflag:s3] =	ssyncset.done $0x0  }
0xb4: {  	[sflag:s3] =	ssyncadd.s32 $0xFFFFFB00  }
0xb5: {  	_ =	swait.ge [sflag:s3], $0x500  }
0xb6: {  	[sflag:s3] =	ssyncset.done $0x0  }
0xb7: {  	s16 =	sadd.s32 $0xA0, s7;
	[sflag:s3] =	ssyncadd.s32 $0xFFFFFB00  }
0xb8: {  	[tilespmem:s23], [sflag:$0x1] =	stream.indirect.gather [hbm4b:s0+s29], $0x80, s16, s29, $0xb8;
	[tilespmem:$0x1A720] =	vst v63  }
0xb9: {  	_ =	swait.ge [sflag:s28], $0x2800  }
0xba: {  	[sflag:s28] =	ssyncset.done $0x0  }
0xbb: {  	s17 =	sadd.s32 $0x2760, s7;
	[sflag:s28] =	ssyncadd.s32 $0xFFFFD800  }
0xbc: {  	[spmem:s2] =	stream.indirect.scatter.add.f32 [tilespmem:s30], [sflag:$0x3], $0x80, s17, s29, $0xb8;
	[tilespmem:$0x1A720] =	vst v63  }
0xbd: {  	_ = 	snop  }
0xbe: {  	[spmem:s4] =	stream.indirect.scatter.add.f32 [tilespmem:s31], [sflag:$0x3], $0x10, s17, s29, $0xb8;
	[tilespmem:$0x1A720] =	vst v63  }
0xbf: {  	_ = 	snop  }
0xc0: {  	[spmem:s5] =	stream.indirect.scatter.add.f32 [tilespmem:s31], [sflag:$0x3], $0x10, s9, s29, $0xb8;
	[tilespmem:$0x1A720] =	vst v63  }
0xc1: {  	_ =	swait.ge [sflag:s3], $0x2800  }
0xc2: {  	[sflag:s3] =	ssyncset.done $0x0  }
0xc3: {  	[sflag:s3] =	ssyncadd.s32 $0xFFFFD800  }
0xc4: {  	_ =	swait.ge [sflag:s3], $0x500  }
0xc5: {  	[sflag:s3] =	ssyncset.done $0x0  }
0xc6: {  	[sflag:s3] =	ssyncadd.s32 $0xFFFFFB00  }
0xc7: {  	_ =	swait.ge [sflag:s3], $0x500  }
0xc8: {  	[sflag:s3] =	ssyncset.done $0x0  }
0xc9: {  	[sflag:s3] =	ssyncadd.s32 $0xFFFFFB00  }
0xca: {  	_ =	swait.ge [sflag:s26], $0x2800  }
0xcb: {  	[sflag:s26] =	ssyncset.done $0x0  }
0xcc: {  	[sflag:s26] =	ssyncadd.s32 $0xFFFFD800  }
0xcd: {  	[spmem:s2] =	stream.indirect.scatter.add.f32 [tilespmem:s23], [sflag:$0x3], $0x80, s1, s29, $0xb8;
	[tilespmem:$0x1A720] =	vst v63  }
0xce: {  	_ = 	snop  }
0xcf: {  	[spmem:s4] =	stream.indirect.scatter.add.f32 [tilespmem:s31], [sflag:$0x3], $0x10, s1, s29, $0xb8;
	[tilespmem:$0x1A720] =	vst v63  }
0xd0: {  	s9 =	simm.s32 $0x26C0  }
0xd1: {  	[spmem:s5] =	stream.indirect.scatter.add.f32 [tilespmem:s31], [sflag:$0x3], $0x10, s9, s29, $0xb8;
	[tilespmem:$0x1A720] =	vst v63  }
0xd2: {  	_ =	swait.ge [sflag:s3], $0x2800  }
0xd3: {  	[sflag:s3] =	ssyncset.done $0x0  }
0xd4: {  	[sflag:s3] =	ssyncadd.s32 $0xFFFFD800  }
0xd5: {  	_ =	swait.ge [sflag:s3], $0x500  }
0xd6: {  	[sflag:s3] =	ssyncset.done $0x0  }
0xd7: {  	[sflag:s3] =	ssyncadd.s32 $0xFFFFFB00  }
0xd8: {  	_ =	swait.ge [sflag:s3], $0x500  }
0xd9: {  	[sflag:s3] =	ssyncset.done $0x0  }
0xda: {  	[sflag:s3] =	ssyncadd.s32 $0xFFFFFB00  }
0xdb: {  	[bflag:$0x0] =	sbarrier.arrive $0xFFFF  }
0xdc: {  	[tilespmem:s23], [sflag:$0x4] =	stream.linear.gather [spmem:s8], $0x2800, $0x38;
	[tilespmem:$0x1A720] =	vst v63  }
0xdd: {  	_ =	swait.ge [sflag:s24], $0x2800  }
0xde: {  	[sflag:s24] =	ssyncset.done $0x0  }
0xdf: {  	s15 =	rddreg [dreg:$0xc];
	[sflag:s24] =	ssyncadd.s32 $0xFFFFD800  }
0xe0: {  	[hbm4b:s15+s6] =	stream.linear.scatter [tilespmem:s23], [sflag:$0x4], $0x2800, $0x38;
	[tilespmem:$0x1A720] =	vst v63  }
0xe1: {  	_ =	swait.ge [sflag:s24], $0x2800  }
0xe2: {  	[sflag:s24] =	ssyncset.done $0x0  }
0xe3: {  	[sflag:s24] =	ssyncadd.s32 $0xFFFFD800  }
0xe4: {  	[tilespmem:s23], [sflag:$0x4] =	stream.linear.gather [spmem:s10], $0x2800, $0x38;
	[tilespmem:$0x1A720] =	vst v63  }
0xe5: {  	_ =	swait.ge [sflag:s24], $0x2800  }
0xe6: {  	[sflag:s24] =	ssyncset.done $0x0  }
0xe7: {  	s16 =	rddreg [dreg:$0xd];
	[sflag:s24] =	ssyncadd.s32 $0xFFFFD800  }
0xe8: {  	[hbm4b:s16+s6] =	stream.linear.scatter [tilespmem:s23], [sflag:$0x4], $0x2800, $0x38;
	[tilespmem:$0x1A720] =	vst v63  }
0xe9: {  	_ =	swait.ge [sflag:s24], $0x2800  }
0xea: {  	[sflag:s24] =	ssyncset.done $0x0  }
0xeb: {  	[sflag:s24] =	ssyncadd.s32 $0xFFFFD800  }
0xec: {  	[tilespmem:s23], [sflag:$0x4] =	stream.linear.gather [spmem:s11], $0x2800, $0x38;
	[tilespmem:$0x1A720] =	vst v63  }
0xed: {  	_ =	swait.ge [sflag:s24], $0x2800  }
0xee: {  	[sflag:s24] =	ssyncset.done $0x0  }
0xef: {  	s17 =	rddreg [dreg:$0xe];
	[sflag:s24] =	ssyncadd.s32 $0xFFFFD800  }
0xf0: {  	[hbm4b:s17+s6] =	stream.linear.scatter [tilespmem:s23], [sflag:$0x4], $0x2800, $0x38;
	[tilespmem:$0x1A720] =	vst v63  }
0xf1: {  	_ =	swait.ge [sflag:s24], $0x2800  }
0xf2: {  	[sflag:s24] =	ssyncset.done $0x0  }
0xf3: {  	[sflag:s24] =	ssyncadd.s32 $0xFFFFD800  }
0xf4: {  	[tilespmem:s23], [sflag:$0x4] =	stream.linear.gather [spmem:s12], $0x2800, $0x38;
	[tilespmem:$0x1A720] =	vst v63  }
0xf5: {  	_ =	swait.ge [sflag:s24], $0x2800  }
0xf6: {  	[sflag:s24] =	ssyncset.done $0x0  }
0xf7: {  	[sflag:s24] =	ssyncadd.s32 $0xFFFFD800  }
0xf8: {  	[hbm4b:s18+s6] =	stream.linear.scatter [tilespmem:s23], [sflag:$0x4], $0x2800, $0x38;
	[tilespmem:$0x1A720] =	vst v63  }
0xf9: {  	_ =	swait.ge [sflag:s24], $0x2800  }
0xfa: {  	[sflag:s24] =	ssyncset.done $0x0  }
0xfb: {  	[sflag:s24] =	ssyncadd.s32 $0xFFFFD800  }
0xfc: {  	[tilespmem:s25], [sflag:$0x4] =	stream.linear.gather [spmem:s13], $0x1400, $0x38;
	[tilespmem:$0x1A720] =	vst v63  }
0xfd: {  	_ =	swait.ge [sflag:s24], $0x1400  }
0xfe: {  	[sflag:s24] =	ssyncset.done $0x0  }
0xff: {  	[sflag:s24] =	ssyncadd.s32 $0xFFFFEC00  }
0x100: {  	[hbm4b:s19+s6] =	stream.linear.scatter [tilespmem:s25], [sflag:$0x4], $0x1400, $0x38;
	[tilespmem:$0x1A720] =	vst v63  }
0x101: {  	_ =	swait.ge [sflag:s24], $0x1400  }
0x102: {  	[sflag:s24] =	ssyncset.done $0x0  }
0x103: {  	[sflag:s24] =	ssyncadd.s32 $0xFFFFEC00  }
0x104: {  	[tilespmem:s25], [sflag:$0x4] =	stream.linear.gather [spmem:s14], $0x2800, $0x38;
	[tilespmem:$0x1A720] =	vst v63  }
0x105: {  	s22 =	sadd.s32 $0x1, s22;
	_ =	swait.ge [sflag:s24], $0x2800  }
0x106: {  	p0 =	sne.s32 s22, s21;
	[sflag:s24] =	ssyncset.done $0x0  }
.Ltmp4:
0x107: {  	[sflag:s24] =	ssyncadd.s32 $0xFFFFD800;
	(pc) =	sbr.rel @p0 .LBB2_1-.Ltmp4, $4  }
0x108: {  	[hbm4b:s20+s6] =	stream.linear.scatter [tilespmem:s25], [sflag:$0x4], $0x2800, $0x38;
	[tilespmem:$0x1A720] =	vst v63  }
0x109: {  	_ =	swait.ge [sflag:s24], $0x2800  }
0x10a: {  	[sflag:s24] =	ssyncset.done $0x0  }
0x10b: {  	[sflag:s24] =	ssyncadd.s32 $0xFFFFD800  }
0x10c: {  	_ =	sfence.sel $0x180000  }
0x10d: {  	[bflag:$0x0] =	sbarrier.arrive $0xFFFF  }
0x10e: {  	_ =	strace $0x90000047  }
0x10f: {  	s0 =	stileid.u32;
	[bflag:$0x2] =	sbarrier.arrive $0xFFFF  }
0x110: {  	p0 =	sne.s32 s0, $0x0;
	s0 =	rddreg [dreg:$0x9]  }
0x111: {  	s0 =	sadd.s32 @!p0 $0x100000, s0  }
0x112: {  	[sflag:s0] =	ssyncadd.tile.s32 @!p0 $0x1;
	_ =	shalt  }
.Lfunc_end2:
_tile_overlayer_lowered:
.L_overlay_start_2:
0x113: {  	(tag) =	ssettag $0x2  }
0x114: {  	s0 =	rddreg [dreg:$0x0];
	s2 =	stileid.u32  }
0x115: {  	s1 =	rddreg [dreg:$0x1];
	p0 =	sne.s32 s2, $0x0  }
0x116: {  	s3 =	rddreg [dreg:$0x2];
	[bflag:$0x3] =	sbarrier.arrive $0xFFFF;
	s2 =	simm.s32 @!p0 $0x1C04  }
0x117: {  	[timem:s3], [sflag:s2] =	dma.local @!p0 [hbm:s0], s1  }
0x118: {  	s0 =	simm.s32 @!p0 $0x4  }
0x119: {  	_ =	swait.ge @!p0 [sflag:s0], s1  }
0x11a: {  	s1 =	ssub.s32 @!p0 $0x0, s1;
	[sflag:s0] =	ssyncset.done @!p0 $0x0  }
0x11b: {  	[sflag:s0] =	ssyncadd.s32 @!p0 s1  }
0x11c: {  	[bflag:$0x3] =	sbarrier.arrive $0xFFFF  }
0x11d: {  	_ =	shalt  }

// kernel: _run.9.cloned.1.call-start
scs
__scs_entry_jumppad:
0x0: {  	(pc) =	sbr.rel $0x88, $3  }
0x1: {  	(tag) =	ssettag $0x0;
	lr =	simm.s32 $0x1  }
0x2: {  	[smem:$0x3F95] =	sst lr;
	_ =	strace $0xD0000000  }
0x3: {  	_ = 	snop  }
0x4: {  	_ = 	snop  }
0x5: {  	_ = 	snop  }
0x6: {  	_ = 	snop  }
0x7: {  	_ = 	snop  }
__scs_overlays_trampoline_lowered:
0x8: {  	[smem:$0x3FA4] =	sst s0  }
0x9: {  	[smem:$0x3FA5] =	sst s1  }
0xa: {  	[smem:$0x3FA6] =	sst s2  }
0xb: {  	[smem:$0x3FA7] =	sst s3  }
0xc: {  	[smem:$0x3FA8] =	sst s4  }
0xd: {  	[smem:$0x3FA9] =	sst s5  }
0xe: {  	[smem:$0x3FAA] =	sst s6  }
0xf: {  	[smem:$0x3FAB] =	sst s7  }
0x10: {  	[smem:$0x3FAC] =	sst s8  }
0x11: {  	[smem:$0x3FAD] =	sst s9;
	s0 =	simm.s32 @!p0 $0x0  }
0x12: {  	s1 =	sld [smem:$0x3F93];
	s0 =	simm.s32 @p0 $0x1  }
0x13: {  	[smem:$0x3FAE] =	sst s0;
	s0 =	simm.s32 @!p1 $0x0  }
0x14: {  	s2 =	sld [smem:$0x3F92];
	s0 =	simm.s32 @p1 $0x1  }
0x15: {  	[smem:$0x3FAF] =	sst s0;
	s0 =	simm.s32 @!p2 $0x0  }
0x16: {  	s3 =	sld [smem:$0x3FDB];
	s0 =	simm.s32 @p2 $0x1  }
0x17: {  	s4 =	simm.s32 $0x1BF5;
	[smem:$0x3FB1] =	sst s0  }
0x18: {  	s0 =	sld [smem:$0x3F94];
	_ =	swait.ge [sflag:s4], $0x0  }
0x19: {  	s7 =	sld [smem:$0x3F95]  }
0x1a: {  	s8 =	sadd.s32 $0xFFFFE003, lr  }
0x1b: {  	s9 =	sadd.s32 $0xFFFFFEF7, lr;
	s5 =	simm.s32 $0xFFFFFFFF;
	p2 =	slt.u32 s8, $0xFFFFF086  }
0x1c: {  	p1 =	slt.u32 s9, $0xF7A;
	s5 =	simm.s32 @!p2 $0x0  }
0x1d: {  	s5 =	simm.s32 @p1 $0x1;
	p0 =	seq.s32 s7, s2  }
0x1e: {  	s7 =	smul.u32 @!p0 $0xF7A, s2;
	p2 =	seq.s32 @!p0 s5, $0x0  }
0x1f: {  	s9 =	smul.u32 $0xF7A, s1;
	s8 =	simm.s32 @!p0 $0x1BF5;
	p2 =	por !p2, p0  }
0x20: {  	[sflag:s8] =	ssyncset.s32 @!p0 $0xFFFFF086;
	s6 =	sadd.s32 @!p0 s3, s7;
	s7 =	simm.s32 @!p0 $0x108  }
0x21: {  	s3 =	sadd.s32 s3, s9;
	s6 =	sadd.s32 @!p0 $0x88, s6;
	s7 =	simm.s32 @p2 $0x1082  }
0x22: {  	[simem:s7], [sflag:s8] =	dma.local @!p0 [hbm:s6], $0xF7A  }
0x23: {  	s9 =	sor.u32 $0xD0000000, s2;
	s6 =	simm.s32 $0x108;
	_ =	swait.ge @!p0 [sflag:s8], $0x0  }
0x24: {  	s3 =	sadd.s32 $0x88, s3;
	s6 =	simm.s32 @!p1 $0x1082;
	[sflag:s4] =	ssyncset.s32 $0xFFFFF086  }
0x25: {  	[simem:s6], [sflag:s4] =	dma.local [hbm:s3], $0xF7A  }
0x26: {  	[smem:$0x3F95] =	sst s1;
	(tag) =	ssettag s2;
	_ =	strace s9  }
0x27: {  	s1 =	sld [smem:$0x3FA5]  }
0x28: {  	s2 =	sld [smem:$0x3FA6]  }
0x29: {  	s4 =	sld [smem:$0x3FA8]  }
0x2a: {  	p0 =	seq.s32 s5, $0x0;
	s5 =	sld [smem:$0x3FA9]  }
0x2b: {  	s6 =	sld [smem:$0x3FAA]  }
0x2c: {  	s7 =	sld [smem:$0x3FAB]  }
0x2d: {  	s3 =	simm.s32 $0x108;
	s8 =	sld [smem:$0x3FAC]  }
0x2e: {  	s3 =	simm.s32 @!p0 $0x1082;
	s9 =	sld [smem:$0x3FAD]  }
0x2f: {  	lr =	sadd.s32 s0, s3;
	s0 =	sld [smem:$0x3FA4]  }
0x30: {  	s3 =	sld [smem:$0x3FA7]  }
0x31: {  	[smem:$0x3FB0] =	sst s10  }
0x32: {  	s10 =	sld [smem:$0x3FAE];
	_ =	sdelay $0x3  }
0x33: {  	p0 =	seq.s32 s10, $0x1;
	s10 =	sld [smem:$0x3FB0];
	_ =	sdelay $0x3  }
0x34: {  	[smem:$0x3FB0] =	sst s10  }
0x35: {  	s10 =	sld [smem:$0x3FAF];
	_ =	sdelay $0x3  }
0x36: {  	p1 =	seq.s32 s10, $0x1;
	s10 =	sld [smem:$0x3FB0];
	_ =	sdelay $0x3  }
0x37: {  	[smem:$0x3FB0] =	sst s10  }
0x38: {  	s10 =	sld [smem:$0x3FB1]  }
0x39: {  	_ = 	snop;
	(pc) =	sbr.ind lr, $3  }
0x3a: {  	_ = 	snop  }
0x3b: {  	_ = 	snop  }
0x3c: {  	p2 =	seq.s32 s10, $0x1;
	s10 =	sld [smem:$0x3FB0]  }
0x3d: {  	_ =	shalt  }
0x3e: {  	_ =	shalt  }
0x3f: {  	_ =	shalt  }
0x40: {  	_ =	shalt  }
0x41: {  	_ =	shalt  }
0x42: {  	_ =	shalt  }
0x43: {  	_ =	shalt  }
0x44: {  	_ =	shalt  }
0x45: {  	_ =	shalt  }
0x46: {  	_ =	shalt  }
0x47: {  	_ =	shalt  }
0x48: {  	_ =	shalt  }
0x49: {  	_ =	shalt  }
0x4a: {  	_ =	shalt  }
0x4b: {  	_ =	shalt  }
0x4c: {  	_ =	shalt  }
0x4d: {  	_ =	shalt  }
0x4e: {  	_ =	shalt  }
0x4f: {  	_ =	shalt  }
0x50: {  	_ =	shalt  }
0x51: {  	_ =	shalt  }
0x52: {  	_ =	shalt  }
0x53: {  	_ =	shalt  }
0x54: {  	_ =	shalt  }
0x55: {  	_ =	shalt  }
0x56: {  	_ =	shalt  }
0x57: {  	_ =	shalt  }
0x58: {  	_ =	shalt  }
0x59: {  	_ =	shalt  }
0x5a: {  	_ =	shalt  }
0x5b: {  	_ =	shalt  }
0x5c: {  	_ =	shalt  }
0x5d: {  	_ =	shalt  }
0x5e: {  	_ =	shalt  }
0x5f: {  	_ =	shalt  }
0x60: {  	_ =	shalt  }
0x61: {  	_ =	shalt  }
0x62: {  	_ =	shalt  }
0x63: {  	_ =	shalt  }
0x64: {  	_ =	shalt  }
0x65: {  	_ =	shalt  }
0x66: {  	_ =	shalt  }
0x67: {  	_ =	shalt  }
0x68: {  	_ =	shalt  }
0x69: {  	_ =	shalt  }
0x6a: {  	_ =	shalt  }
0x6b: {  	_ =	shalt  }
0x6c: {  	_ =	shalt  }
0x6d: {  	_ =	shalt  }
0x6e: {  	_ =	shalt  }
0x6f: {  	_ =	shalt  }
0x70: {  	_ =	shalt  }
0x71: {  	_ =	shalt  }
0x72: {  	_ =	shalt  }
0x73: {  	_ =	shalt  }
0x74: {  	_ =	shalt  }
0x75: {  	_ =	shalt  }
0x76: {  	_ =	shalt  }
0x77: {  	_ =	shalt  }
0x78: {  	_ =	shalt  }
0x79: {  	_ =	shalt  }
0x7a: {  	_ =	shalt  }
0x7b: {  	_ =	shalt  }
0x7c: {  	_ =	shalt  }
0x7d: {  	_ =	shalt  }
0x7e: {  	_ =	shalt  }
0x7f: {  	_ =	shalt  }
0x80: {  	_ =	shalt  }
0x81: {  	_ =	shalt  }
0x82: {  	_ =	shalt  }
0x83: {  	_ =	shalt  }
0x84: {  	_ =	shalt  }
0x85: {  	_ =	shalt  }
0x86: {  	_ =	shalt  }
0x87: {  	_ =	shalt  }
.Lfunc_end0:
.L_simem_size_0:
called_computation.1_lowered:
.L_overlay_start_0:
0x88: {  	s2 =	sld [smem:$0x3FD9]  }
0x89: {  	s3 =	sld [smem:$0x3FFE];
	_ =	sdelay $0x1  }
0x8a: {  	s1 =	srdreg.scid  }
0x8b: {  	s0 =	sand.u32 $0x1, s1  }
0x8c: {  	s14 =	sshll.u32 s0, $0xA;
	s2 =	sadd.s32 s3, s2  }
0x8d: {  	s2 =	sadd.s32 s2, s14  }
0x8e: {  	[smem:$0x3FBC] =	sst s2  }
0x8f: {  	_ = 	snop  }
0x90: {  	s2 =	sld [smem:$0x3FD0];
	_ =	sdelay $0x1  }
0x91: {  	s15 =	sld [smem:$0x3FC7]  }
0x92: {  	s5 =	simm.s32 $0xA;
	s6 =	simm.s32 $0x10;
	s4 =	sld [smem:$0x3FC6]  }
0x93: {  	[smem:s6], [sflag:s5] =	dma.local [hbm:s2], $0x1  }
0x94: {  	_ =	swait.eq [sflag:s5], $0x1  }
0x95: {  	[sflag:s5] =	ssyncset.done $0x0  }
0x96: {  	[sflag:s5] =	ssyncadd.s32 $0xFFFFFFFF  }
0x97: {  	s16 =	sld [smem:$0x11];
	(tm) =	ssettm $0x1  }
0x98: {  	s17 =	sld [smem:$0x3FFB];
	_ =	sdelay $0x3  }
0x99: {  	_ =	strace s17  }
0x9a: {  	s5 =	sld [smem:$0x3FFC];
	_ =	sdelay $0x3  }
0x9b: {  	_ =	strace s5  }
0x9c: {  	s5 =	sld [smem:$0x3FFD];
	_ =	sdelay $0x3  }
0x9d: {  	_ =	strace s5  }
0x9e: {  	_ =	strace $0x8FFFFFFF  }
0x9f: {  	s18 =	sld [smem:$0x3FDB];
	_ =	sdelay $0x1  }
0xa0: {  	s19 =	simm.s32 $_scs_section_size  }
0xa1: {  	s7 =	simm.s32 $_size__tile_overlayer_lowered;
	s8 =	simm.s32 $_tile_overlayer_lowered  }
0xa2: {  	s22 =	simm.s32 $0x1BFF;
	s21 =	sshll.u32 s8, $0x1;
	s5 =	sadd.s32 s19, s18  }
0xa3: {  	s9 =	simm.s32 $0x0;
	s20 =	sshll.u32 s7, $0x1;
	s7 =	sadd.s32 s21, s5  }
0xa4: {  	[timem:s9], [sflag:s22] =	dma.local [hbm:s7], s20  }
0xa5: {  	_ =	swait.ge [sflag:s22], s20  }
0xa6: {  	s6 =	ssub.s32 $0x0, s20;
	[sflag:s22] =	ssyncset.done $0x0  }
0xa7: {  	[sflag:s22] =	ssyncadd.s32 s6;
	_ =	sdelay $0x1  }
0xa8: {  	s23 =	simm.s32 $0x1B8B  }
0xa9: {  	_ =	swait.ge [sflag:s23], $0x1  }
0xaa: {  	[sflag:s23] =	ssyncset.done $0x0  }
0xab: {  	s25 =	simm.s32 $0x1B8E;
	s24 =	sld [smem:$0x3FFE];
	[sflag:s23] =	ssyncadd.s32 $0xFFFFFFFF  }
0xac: {  	s26 =	simm.s32 $execute0_lowered;
	[smem:$0x3FD2] =	sst s25  }
0xad: {  	s7 =	sshll.u32 s26, $0x1;
	_ =	strace $0x80000049;
	[dreg:$0x1] =	wrdreg $0xFFFFFFFF  }
0xae: {  	s28 =	simm.s32 $_size_execute0_lowered;
	s5 =	sadd.s32 s5, s7;
	[dreg:$0x0] =	wrdreg $0x0  }
0xaf: {  	s7 =	sshll.u32 s28, $0x1;
	[dreg:$0x2] =	wrdreg s5  }
0xb0: {  	[dreg:$0x3] =	wrdreg s7  }
0xb1: {  	[dreg:$0x4] =	wrdreg $0xC0  }
0xb2: {  	_ =	task [dreg:s9], $0x5FFFF  }
0xb3: {  	[dreg:$0x1] =	wrdreg $0xFFFFFFFF  }
0xb4: {  	[dreg:$0x0] =	wrdreg $0x60  }
0xb5: {  	[dreg:$0x2] =	wrdreg s16  }
0xb6: {  	[dreg:$0x3] =	wrdreg s15  }
0xb7: {  	[dreg:$0x4] =	wrdreg s4  }
0xb8: {  	[dreg:$0x5] =	wrdreg s24  }
0xb9: {  	[dreg:$0x6] =	wrdreg $0x9E200  }
0xba: {  	[dreg:$0x7] =	wrdreg $0x9  }
0xbb: {  	_ =	task.clear_ibuf [dreg:s9], $0x8FFFF;
	_ =	strace $0x90000049  }
0xbc: {  	s29 =	simm.s32 $0x9;
	_ =	strace $0x8000004B  }
0xbd: {  	_ =	swait.ge [sflag:s29], $0x1  }
0xbe: {  	[sflag:s29] =	ssyncadd.s32 $0xFFFFFFFF  }
0xbf: {  	_ =	strace $0x9000004B  }
0xc0: {  	_ =	sfence  }
0xc1: {  	s30 =	sld [smem:$0x0];
	_ =	sdelay $0x2  }
0xc2: {  	s31 =	sshll.u32 s1, $0xD;
	s1 =	sshrl.u32 s1, $0x2  }
0xc3: {  	s3 =	sand.u32 $0x4000, s31;
	s1 =	sadd.s32 s1, s30  }
0xc4: {  	s0 =	sor.u32 s3, s0;
	s1 =	sshll.u32 s1, $0x11  }
0xc5: {  	s0 =	sor.u32 s1, s0  }
0xc6: {  	s0 =	sadd.s32 $0x8F2B, s0  }
0xc7: {  	[sflag:s0] =	ssyncadd.remote.s32 $0x1  }
0xc8: {  	_ =	sfence.sel $0xFFFF  }
0xc9: {  	[dreg:$0x0] =	wrdreg $0xFFFFFFFF;
	(pc) =	sbr.abs _section_cstart, $3  }
0xca: {  	[dreg:$0x1] =	wrdreg $0xFFFFFFFF  }
0xcb: {  	_ =	task.clear_ibuf [dreg:s9], $0x2FFFF;
	_ =	strace $0x9FFFFFFF  }
0xcc: {  	(tm) =	ssettm $0x7FFFFFFF  }
0xcd: {  	_ =	shalt  }
tec
execute0_lowered:
.L_overlay_start_1:
0x0: {  	(tag) =	ssettag $0x1  }
0x1: {  	s1 =	rddreg [dreg:$0x0]  }
0x2: {  	s0 =	rddreg [dreg:$0x1]  }
0x3: {  	s2 =	rddreg [dreg:$0x2]  }
0x4: {  	s5 =	rddreg [dreg:$0x3]  }
0x5: {  	s3 =	rddreg [dreg:$0x4]  }
0x6: {  	s6 =	srdreg.scid;
	s9 =	stileid.u32  }
0x7: {  	s4 =	simm.s32 $0x0;
	s28 =	simm.s32 $0x1;
	s29 =	simm.s32 $0x2  }
0x8: {  	s30 =	simm.s32 $0x50;
	s6 =	sand.u32 $0x1, s6;
	s7 =	smul.u32 $0x280, s9  }
0x9: {  	[smem:$0x7FF] =	sst s4;
	s22 =	sshll.u32 s9, $0x1;
	s9 =	smul.u32 $0x50000, s9  }
0xa: {  	s8 =	smul.u32 $0x2800, s6;
	s10 =	ssub.s32 $0x2, s6;
	s6 =	sor.u32 s6, s22  }
0xb: {  	s31 =	simm.s32 $0x7620;
	_ =	strace $0x8000004A;
	s6 =	smul.u32 $0x4E2, s6  }
0xc: {  	s23 =	sshrl.u32 s10, $0x1;
	s9 =	sshrl.u32 s9, $0x2;
	s7 =	sadd.s32 s7, s8  }
0xd: {  	s23 =	ssub.s32 s10, s23;
	s7 =	sshll.u32 s7, $0x4;
	s0 =	sadd.s32 s0, s6  }
0xe: {  	s24 =	sadd.s32 s2, s6;
	s23 =	smax.u32 s23, $0x1;
	s2 =	simm.s32 $0x0  }
0xf: {  	s22 =	sadd.s32 s7, s5;
	s5 =	sadd.s32 s9, s3;
	[dreg:$0x6] =	wrdreg s0  }
0x10: {  	[dreg:$0x7] =	wrdreg s24;
	s24 =	simm.s32 $0x2710;
	s8 =	sadd.s32 $0x2800, s5  }
0x11: {  	s9 =	sadd.s32 $0x5000, s5;
	s10 =	sadd.s32 $0x7800, s5;
	s11 =	sadd.s32 $0xA000, s5  }
0x12: {  	s12 =	sadd.s32 $0xC800, s5;
	s13 =	sadd.s32 $0xF000, s5;
	s14 =	sadd.s32 $0x11800, s5  }
0x13: {  	s25 =	sadd.s32 $0x2C00, s22;
	s26 =	sadd.s32 $0x3100, s22;
	s17 =	sadd.s32 $0x3600, s22  }
0x14: {  	s18 =	sadd.s32 $0x3B00, s22;
	s19 =	sadd.s32 $0x4000, s22;
	s20 =	sadd.s32 $0x4500, s22  }
0x15: {  	s21 =	sadd.s32 $0x4A00, s22;
	s22 =	sadd.s32 $0x4F00, s22;
	[dreg:$0x8] =	wrdreg s25  }
0x16: {  	v0 =	vimm.f32 $0.0e+00;
	[dreg:$0x9] =	wrdreg s26;
	s25 =	simm.s32 $0x4E20;
	s26 =	simm.s32 $0x3  }
.LBB2_1:
0x17: {  	s0 =	rddreg [dreg:$0x6]  }
0x18: {  	[tilespmem:s4], [sflag:$0x1] =	stream.linear.gather [hbm4b:s0+s4], $0x2710, $0x38;
	[tilespmem:$0x1DE20] =	vst v63  }
0x19: {  	s16 =	rddreg [dreg:$0x7];
	s6 =	simm.s32 $0x200;
	s0 =	simm.s32 $0x0  }
0x1a: {  	[tilespmem:s24], [sflag:$0x2] =	stream.linear.gather [hbm4b:s16+s4], $0x2710, $0x38;
	[tilespmem:$0x1DE20] =	vst v63  }
.LBB2_2:
0x1b: {  	p0 =	sne.s32 s6, $0x9E00;
	[tilespmem:s0+$0x4E90] =	vst v0  }
0x1c: {  	[tilespmem:s0+$0x4E20] =	vst v0  }
0x1d: {  	[tilespmem:s0+$0x4E30] =	vst v0  }
.Ltmp0:
0x1e: {  	[tilespmem:s0+$0x4E40] =	vst v0;
	(pc) =	sbr.rel @p0 .LBB2_2-.Ltmp0, $4  }
0x1f: {  	[tilespmem:s0+$0x4E50] =	vst v0  }
0x20: {  	[tilespmem:s0+$0x4E60] =	vst v0  }
0x21: {  	[tilespmem:s0+$0x4E70] =	vst v0  }
0x22: {  	[tilespmem:s0+$0x4E80] =	vst v0;
	s0 =	sshra.s32 s6, $0x2;
	s6 =	sadd.s32 $0x200, s6  }
0x23: {  	[tilespmem:s0+$0x4E90] =	vst v0  }
0x24: {  	[tilespmem:s0+$0x4E20] =	vst v0  }
0x25: {  	[tilespmem:s0+$0x4E30] =	vst v0  }
0x26: {  	[tilespmem:s0+$0x4E40] =	vst v0  }
0x27: {  	[tilespmem:s0+$0x4E50] =	vst v0  }
0x28: {  	[tilespmem:s0+$0x4E60] =	vst v0  }
0x29: {  	[tilespmem:s0+$0x4E70] =	vst v0  }
0x2a: {  	[tilespmem:s0+$0x4E80] =	vst v0  }
0x2b: {  	[spmem:s5] =	stream.linear.scatter [tilespmem:s25], [sflag:$0x3], $0x2800, $0x38;
	[tilespmem:$0x1DE20] =	vst v63  }
0x2c: {  	_ =	swait.ge [sflag:s26], $0x2800  }
0x2d: {  	[sflag:s26] =	ssyncset.done $0x0  }
0x2e: {  	[sflag:s26] =	ssyncadd.s32 $0xFFFFD800  }
0x2f: {  	[spmem:s8] =	stream.linear.scatter [tilespmem:s25], [sflag:$0x3], $0x2800, $0x38;
	[tilespmem:$0x1DE20] =	vst v63  }
0x30: {  	_ =	swait.ge [sflag:s26], $0x2800  }
0x31: {  	[sflag:s26] =	ssyncset.done $0x0  }
0x32: {  	[sflag:s26] =	ssyncadd.s32 $0xFFFFD800  }
0x33: {  	[spmem:s9] =	stream.linear.scatter [tilespmem:s25], [sflag:$0x3], $0x2800, $0x38;
	[tilespmem:$0x1DE20] =	vst v63  }
0x34: {  	_ =	swait.ge [sflag:s26], $0x2800  }
0x35: {  	[sflag:s26] =	ssyncset.done $0x0  }
0x36: {  	[sflag:s26] =	ssyncadd.s32 $0xFFFFD800  }
0x37: {  	[spmem:s10] =	stream.linear.scatter [tilespmem:s25], [sflag:$0x3], $0x2800, $0x38;
	[tilespmem:$0x1DE20] =	vst v63  }
0x38: {  	_ =	swait.ge [sflag:s26], $0x2800  }
0x39: {  	[sflag:s26] =	ssyncset.done $0x0  }
0x3a: {  	[sflag:s26] =	ssyncadd.s32 $0xFFFFD800  }
0x3b: {  	[spmem:s11] =	stream.linear.scatter [tilespmem:s25], [sflag:$0x3], $0x2800, $0x38;
	[tilespmem:$0x1DE20] =	vst v63  }
0x3c: {  	_ =	swait.ge [sflag:s26], $0x2800  }
0x3d: {  	[sflag:s26] =	ssyncset.done $0x0  }
0x3e: {  	[sflag:s26] =	ssyncadd.s32 $0xFFFFD800  }
0x3f: {  	[spmem:s12] =	stream.linear.scatter [tilespmem:s25], [sflag:$0x3], $0x2800, $0x38;
	[tilespmem:$0x1DE20] =	vst v63  }
0x40: {  	_ =	swait.ge [sflag:s26], $0x2800  }
0x41: {  	[sflag:s26] =	ssyncset.done $0x0  }
0x42: {  	[sflag:s26] =	ssyncadd.s32 $0xFFFFD800  }
0x43: {  	[spmem:s13] =	stream.linear.scatter [tilespmem:s25], [sflag:$0x3], $0x2800, $0x38;
	[tilespmem:$0x1DE20] =	vst v63  }
0x44: {  	_ =	swait.ge [sflag:s26], $0x2800  }
0x45: {  	[sflag:s26] =	ssyncset.done $0x0  }
0x46: {  	[sflag:s26] =	ssyncadd.s32 $0xFFFFD800  }
0x47: {  	[spmem:s14] =	stream.linear.scatter [tilespmem:s25], [sflag:$0x3], $0x2800, $0x38;
	[tilespmem:$0x1DE20] =	vst v63  }
0x48: {  	_ =	swait.ge [sflag:s26], $0x2800  }
0x49: {  	[sflag:s26] =	ssyncset.done $0x0  }
0x4a: {  	[sflag:s26] =	ssyncadd.s32 $0xFFFFD800  }
0x4b: {  	_ =	swait.ge [sflag:s28], $0x2710  }
0x4c: {  	[sflag:s28] =	ssyncset.done $0x0  }
0x4d: {  	[sflag:s28] =	ssyncadd.s32 $0xFFFFD8F0  }
0x4e: {  	_ =	swait.ge [sflag:s29], $0x2710  }
0x4f: {  	[sflag:s29] =	ssyncset.done $0x0  }
0x50: {  	[sflag:s29] =	ssyncadd.s32 $0xFFFFD8F0  }
0x51: {  	[bflag:$0x0] =	sbarrier.arrive $0xFFFF  }
0x52: {  	[tilespmem:s25], [sflag:$0x1] =	stream.indirect.gather [hbm4b:s1+s30], $0x80, s24, s30, $0xb8;
	[tilespmem:$0x1DE20] =	vst v63  }
0x53: {  	s6 =	simm.s32 $0x2760  }
0x54: {  	[tilespmem:s31], [sflag:$0x2] =	stream.indirect.gather [hbm4b:s1+s30], $0x80, s6, s30, $0xb8;
	[tilespmem:$0x1DE20] =	vst v63  }
0x55: {  	_ =	swait.ge [sflag:s28], $0x2800  }
0x56: {  	[sflag:s28] =	ssyncset.done $0x0  }
0x57: {  	s7 =	simm.s32 $0x0;
	[sflag:s28] =	ssyncadd.s32 $0xFFFFD800  }
0x58: {  	[spmem:s3] =	stream.indirect.scatter.add.f32 [tilespmem:s25], [sflag:$0x3], $0x80, s7, s30, $0xb8;
	[tilespmem:$0x1DE20] =	vst v63  }
0x59: {  	_ =	swait.ge [sflag:s26], $0x2800  }
0x5a: {  	[sflag:s26] =	ssyncset.done $0x0  }
0x5b: {  	s15 =	simm.s32 $0x27B0;
	[sflag:s26] =	ssyncadd.s32 $0xFFFFD800  }
0x5c: {  	[tilespmem:s25], [sflag:$0x1] =	stream.indirect.gather [hbm4b:s1+s30], $0x80, s15, s30, $0xb8;
	[tilespmem:$0x1DE20] =	vst v63  }
0x5d: {  	_ =	swait.ge [sflag:s29], $0x2800  }
0x5e: {  	[sflag:s29] =	ssyncset.done $0x0  }
0x5f: {  	s16 =	simm.s32 $0x50;
	[sflag:s29] =	ssyncadd.s32 $0xFFFFD800  }
0x60: {  	[spmem:s3] =	stream.indirect.scatter.add.f32 [tilespmem:s31], [sflag:$0x3], $0x80, s16, s30, $0xb8;
	[tilespmem:$0x1DE20] =	vst v63  }
0x61: {  	_ =	swait.ge [sflag:s26], $0x2800  }
0x62: {  	s0 =	simm.s32 $0xA0;
	s6 =	simm.s32 $0x500;
	[sflag:s26] =	ssyncset.done $0x0  }
.LBB2_4:
0x63: {  	s7 =	sadd.s32 $0x2760, s0  }
0x64: {  	[sflag:s26] =	ssyncadd.s32 $0xFFFFD800;
	s15 =	smov.u32 s6;
	s16 =	sadd.s32 $0x280, s6  }
0x65: {  	[tilespmem:s31], [sflag:$0x2] =	stream.indirect.gather [hbm4b:s1+s30], $0x80, s7, s30, $0xb8;
	[tilespmem:$0x1DE20] =	vst v63  }
0x66: {  	p0 =	sne.s32 s6, $0x9880;
	_ =	swait.ge [sflag:s28], $0x2800  }
0x67: {  	[sflag:s28] =	ssyncset.done $0x0  }
0x68: {  	[sflag:s28] =	ssyncadd.s32 $0xFFFFD800  }
0x69: {  	[spmem:s3] =	stream.indirect.scatter.add.f32 [tilespmem:s25], [sflag:$0x3], $0x80, s0, s30, $0xb8;
	[tilespmem:$0x1DE20] =	vst v63  }
0x6a: {  	_ =	swait.ge [sflag:s26], $0x2800  }
0x6b: {  	[sflag:s26] =	ssyncset.done $0x0  }
0x6c: {  	s6 =	sadd.s32 $0x27B0, s0;
	[sflag:s26] =	ssyncadd.s32 $0xFFFFD800  }
0x6d: {  	[tilespmem:s25], [sflag:$0x1] =	stream.indirect.gather [hbm4b:s1+s30], $0x80, s6, s30, $0xb8;
	[tilespmem:$0x1DE20] =	vst v63  }
0x6e: {  	_ =	swait.ge [sflag:s29], $0x2800  }
.Ltmp1:
0x6f: {  	[sflag:s29] =	ssyncset.done $0x0;
	(pc) =	sbr.rel @p0 .LBB2_4-.Ltmp1, $4  }
0x70: {  	s0 =	sadd.s32 $0x50, s0;
	[sflag:s29] =	ssyncadd.s32 $0xFFFFD800  }
0x71: {  	[spmem:s3] =	stream.indirect.scatter.add.f32 [tilespmem:s31], [sflag:$0x3], $0x80, s0, s30, $0xb8;
	[tilespmem:$0x1DE20] =	vst v63  }
0x72: {  	_ =	swait.ge [sflag:s26], $0x2800  }
0x73: {  	s6 =	smov.u32 s16;
	s0 =	sshra.s32 s15, $0x2;
	[sflag:s26] =	ssyncset.done $0x0  }
0x74: {  	s6 =	sadd.s32 $0x2760, s0;
	[sflag:s26] =	ssyncadd.s32 $0xFFFFD800  }
0x75: {  	[tilespmem:s31], [sflag:$0x2] =	stream.indirect.gather [hbm4b:s1+s30], $0x80, s6, s30, $0xb8;
	[tilespmem:$0x1DE20] =	vst v63  }
0x76: {  	_ =	swait.ge [sflag:s28], $0x2800  }
0x77: {  	[sflag:s28] =	ssyncset.done $0x0  }
0x78: {  	[sflag:s28] =	ssyncadd.s32 $0xFFFFD800  }
0x79: {  	[spmem:s3] =	stream.indirect.scatter.add.f32 [tilespmem:s25], [sflag:$0x3], $0x80, s0, s30, $0xb8;
	[tilespmem:$0x1DE20] =	vst v63  }
0x7a: {  	_ =	swait.ge [sflag:s26], $0x2800  }
0x7b: {  	[sflag:s26] =	ssyncset.done $0x0  }
0x7c: {  	s16 =	sadd.s32 $0x27B0, s0;
	[sflag:s26] =	ssyncadd.s32 $0xFFFFD800  }
0x7d: {  	[tilespmem:s25], [sflag:$0x1] =	stream.indirect.gather [hbm4b:s1+s30], $0x80, s16, s30, $0xb8;
	[tilespmem:$0x1DE20] =	vst v63  }
0x7e: {  	_ =	swait.ge [sflag:s29], $0x2800  }
0x7f: {  	[sflag:s29] =	ssyncset.done $0x0  }
0x80: {  	s6 =	sadd.s32 $0x50, s0;
	[sflag:s29] =	ssyncadd.s32 $0xFFFFD800  }
0x81: {  	[spmem:s3] =	stream.indirect.scatter.add.f32 [tilespmem:s31], [sflag:$0x3], $0x80, s6, s30, $0xb8;
	[tilespmem:$0x1DE20] =	vst v63  }
0x82: {  	_ =	swait.ge [sflag:s26], $0x2800  }
0x83: {  	[sflag:s26] =	ssyncset.done $0x0  }
0x84: {  	[sflag:s26] =	ssyncadd.s32 $0xFFFFD800  }
0x85: {  	_ =	swait.ge [sflag:s28], $0x2800  }
0x86: {  	[sflag:s28] =	ssyncset.done $0x0  }
0x87: {  	s7 =	simm.s32 $0x26C0;
	[sflag:s28] =	ssyncadd.s32 $0xFFFFD800  }
0x88: {  	[spmem:s3] =	stream.indirect.scatter.add.f32 [tilespmem:s25], [sflag:$0x3], $0x80, s7, s30, $0xb8;
	[tilespmem:$0x1DE20] =	vst v63  }
0x89: {  	_ =	swait.ge [sflag:s26], $0x2800  }
0x8a: {  	[sflag:s26] =	ssyncset.done $0x0  }
0x8b: {  	[sflag:s26] =	ssyncadd.s32 $0xFFFFD800  }
0x8c: {  	[bflag:$0x0] =	sbarrier.arrive $0xFFFF  }
0x8d: {  	[tilespmem:s25], [sflag:$0x3] =	stream.linear.gather [spmem:s5], $0x2800, $0x38;
	[tilespmem:$0x1DE20] =	vst v63  }
0x8e: {  	_ =	swait.ge [sflag:s26], $0x2800  }
0x8f: {  	[sflag:s26] =	ssyncset.done $0x0  }
0x90: {  	s15 =	rddreg [dreg:$0x8];
	[sflag:s26] =	ssyncadd.s32 $0xFFFFD800  }
0x91: {  	[hbm4b:s15+s4] =	stream.linear.scatter [tilespmem:s25], [sflag:$0x3], $0x2800, $0x38;
	[tilespmem:$0x1DE20] =	vst v63  }
0x92: {  	_ =	swait.ge [sflag:s26], $0x2800  }
0x93: {  	[sflag:s26] =	ssyncset.done $0x0  }
0x94: {  	[sflag:s26] =	ssyncadd.s32 $0xFFFFD800  }
0x95: {  	[tilespmem:s25], [sflag:$0x3] =	stream.linear.gather [spmem:s8], $0x2800, $0x38;
	[tilespmem:$0x1DE20] =	vst v63  }
0x96: {  	_ =	swait.ge [sflag:s26], $0x2800  }
0x97: {  	[sflag:s26] =	ssyncset.done $0x0  }
0x98: {  	s16 =	rddreg [dreg:$0x9];
	[sflag:s26] =	ssyncadd.s32 $0xFFFFD800  }
0x99: {  	[hbm4b:s16+s4] =	stream.linear.scatter [tilespmem:s25], [sflag:$0x3], $0x2800, $0x38;
	[tilespmem:$0x1DE20] =	vst v63  }
0x9a: {  	_ =	swait.ge [sflag:s26], $0x2800  }
0x9b: {  	[sflag:s26] =	ssyncset.done $0x0  }
0x9c: {  	[sflag:s26] =	ssyncadd.s32 $0xFFFFD800  }
0x9d: {  	[tilespmem:s25], [sflag:$0x3] =	stream.linear.gather [spmem:s9], $0x2800, $0x38;
	[tilespmem:$0x1DE20] =	vst v63  }
0x9e: {  	_ =	swait.ge [sflag:s26], $0x2800  }
0x9f: {  	[sflag:s26] =	ssyncset.done $0x0  }
0xa0: {  	[sflag:s26] =	ssyncadd.s32 $0xFFFFD800  }
0xa1: {  	[hbm4b:s17+s4] =	stream.linear.scatter [tilespmem:s25], [sflag:$0x3], $0x2800, $0x38;
	[tilespmem:$0x1DE20] =	vst v63  }
0xa2: {  	_ =	swait.ge [sflag:s26], $0x2800  }
0xa3: {  	[sflag:s26] =	ssyncset.done $0x0  }
0xa4: {  	[sflag:s26] =	ssyncadd.s32 $0xFFFFD800  }
0xa5: {  	[tilespmem:s25], [sflag:$0x3] =	stream.linear.gather [spmem:s10], $0x2800, $0x38;
	[tilespmem:$0x1DE20] =	vst v63  }
0xa6: {  	_ =	swait.ge [sflag:s26], $0x2800  }
0xa7: {  	[sflag:s26] =	ssyncset.done $0x0  }
0xa8: {  	[sflag:s26] =	ssyncadd.s32 $0xFFFFD800  }
0xa9: {  	[hbm4b:s18+s4] =	stream.linear.scatter [tilespmem:s25], [sflag:$0x3], $0x2800, $0x38;
	[tilespmem:$0x1DE20] =	vst v63  }
0xaa: {  	_ =	swait.ge [sflag:s26], $0x2800  }
0xab: {  	[sflag:s26] =	ssyncset.done $0x0  }
0xac: {  	[sflag:s26] =	ssyncadd.s32 $0xFFFFD800  }
0xad: {  	[tilespmem:s25], [sflag:$0x3] =	stream.linear.gather [spmem:s11], $0x2800, $0x38;
	[tilespmem:$0x1DE20] =	vst v63  }
0xae: {  	_ =	swait.ge [sflag:s26], $0x2800  }
0xaf: {  	[sflag:s26] =	ssyncset.done $0x0  }
0xb0: {  	[sflag:s26] =	ssyncadd.s32 $0xFFFFD800  }
0xb1: {  	[hbm4b:s19+s4] =	stream.linear.scatter [tilespmem:s25], [sflag:$0x3], $0x2800, $0x38;
	[tilespmem:$0x1DE20] =	vst v63  }
0xb2: {  	_ =	swait.ge [sflag:s26], $0x2800  }
0xb3: {  	[sflag:s26] =	ssyncset.done $0x0  }
0xb4: {  	[sflag:s26] =	ssyncadd.s32 $0xFFFFD800  }
0xb5: {  	[tilespmem:s25], [sflag:$0x3] =	stream.linear.gather [spmem:s12], $0x2800, $0x38;
	[tilespmem:$0x1DE20] =	vst v63  }
0xb6: {  	_ =	swait.ge [sflag:s26], $0x2800  }
0xb7: {  	[sflag:s26] =	ssyncset.done $0x0  }
0xb8: {  	[sflag:s26] =	ssyncadd.s32 $0xFFFFD800  }
0xb9: {  	[hbm4b:s20+s4] =	stream.linear.scatter [tilespmem:s25], [sflag:$0x3], $0x2800, $0x38;
	[tilespmem:$0x1DE20] =	vst v63  }
0xba: {  	_ =	swait.ge [sflag:s26], $0x2800  }
0xbb: {  	[sflag:s26] =	ssyncset.done $0x0  }
0xbc: {  	[sflag:s26] =	ssyncadd.s32 $0xFFFFD800  }
0xbd: {  	[tilespmem:s25], [sflag:$0x3] =	stream.linear.gather [spmem:s13], $0x2800, $0x38;
	[tilespmem:$0x1DE20] =	vst v63  }
0xbe: {  	_ =	swait.ge [sflag:s26], $0x2800  }
0xbf: {  	[sflag:s26] =	ssyncset.done $0x0  }
0xc0: {  	[sflag:s26] =	ssyncadd.s32 $0xFFFFD800  }
0xc1: {  	[hbm4b:s21+s4] =	stream.linear.scatter [tilespmem:s25], [sflag:$0x3], $0x2800, $0x38;
	[tilespmem:$0x1DE20] =	vst v63  }
0xc2: {  	_ =	swait.ge [sflag:s26], $0x2800  }
0xc3: {  	[sflag:s26] =	ssyncset.done $0x0  }
0xc4: {  	[sflag:s26] =	ssyncadd.s32 $0xFFFFD800  }
0xc5: {  	[tilespmem:s25], [sflag:$0x3] =	stream.linear.gather [spmem:s14], $0x2800, $0x38;
	[tilespmem:$0x1DE20] =	vst v63  }
0xc6: {  	s2 =	sadd.s32 $0x1, s2;
	_ =	swait.ge [sflag:s26], $0x2800  }
0xc7: {  	p0 =	sne.s32 s2, s23;
	[sflag:s26] =	ssyncset.done $0x0  }
.Ltmp2:
0xc8: {  	[sflag:s26] =	ssyncadd.s32 $0xFFFFD800;
	(pc) =	sbr.rel @p0 .LBB2_1-.Ltmp2, $4  }
0xc9: {  	[hbm4b:s22+s4] =	stream.linear.scatter [tilespmem:s25], [sflag:$0x3], $0x2800, $0x38;
	[tilespmem:$0x1DE20] =	vst v63  }
0xca: {  	_ =	swait.ge [sflag:s26], $0x2800  }
0xcb: {  	[sflag:s26] =	ssyncset.done $0x0  }
0xcc: {  	[sflag:s26] =	ssyncadd.s32 $0xFFFFD800  }
0xcd: {  	_ =	sfence.sel $0x180000  }
0xce: {  	[bflag:$0x0] =	sbarrier.arrive $0xFFFF  }
0xcf: {  	_ =	strace $0x9000004A  }
0xd0: {  	s0 =	stileid.u32;
	[bflag:$0x2] =	sbarrier.arrive $0xFFFF  }
0xd1: {  	p0 =	sne.s32 s0, $0x0;
	s0 =	rddreg [dreg:$0x5]  }
0xd2: {  	s0 =	sadd.s32 @!p0 $0x100000, s0  }
0xd3: {  	[sflag:s0] =	ssyncadd.tile.s32 @!p0 $0x1;
	_ =	shalt  }
.Lfunc_end2:
_tile_overlayer_lowered:
.L_overlay_start_2:
0xd4: {  	(tag) =	ssettag $0x2  }
0xd5: {  	s0 =	rddreg [dreg:$0x0];
	s2 =	stileid.u32  }
0xd6: {  	s1 =	rddreg [dreg:$0x1];
	p0 =	sne.s32 s2, $0x0  }
0xd7: {  	s3 =	rddreg [dreg:$0x2];
	[bflag:$0x3] =	sbarrier.arrive $0xFFFF;
	s2 =	simm.s32 @!p0 $0x1C03  }
0xd8: {  	[timem:s3], [sflag:s2] =	dma.local @!p0 [hbm:s0], s1  }
0xd9: {  	s0 =	simm.s32 @!p0 $0x3  }
0xda: {  	_ =	swait.ge @!p0 [sflag:s0], s1  }
0xdb: {  	s1 =	ssub.s32 @!p0 $0x0, s1;
	[sflag:s0] =	ssyncset.done @!p0 $0x0  }
0xdc: {  	[sflag:s0] =	ssyncadd.s32 @!p0 s1  }
0xdd: {  	[bflag:$0x3] =	sbarrier.arrive $0xFFFF  }
0xde: {  	_ =	shalt  }

</sc_bundles>
